<compile_context>
chip_gen: v7x
topology: tpu7x:2x2x1
jax: 0.10.2.dev20260603
libtpu: 0.0.44.dev20260713+nightly
codegen_flags: <defaults>
</compile_context>

<pallas_src>
import functools

import jax
import jax.numpy as jnp
from jax import lax
from jax.experimental import pallas as pl
from jax.experimental.pallas import tpu as pltpu
from jax.experimental.pallas import tpu_sc as plsc

_NC = 2
_NS = 16
_NW = _NC * _NS
_LANES = 128
_K = 2
_HALVES = 2


def _relmm_body(h_ref, w_ref, t_ref):
    t_ref[...] = jnp.dot(h_ref[...], w_ref[0],
                         preferred_element_type=jnp.float32)


def _rel_transform(h, W, bn=10000):
    n, d = h.shape
    r = W.shape[0]
    nb = n // bn
    return pl.pallas_call(
        _relmm_body,
        grid=(nb, r),
        in_specs=[
            pl.BlockSpec((bn, d), lambda i, j: (i, 0)),
            pl.BlockSpec((1, d, d), lambda i, j: (j, 0, 0)),
        ],
        out_specs=pl.BlockSpec((bn, d), lambda i, j: (j * nb + i, 0)),
        out_shape=jax.ShapeDtypeStruct((r * n, d), jnp.float32),
    )(h, W)


def _combine_body(p0_ref, p1_ref, h_ref, wl_ref, b_ref, o_ref, *, act):
    out = (p0_ref[...] + p1_ref[...]
           + jnp.dot(h_ref[...], wl_ref[...],
                     preferred_element_type=jnp.float32)
           + b_ref[...])
    if act:
        out = jnp.maximum(out, 0.0)
    o_ref[...] = out


def _combine(p0, p1, h, Wl, b, act, bn=5000):
    n, d = h.shape
    nb = n // bn
    return pl.pallas_call(
        functools.partial(_combine_body, act=act),
        grid=(nb,),
        in_specs=[
            pl.BlockSpec((bn, d), lambda i: (i, 0)),
            pl.BlockSpec((bn, d), lambda i: (i, 0)),
            pl.BlockSpec((bn, d), lambda i: (i, 0)),
            pl.BlockSpec((d, d), lambda i: (0, 0)),
            pl.BlockSpec((1, d), lambda i: (0, 0)),
        ],
        out_specs=pl.BlockSpec((bn, d), lambda i: (i, 0)),
        out_shape=jax.ShapeDtypeStruct((n, d), jnp.float32),
    )(p0, p1, h, Wl, b.reshape(1, d))


def _fused_body(p0_ref, p1_ref, h_ref, wl_ref, b_ref, wn_ref,
                t_ref, ho_ref, out_scr):
    r = pl.program_id(0)

    @pl.when(r == 0)
    def _():
        out = jnp.maximum(
            p0_ref[...] + p1_ref[...]
            + jnp.dot(h_ref[...], wl_ref[...],
                      preferred_element_type=jnp.float32)
            + b_ref[...], 0.0)
        out_scr[...] = out
        ho_ref[...] = out

    t_ref[...] = jnp.dot(out_scr[...], wn_ref[0],
                         preferred_element_type=jnp.float32)


def _combine_transform(p0, p1, h, Wl, b, Wn):
    n, d = h.shape
    r = Wn.shape[0]
    return pl.pallas_call(
        _fused_body,
        grid=(r,),
        in_specs=[
            pl.BlockSpec((n, d), lambda j: (0, 0)),
            pl.BlockSpec((n, d), lambda j: (0, 0)),
            pl.BlockSpec((n, d), lambda j: (0, 0)),
            pl.BlockSpec((d, d), lambda j: (0, 0)),
            pl.BlockSpec((1, d), lambda j: (0, 0)),
            pl.BlockSpec((1, d, d), lambda j: (j, 0, 0)),
        ],
        out_specs=(pl.BlockSpec((n, d), lambda j: (j, 0)),
                   pl.BlockSpec((n, d), lambda j: (0, 0))),
        out_shape=(jax.ShapeDtypeStruct((r * n, d), jnp.float32),
                   jax.ShapeDtypeStruct((n, d), jnp.float32)),
        scratch_shapes=[pltpu.VMEM((n, d), jnp.float32)],
    )(p0, p1, h, Wl, b.reshape(1, d), Wn)


def _sc_edge_pass(t, gidx2, dst2, zinit, npad):
    erows = gidx2.shape[0]
    d = t.shape[1]
    rows_per_w = erows // _NW
    half = rows_per_w // _HALVES
    rows_per_tile = npad // _NS

    mesh = plsc.VectorSubcoreMesh(core_axis_name="c", subcore_axis_name="s",
                                  num_cores=_NC, num_subcores=_NS)

    @functools.partial(
        pl.kernel,
        out_type=(jax.ShapeDtypeStruct((npad, d), jnp.float32),
                  jax.ShapeDtypeStruct((npad, d), jnp.float32)),
        mesh=mesh,
        scratch_types=[
            pltpu.VMEM((half, _LANES), jnp.int32),
            pltpu.VMEM((half, _LANES), jnp.int32),
            pltpu.VMEM((_K * _LANES, d), jnp.float32),
            pltpu.VMEM_SHARED((npad, d), jnp.float32),
            pltpu.SemaphoreType.DMA,
            pltpu.SemaphoreType.DMA,
        ],
    )
    def k(t_hbm, g_hbm, d_hbm, z_hbm, out0, out1, gbuf, dbuf, ring, acc,
          gsem, ssem):
        c = lax.axis_index("c")
        s = lax.axis_index("s")
        wid = s * _NC + c
        zb = s * rows_per_tile
        base = wid * rows_per_w

        def slot_of(j):
            return (j % _K) * _LANES

        def gather_wait(j):
            pltpu.make_async_copy(
                t_hbm.at[gbuf.at[j]],
                ring.at[pl.ds(slot_of(j), _LANES)], gsem).wait()

        def scatter_fire(j):
            pltpu.async_copy(ring.at[pl.ds(slot_of(j), _LANES)],
                             acc.at[dbuf.at[j]], ssem, add=True)

        def scatter_wait(j):
            pltpu.make_async_copy(ring.at[pl.ds(slot_of(j), _LANES)],
                                  acc.at[dbuf.at[j]], ssem).wait()

        for hh in range(_HALVES):
            h0 = base + hh * half
            pltpu.sync_copy(g_hbm.at[pl.ds(h0, half)], gbuf)
            pltpu.sync_copy(d_hbm.at[pl.ds(h0, half)], dbuf)
            for j in range(_K):
                pltpu.async_copy(t_hbm.at[gbuf.at[j]],
                                 ring.at[pl.ds(slot_of(j), _LANES)], gsem)
            if hh == 0:
                pltpu.sync_copy(z_hbm, acc.at[pl.ds(zb, rows_per_tile)])
                plsc.subcore_barrier()
            gather_wait(0)
            scatter_fire(0)

            def step(jm1, carry):
                j = jm1 + 1
                scatter_wait(j - 1)

                @pl.when(j + 1 < half)
                def _():
                    pltpu.async_copy(
                        t_hbm.at[gbuf.at[j + 1]],
                        ring.at[pl.ds(slot_of(j + 1), _LANES)], gsem)

                gather_wait(j)
                scatter_fire(j)
                return carry

            lax.fori_loop(0, half - 1, step, 0)
            scatter_wait(half - 1)
        plsc.subcore_barrier()

        @pl.when(c == 0)
        def _():
            pltpu.sync_copy(acc.at[pl.ds(zb, rows_per_tile)],
                            out0.at[pl.ds(zb, rows_per_tile)])

        @pl.when(c == 1)
        def _():
            pltpu.sync_copy(acc.at[pl.ds(zb, rows_per_tile)],
                            out1.at[pl.ds(zb, rows_per_tile)])

    return k(t, gidx2, dst2, zinit)


def kernel(x, edge_index, edge_type, W0, Wl0, b0, W1, Wl1, b1, W2, Wl2, b2):
    n, d = x.shape
    e = edge_type.shape[0]

    src = edge_index[0]
    dst = edge_index[1]
    gidx = edge_type * n + src

    npad = ((n + _NS) + (_NS * 8) - 1) // (_NS * 8) * (_NS * 8)
    zinit = jnp.zeros((npad // _NS, d), jnp.float32)

    group = _LANES * _HALVES * _K * _NW
    ep = ((e + group - 1) // group) * group
    erows = ep // _LANES
    npd = ep - e
    pad_cycle = jnp.arange(npd, dtype=jnp.int32)
    gidx2 = jnp.concatenate(
        [gidx, pad_cycle % _LANES]).reshape(erows, _LANES)
    dst2 = jnp.concatenate(
        [dst, n + pad_cycle % (npad - n)]).reshape(erows, _LANES)

    t = _rel_transform(x, W0)
    p0, p1 = _sc_edge_pass(t, gidx2, dst2, zinit, npad)
    t, h = _combine_transform(p0, p1, x, Wl0, b0, W1)
    p0, p1 = _sc_edge_pass(t, gidx2, dst2, zinit, npad)
    t, h = _combine_transform(p0, p1, h, Wl1, b1, W2)
    p0, p1 = _sc_edge_pass(t, gidx2, dst2, zinit, npad)
    return _combine(p0, p1, h, Wl2, b2, False)

# --- scband reference (transcript-rebuilt; emitter-appended) ---
"""Pipeline reference for scband-embedder-24472723653223 (READ-ONLY COPY).

The authoritative reference and input builder live on the scoring server;
editing this copy changes nothing except your own understanding.
"""

import jax, jax.numpy as jnp
import numpy as np

N = 10000
E = 320000
D = 128
R = 19


def setup_inputs(seed: int = 0) -> dict:
    key = jax.random.key(seed)
    ks = jax.random.split(key, 12)
    x = jax.random.normal(ks[0], (N, D), dtype=jnp.float32)
    edge_index = jax.random.randint(ks[1], (2, E), 0, N, dtype=jnp.int32)
    edge_type = jax.random.randint(ks[2], (E,), 0, R, dtype=jnp.int32)
    s = 1.0 / np.sqrt(D)
    inp = {"x": x, "edge_index": edge_index, "edge_type": edge_type}
    for i in range(3):
        inp[f"W{i}"] = jax.random.normal(ks[3 + 3 * i], (R, D, D), dtype=jnp.float32) * s
        inp[f"Wl{i}"] = jax.random.normal(ks[4 + 3 * i], (D, D), dtype=jnp.float32) * s
        inp[f"b{i}"] = jnp.zeros((D,), dtype=jnp.float32)
    return inp


def _rel_graph_conv(h, edge_index, edge_type, W, Wl, b, act):
    # per-relation transform of all nodes: [R, N, D_out]
    t = jnp.einsum('nd,rdo->rno', h, W)
    src = edge_index[0]
    dst = edge_index[1]
    # gather message per edge by (relation, src node)
    msg = t[edge_type, src]  # [E, D_out]
    agg = jax.ops.segment_sum(msg, dst, num_segments=h.shape[0])
    out = agg + h @ Wl + b
    if act:
        out = jax.nn.relu(out)
    return out


def reference(x, edge_index, edge_type, W0, Wl0, b0, W1, Wl1, b1, W2, Wl2, b2):
    h = _rel_graph_conv(x, edge_index, edge_type, W0, Wl0, b0, True)
    h = _rel_graph_conv(h, edge_index, edge_type, W1, Wl1, b1, True)
    h = _rel_graph_conv(h, edge_index, edge_type, W2, Wl2, b2, False)
    return h

if __name__ == "__main__":
    import jax
    _d = setup_inputs()
    print(jax.jit(kernel)(*tuple(_d.values())))

</pallas_src>

<mosaic_0001>
#map = affine_map<(d0, d1) -> (0, 0)>
module attributes {stable_mosaic.version = 14 : i64} {
  func.func @k(%arg0: i32, %arg1: i32, %arg2: memref<190000x128xf32, #tpu.memory_space<hbm>>, %arg3: memref<2560x128xi32, #tpu.memory_space<hbm>>, %arg4: memref<2560x128xi32, #tpu.memory_space<hbm>>, %arg5: memref<632x128xf32, #tpu.memory_space<hbm>>, %arg6: memref<10112x128xf32, #tpu.memory_space<hbm>>, %arg7: memref<10112x128xf32, #tpu.memory_space<hbm>>, %arg8: memref<40x128xi32, #tpu.memory_space<vmem>>, %arg9: memref<40x128xi32, #tpu.memory_space<vmem>>, %arg10: memref<256x128xf32, #tpu.memory_space<vmem>>, %arg11: memref<10112x128xf32, #tpu.memory_space<vmem_shared>>, %arg12: memref<!tpu.dma_semaphore, #tpu.memory_space<semaphore_mem>>, %arg13: memref<!tpu.dma_semaphore, #tpu.memory_space<semaphore_mem>>) attributes {dimension_semantics = [#tpu.dimension_semantics<core_parallel>, #tpu.dimension_semantics<subcore_parallel>], iteration_bounds = array<i64: 2, 16>, scalar_prefetch = 0 : i64, scratch_operands = 6 : i64, tpu.core_type = #tpu.core_type<sc_vector_subcore>, window_params = [{transform_indices = #map}, {transform_indices = #map}, {transform_indices = #map}, {transform_indices = #map}, {transform_indices = #map}, {transform_indices = #map}]} {
    %mul3A = arith.constant 2 : i32
    %mul3A_0 = arith.muli %arg1, %mul3A : i32
    %add3A = arith.addi %mul3A_0, %arg0 : i32
    %mul3A_1 = arith.constant 632 : i32
    %mul3A_2 = arith.muli %arg1, %mul3A_1 : i32
    %mul3A_3 = arith.constant 80 : i32
    %mul3A_4 = arith.muli %add3A, %mul3A_3 : i32
    %add3A_5 = arith.constant 0 : i32
    %add3A_6 = arith.addi %mul3A_4, %add3A_5 : i32
    "tpu.region"() ({
      %run_scoped3A = tpu.sem_alloc : memref<!tpu.dma_semaphore, #tpu.memory_space<semaphore_mem>>
      %dma_start3A_126 = arith.constant 0 : i32
      %dma_start3A_127 = tpu.memref_slice %arg3[%add3A_6, %dma_start3A_126] : memref<2560x128xi32, #tpu.memory_space<hbm>> -> memref<40x128xi32, #tpu.memory_space<hbm>>
      %dma_start3A_128 = arith.constant 0 : i32
      %dma_start3A_129 = tpu.memref_slice %arg3[%add3A_6, %dma_start3A_128] : memref<2560x128xi32, #tpu.memory_space<hbm>> -> memref<40x128xi32, #tpu.memory_space<hbm>>
      tpu.enqueue_dma source(%dma_start3A_129 : memref<40x128xi32, #tpu.memory_space<hbm>>) target(%arg8 : memref<40x128xi32, #tpu.memory_space<vmem>>) target_semaphore(%run_scoped3A : memref<!tpu.dma_semaphore, #tpu.memory_space<semaphore_mem>>)
      %dma_wait3A_130 = arith.constant 0 : i32
      %dma_wait3A_131 = tpu.memref_slice %arg3[%add3A_6, %dma_wait3A_130] : memref<2560x128xi32, #tpu.memory_space<hbm>> -> memref<40x128xi32, #tpu.memory_space<hbm>>
      %dma_wait3A_132 = arith.constant 0 : i32
      %dma_wait3A_133 = tpu.memref_slice %arg3[%add3A_6, %dma_wait3A_132] : memref<2560x128xi32, #tpu.memory_space<hbm>> -> memref<40x128xi32, #tpu.memory_space<hbm>>
      tpu.wait_dma2 semaphore(%run_scoped3A : memref<!tpu.dma_semaphore, #tpu.memory_space<semaphore_mem>>) src(%dma_wait3A_133 : memref<40x128xi32, #tpu.memory_space<hbm>>) dst(%arg8 : memref<40x128xi32, #tpu.memory_space<vmem>>)
      tpu.yield
    }) : () -> ()
    "tpu.region"() ({
      %run_scoped3A = tpu.sem_alloc : memref<!tpu.dma_semaphore, #tpu.memory_space<semaphore_mem>>
      %dma_start3A_126 = arith.constant 0 : i32
      %dma_start3A_127 = tpu.memref_slice %arg4[%add3A_6, %dma_start3A_126] : memref<2560x128xi32, #tpu.memory_space<hbm>> -> memref<40x128xi32, #tpu.memory_space<hbm>>
      %dma_start3A_128 = arith.constant 0 : i32
      %dma_start3A_129 = tpu.memref_slice %arg4[%add3A_6, %dma_start3A_128] : memref<2560x128xi32, #tpu.memory_space<hbm>> -> memref<40x128xi32, #tpu.memory_space<hbm>>
      tpu.enqueue_dma source(%dma_start3A_129 : memref<40x128xi32, #tpu.memory_space<hbm>>) target(%arg9 : memref<40x128xi32, #tpu.memory_space<vmem>>) target_semaphore(%run_scoped3A : memref<!tpu.dma_semaphore, #tpu.memory_space<semaphore_mem>>)
      %dma_wait3A_130 = arith.constant 0 : i32
      %dma_wait3A_131 = tpu.memref_slice %arg4[%add3A_6, %dma_wait3A_130] : memref<2560x128xi32, #tpu.memory_space<hbm>> -> memref<40x128xi32, #tpu.memory_space<hbm>>
      %dma_wait3A_132 = arith.constant 0 : i32
      %dma_wait3A_133 = tpu.memref_slice %arg4[%add3A_6, %dma_wait3A_132] : memref<2560x128xi32, #tpu.memory_space<hbm>> -> memref<40x128xi32, #tpu.memory_space<hbm>>
      tpu.wait_dma2 semaphore(%run_scoped3A : memref<!tpu.dma_semaphore, #tpu.memory_space<semaphore_mem>>) src(%dma_wait3A_133 : memref<40x128xi32, #tpu.memory_space<hbm>>) dst(%arg9 : memref<40x128xi32, #tpu.memory_space<vmem>>)
      tpu.yield
    }) : () -> ()
    %dma_start3A = arith.constant 0 : i32
    %dma_start3A_7 = arith.constant 0 : i32
    %dma_start3A_8 = arith.constant 0 : i32
    %dma_start3A_9 = tpu.memref_slice %arg10[%dma_start3A_7, %dma_start3A_8] : memref<256x128xf32, #tpu.memory_space<vmem>> -> memref<128x128xf32, #tpu.memory_space<vmem>>
    %dma_start3A_10 = arith.constant 0 : i32
    %dma_start3A_11 = tpu.memref_slice %arg8[%dma_start3A, %dma_start3A_10] : memref<40x128xi32, #tpu.memory_space<vmem>> -> memref<1x128xi32, #tpu.memory_space<vmem>>
    %dma_start3A_12 = tpu.memref_squeeze %dma_start3A_11 : memref<1x128xi32, #tpu.memory_space<vmem>> -> memref<128xi32, #tpu.memory_space<vmem>>
    %dma_start3A_13 = arith.constant 0 : i32
    %dma_start3A_14 = arith.constant 0 : i32
    %dma_start3A_15 = tpu.memref_slice %arg2[%dma_start3A_13, %dma_start3A_14] : memref<190000x128xf32, #tpu.memory_space<hbm>> -> memref<190000x128xf32, #tpu.memory_space<hbm>>
    tpu.enqueue_indirect_dma source(%dma_start3A_15 : memref<190000x128xf32, #tpu.memory_space<hbm>>) target(%dma_start3A_9 : memref<128x128xf32, #tpu.memory_space<vmem>>) offsets(%dma_start3A_12 : memref<128xi32, #tpu.memory_space<vmem>>) semaphore(%arg12 : memref<!tpu.dma_semaphore, #tpu.memory_space<semaphore_mem>>)
    %dma_start3A_16 = arith.constant 1 : i32
    %dma_start3A_17 = arith.constant 128 : i32
    %dma_start3A_18 = arith.constant 0 : i32
    %dma_start3A_19 = tpu.memref_slice %arg10[%dma_start3A_17, %dma_start3A_18] : memref<256x128xf32, #tpu.memory_space<vmem>> -> memref<128x128xf32, #tpu.memory_space<vmem>>
    %dma_start3A_20 = arith.constant 0 : i32
    %dma_start3A_21 = tpu.memref_slice %arg8[%dma_start3A_16, %dma_start3A_20] : memref<40x128xi32, #tpu.memory_space<vmem>> -> memref<1x128xi32, #tpu.memory_space<vmem>>
    %dma_start3A_22 = tpu.memref_squeeze %dma_start3A_21 : memref<1x128xi32, #tpu.memory_space<vmem>> -> memref<128xi32, #tpu.memory_space<vmem>>
    %dma_start3A_23 = arith.constant 0 : i32
    %dma_start3A_24 = arith.constant 0 : i32
    %dma_start3A_25 = tpu.memref_slice %arg2[%dma_start3A_23, %dma_start3A_24] : memref<190000x128xf32, #tpu.memory_space<hbm>> -> memref<190000x128xf32, #tpu.memory_space<hbm>>
    tpu.enqueue_indirect_dma source(%dma_start3A_25 : memref<190000x128xf32, #tpu.memory_space<hbm>>) target(%dma_start3A_19 : memref<128x128xf32, #tpu.memory_space<vmem>>) offsets(%dma_start3A_22 : memref<128xi32, #tpu.memory_space<vmem>>) semaphore(%arg12 : memref<!tpu.dma_semaphore, #tpu.memory_space<semaphore_mem>>)
    "tpu.region"() ({
      %run_scoped3A = tpu.sem_alloc : memref<!tpu.dma_semaphore, #tpu.memory_space<semaphore_mem>>
      %dma_start3A_126 = arith.constant 0 : i32
      %dma_start3A_127 = tpu.memref_slice %arg11[%mul3A_2, %dma_start3A_126] : memref<10112x128xf32, #tpu.memory_space<vmem_shared>> -> memref<632x128xf32, #tpu.memory_space<vmem_shared>>
      tpu.enqueue_dma source(%arg5 : memref<632x128xf32, #tpu.memory_space<hbm>>) target(%dma_start3A_127 : memref<632x128xf32, #tpu.memory_space<vmem_shared>>) target_semaphore(%run_scoped3A : memref<!tpu.dma_semaphore, #tpu.memory_space<semaphore_mem>>)
      %dma_wait3A_128 = arith.constant 0 : i32
      %dma_wait3A_129 = tpu.memref_slice %arg11[%mul3A_2, %dma_wait3A_128] : memref<10112x128xf32, #tpu.memory_space<vmem_shared>> -> memref<632x128xf32, #tpu.memory_space<vmem_shared>>
      tpu.wait_dma2 semaphore(%run_scoped3A : memref<!tpu.dma_semaphore, #tpu.memory_space<semaphore_mem>>) src(%arg5 : memref<632x128xf32, #tpu.memory_space<hbm>>) dst(%dma_wait3A_129 : memref<632x128xf32, #tpu.memory_space<vmem_shared>>)
      tpu.yield
    }) : () -> ()
    %barrier3A = arith.constant 0 : index
    tpu.barrier barrier_id(%barrier3A)
    %dma_wait3A = arith.constant 0 : i32
    %dma_wait3A_26 = arith.constant 0 : i32
    %dma_wait3A_27 = arith.constant 0 : i32
    %dma_wait3A_28 = tpu.memref_slice %arg10[%dma_wait3A_26, %dma_wait3A_27] : memref<256x128xf32, #tpu.memory_space<vmem>> -> memref<128x128xf32, #tpu.memory_space<vmem>>
    %dma_wait3A_29 = arith.constant 0 : i32
    %dma_wait3A_30 = tpu.memref_slice %arg8[%dma_wait3A, %dma_wait3A_29] : memref<40x128xi32, #tpu.memory_space<vmem>> -> memref<1x128xi32, #tpu.memory_space<vmem>>
    %dma_wait3A_31 = tpu.memref_squeeze %dma_wait3A_30 : memref<1x128xi32, #tpu.memory_space<vmem>> -> memref<128xi32, #tpu.memory_space<vmem>>
    %dma_wait3A_32 = arith.constant 0 : i32
    %dma_wait3A_33 = arith.constant 0 : i32
    %dma_wait3A_34 = tpu.memref_slice %arg2[%dma_wait3A_32, %dma_wait3A_33] : memref<190000x128xf32, #tpu.memory_space<hbm>> -> memref<190000x128xf32, #tpu.memory_space<hbm>>
    tpu.wait_indirect_dma semaphore(%arg12 : memref<!tpu.dma_semaphore, #tpu.memory_space<semaphore_mem>>) src(%dma_wait3A_34 : memref<190000x128xf32, #tpu.memory_space<hbm>>) dst(%dma_wait3A_28 : memref<128x128xf32, #tpu.memory_space<vmem>>)
    %dma_start3A_35 = arith.constant 0 : i32
    %dma_start3A_36 = arith.constant 0 : i32
    %dma_start3A_37 = arith.constant 0 : i32
    %dma_start3A_38 = tpu.memref_slice %arg10[%dma_start3A_36, %dma_start3A_37] : memref<256x128xf32, #tpu.memory_space<vmem>> -> memref<128x128xf32, #tpu.memory_space<vmem>>
    %dma_start3A_39 = arith.constant 0 : i32
    %dma_start3A_40 = tpu.memref_slice %arg9[%dma_start3A_35, %dma_start3A_39] : memref<40x128xi32, #tpu.memory_space<vmem>> -> memref<1x128xi32, #tpu.memory_space<vmem>>
    %dma_start3A_41 = tpu.memref_squeeze %dma_start3A_40 : memref<1x128xi32, #tpu.memory_space<vmem>> -> memref<128xi32, #tpu.memory_space<vmem>>
    %dma_start3A_42 = arith.constant 0 : i32
    %dma_start3A_43 = arith.constant 0 : i32
    %dma_start3A_44 = tpu.memref_slice %arg11[%dma_start3A_42, %dma_start3A_43] : memref<10112x128xf32, #tpu.memory_space<vmem_shared>> -> memref<10112x128xf32, #tpu.memory_space<vmem_shared>>
    tpu.enqueue_indirect_dma source(%dma_start3A_38 : memref<128x128xf32, #tpu.memory_space<vmem>>) target(%dma_start3A_44 : memref<10112x128xf32, #tpu.memory_space<vmem_shared>>) offsets(%dma_start3A_41 : memref<128xi32, #tpu.memory_space<vmem>>) semaphore(%arg13 : memref<!tpu.dma_semaphore, #tpu.memory_space<semaphore_mem>>) {add = true}
    %scan3A = arith.constant 0 : i32
    %scan3A_45 = arith.constant 0 : i32
    %scan3A_46 = arith.constant 39 : i32
    %scan3A_47 = arith.addi %scan3A_45, %scan3A_46 : i32
    %scan3A_48 = arith.constant 1 : i32
    scf.for %scan3A_126 = %scan3A_45 to %scan3A_47 step %scan3A_48  : i32 {
      %add3A_127 = arith.constant 1 : i32
      %add3A_128 = arith.addi %scan3A_126, %add3A_127 : i32
      %sub3A = arith.constant 1 : i32
      %sub3A_129 = arith.subi %add3A_128, %sub3A : i32
      %jit3A = arith.constant 2 : i32
      %eq3A_130 = arith.constant 0 : i32
      %eq3A_131 = arith.cmpi eq, %jit3A, %eq3A_130 : i32
      %jit3A_132 = arith.constant 1 : i32
      %select_n3A = arith.select %eq3A_131, %jit3A_132, %jit3A : i32
      %rem3A = arith.remsi %sub3A_129, %select_n3A : i32
      %ne3A = arith.constant 0 : i32
      %ne3A_133 = arith.cmpi ne, %rem3A, %ne3A : i32
      %lt3A = arith.constant 0 : i32
      %lt3A_134 = arith.cmpi slt, %rem3A, %lt3A : i32
      %lt3A_135 = arith.constant 0 : i32
      %lt3A_136 = arith.cmpi slt, %select_n3A, %lt3A_135 : i32
      %ne3A_137 = arith.xori %lt3A_134, %lt3A_136 : i1
      %and3A = arith.andi %ne3A_137, %ne3A_133 : i1
      %add3A_138 = arith.addi %rem3A, %select_n3A : i32
      %select_n3A_139 = arith.select %and3A, %add3A_138, %rem3A : i32
      %mul3A_140 = arith.constant 128 : i32
      %mul3A_141 = arith.muli %select_n3A_139, %mul3A_140 : i32
      %dma_wait3A_142 = arith.constant 0 : i32
      %dma_wait3A_143 = tpu.memref_slice %arg10[%mul3A_141, %dma_wait3A_142] : memref<256x128xf32, #tpu.memory_space<vmem>> -> memref<128x128xf32, #tpu.memory_space<vmem>>
      %dma_wait3A_144 = arith.constant 0 : i32
      %dma_wait3A_145 = tpu.memref_slice %arg9[%sub3A_129, %dma_wait3A_144] : memref<40x128xi32, #tpu.memory_space<vmem>> -> memref<1x128xi32, #tpu.memory_space<vmem>>
      %dma_wait3A_146 = tpu.memref_squeeze %dma_wait3A_145 : memref<1x128xi32, #tpu.memory_space<vmem>> -> memref<128xi32, #tpu.memory_space<vmem>>
      %dma_wait3A_147 = arith.constant 0 : i32
      %dma_wait3A_148 = arith.constant 0 : i32
      %dma_wait3A_149 = tpu.memref_slice %arg11[%dma_wait3A_147, %dma_wait3A_148] : memref<10112x128xf32, #tpu.memory_space<vmem_shared>> -> memref<10112x128xf32, #tpu.memory_space<vmem_shared>>
      tpu.wait_indirect_dma semaphore(%arg13 : memref<!tpu.dma_semaphore, #tpu.memory_space<semaphore_mem>>) src(%dma_wait3A_143 : memref<128x128xf32, #tpu.memory_space<vmem>>) dst(%dma_wait3A_149 : memref<10112x128xf32, #tpu.memory_space<vmem_shared>>)
      %add3A_150 = arith.constant 1 : i32
      %add3A_151 = arith.addi %add3A_128, %add3A_150 : i32
      %lt3A_152 = arith.constant 40 : i32
      %lt3A_153 = arith.cmpi slt, %add3A_151, %lt3A_152 : i32
      %convert_element_type3A_154 = arith.extui %lt3A_153 : i1 to i32
      %cond3A_155 = arith.constant 0 : i32
      %cond3A_156 = arith.cmpi ne, %convert_element_type3A_154, %cond3A_155 : i32
      scf.if %cond3A_156 {
        %add3A_209 = arith.constant 1 : i32
        %add3A_210 = arith.addi %add3A_128, %add3A_209 : i32
        %add3A_211 = arith.constant 1 : i32
        %add3A_212 = arith.addi %add3A_128, %add3A_211 : i32
        %jit3A_213 = arith.constant 2 : i32
        %eq3A_214 = arith.constant 0 : i32
        %eq3A_215 = arith.cmpi eq, %jit3A_213, %eq3A_214 : i32
        %jit3A_216 = arith.constant 1 : i32
        %select_n3A_217 = arith.select %eq3A_215, %jit3A_216, %jit3A_213 : i32
        %rem3A_218 = arith.remsi %add3A_212, %select_n3A_217 : i32
        %ne3A_219 = arith.constant 0 : i32
        %ne3A_220 = arith.cmpi ne, %rem3A_218, %ne3A_219 : i32
        %lt3A_221 = arith.constant 0 : i32
        %lt3A_222 = arith.cmpi slt, %rem3A_218, %lt3A_221 : i32
        %lt3A_223 = arith.constant 0 : i32
        %lt3A_224 = arith.cmpi slt, %select_n3A_217, %lt3A_223 : i32
        %ne3A_225 = arith.xori %lt3A_222, %lt3A_224 : i1
        %and3A_226 = arith.andi %ne3A_225, %ne3A_220 : i1
        %add3A_227 = arith.addi %rem3A_218, %select_n3A_217 : i32
        %select_n3A_228 = arith.select %and3A_226, %add3A_227, %rem3A_218 : i32
        %mul3A_229 = arith.constant 128 : i32
        %mul3A_230 = arith.muli %select_n3A_228, %mul3A_229 : i32
        %dma_start3A_231 = arith.constant 0 : i32
        %dma_start3A_232 = tpu.memref_slice %arg10[%mul3A_230, %dma_start3A_231] : memref<256x128xf32, #tpu.memory_space<vmem>> -> memref<128x128xf32, #tpu.memory_space<vmem>>
        %dma_start3A_233 = arith.constant 0 : i32
        %dma_start3A_234 = tpu.memref_slice %arg8[%add3A_210, %dma_start3A_233] : memref<40x128xi32, #tpu.memory_space<vmem>> -> memref<1x128xi32, #tpu.memory_space<vmem>>
        %dma_start3A_235 = tpu.memref_squeeze %dma_start3A_234 : memref<1x128xi32, #tpu.memory_space<vmem>> -> memref<128xi32, #tpu.memory_space<vmem>>
        %dma_start3A_236 = arith.constant 0 : i32
        %dma_start3A_237 = arith.constant 0 : i32
        %dma_start3A_238 = tpu.memref_slice %arg2[%dma_start3A_236, %dma_start3A_237] : memref<190000x128xf32, #tpu.memory_space<hbm>> -> memref<190000x128xf32, #tpu.memory_space<hbm>>
        tpu.enqueue_indirect_dma source(%dma_start3A_238 : memref<190000x128xf32, #tpu.memory_space<hbm>>) target(%dma_start3A_232 : memref<128x128xf32, #tpu.memory_space<vmem>>) offsets(%dma_start3A_235 : memref<128xi32, #tpu.memory_space<vmem>>) semaphore(%arg12 : memref<!tpu.dma_semaphore, #tpu.memory_space<semaphore_mem>>)
      } else {
      }
      %jit3A_157 = arith.constant 2 : i32
      %eq3A_158 = arith.constant 0 : i32
      %eq3A_159 = arith.cmpi eq, %jit3A_157, %eq3A_158 : i32
      %jit3A_160 = arith.constant 1 : i32
      %select_n3A_161 = arith.select %eq3A_159, %jit3A_160, %jit3A_157 : i32
      %rem3A_162 = arith.remsi %add3A_128, %select_n3A_161 : i32
      %ne3A_163 = arith.constant 0 : i32
      %ne3A_164 = arith.cmpi ne, %rem3A_162, %ne3A_163 : i32
      %lt3A_165 = arith.constant 0 : i32
      %lt3A_166 = arith.cmpi slt, %rem3A_162, %lt3A_165 : i32
      %lt3A_167 = arith.constant 0 : i32
      %lt3A_168 = arith.cmpi slt, %select_n3A_161, %lt3A_167 : i32
      %ne3A_169 = arith.xori %lt3A_166, %lt3A_168 : i1
      %and3A_170 = arith.andi %ne3A_169, %ne3A_164 : i1
      %add3A_171 = arith.addi %rem3A_162, %select_n3A_161 : i32
      %select_n3A_172 = arith.select %and3A_170, %add3A_171, %rem3A_162 : i32
      %mul3A_173 = arith.constant 128 : i32
      %mul3A_174 = arith.muli %select_n3A_172, %mul3A_173 : i32
      %dma_wait3A_175 = arith.constant 0 : i32
      %dma_wait3A_176 = tpu.memref_slice %arg10[%mul3A_174, %dma_wait3A_175] : memref<256x128xf32, #tpu.memory_space<vmem>> -> memref<128x128xf32, #tpu.memory_space<vmem>>
      %dma_wait3A_177 = arith.constant 0 : i32
      %dma_wait3A_178 = tpu.memref_slice %arg8[%add3A_128, %dma_wait3A_177] : memref<40x128xi32, #tpu.memory_space<vmem>> -> memref<1x128xi32, #tpu.memory_space<vmem>>
      %dma_wait3A_179 = tpu.memref_squeeze %dma_wait3A_178 : memref<1x128xi32, #tpu.memory_space<vmem>> -> memref<128xi32, #tpu.memory_space<vmem>>
      %dma_wait3A_180 = arith.constant 0 : i32
      %dma_wait3A_181 = arith.constant 0 : i32
      %dma_wait3A_182 = tpu.memref_slice %arg2[%dma_wait3A_180, %dma_wait3A_181] : memref<190000x128xf32, #tpu.memory_space<hbm>> -> memref<190000x128xf32, #tpu.memory_space<hbm>>
      tpu.wait_indirect_dma semaphore(%arg12 : memref<!tpu.dma_semaphore, #tpu.memory_space<semaphore_mem>>) src(%dma_wait3A_182 : memref<190000x128xf32, #tpu.memory_space<hbm>>) dst(%dma_wait3A_176 : memref<128x128xf32, #tpu.memory_space<vmem>>)
      %jit3A_183 = arith.constant 2 : i32
      %eq3A_184 = arith.constant 0 : i32
      %eq3A_185 = arith.cmpi eq, %jit3A_183, %eq3A_184 : i32
      %jit3A_186 = arith.constant 1 : i32
      %select_n3A_187 = arith.select %eq3A_185, %jit3A_186, %jit3A_183 : i32
      %rem3A_188 = arith.remsi %add3A_128, %select_n3A_187 : i32
      %ne3A_189 = arith.constant 0 : i32
      %ne3A_190 = arith.cmpi ne, %rem3A_188, %ne3A_189 : i32
      %lt3A_191 = arith.constant 0 : i32
      %lt3A_192 = arith.cmpi slt, %rem3A_188, %lt3A_191 : i32
      %lt3A_193 = arith.constant 0 : i32
      %lt3A_194 = arith.cmpi slt, %select_n3A_187, %lt3A_193 : i32
      %ne3A_195 = arith.xori %lt3A_192, %lt3A_194 : i1
      %and3A_196 = arith.andi %ne3A_195, %ne3A_190 : i1
      %add3A_197 = arith.addi %rem3A_188, %select_n3A_187 : i32
      %select_n3A_198 = arith.select %and3A_196, %add3A_197, %rem3A_188 : i32
      %mul3A_199 = arith.constant 128 : i32
      %mul3A_200 = arith.muli %select_n3A_198, %mul3A_199 : i32
      %dma_start3A_201 = arith.constant 0 : i32
      %dma_start3A_202 = tpu.memref_slice %arg10[%mul3A_200, %dma_start3A_201] : memref<256x128xf32, #tpu.memory_space<vmem>> -> memref<128x128xf32, #tpu.memory_space<vmem>>
      %dma_start3A_203 = arith.constant 0 : i32
      %dma_start3A_204 = tpu.memref_slice %arg9[%add3A_128, %dma_start3A_203] : memref<40x128xi32, #tpu.memory_space<vmem>> -> memref<1x128xi32, #tpu.memory_space<vmem>>
      %dma_start3A_205 = tpu.memref_squeeze %dma_start3A_204 : memref<1x128xi32, #tpu.memory_space<vmem>> -> memref<128xi32, #tpu.memory_space<vmem>>
      %dma_start3A_206 = arith.constant 0 : i32
      %dma_start3A_207 = arith.constant 0 : i32
      %dma_start3A_208 = tpu.memref_slice %arg11[%dma_start3A_206, %dma_start3A_207] : memref<10112x128xf32, #tpu.memory_space<vmem_shared>> -> memref<10112x128xf32, #tpu.memory_space<vmem_shared>>
      tpu.enqueue_indirect_dma source(%dma_start3A_202 : memref<128x128xf32, #tpu.memory_space<vmem>>) target(%dma_start3A_208 : memref<10112x128xf32, #tpu.memory_space<vmem_shared>>) offsets(%dma_start3A_205 : memref<128xi32, #tpu.memory_space<vmem>>) semaphore(%arg13 : memref<!tpu.dma_semaphore, #tpu.memory_space<semaphore_mem>>) {add = true}
    }
    %scan3A_49 = arith.constant 39 : i32
    %dma_wait3A_50 = arith.constant 39 : i32
    %dma_wait3A_51 = arith.constant 128 : i32
    %dma_wait3A_52 = arith.constant 0 : i32
    %dma_wait3A_53 = tpu.memref_slice %arg10[%dma_wait3A_51, %dma_wait3A_52] : memref<256x128xf32, #tpu.memory_space<vmem>> -> memref<128x128xf32, #tpu.memory_space<vmem>>
    %dma_wait3A_54 = arith.constant 0 : i32
    %dma_wait3A_55 = tpu.memref_slice %arg9[%dma_wait3A_50, %dma_wait3A_54] : memref<40x128xi32, #tpu.memory_space<vmem>> -> memref<1x128xi32, #tpu.memory_space<vmem>>
    %dma_wait3A_56 = tpu.memref_squeeze %dma_wait3A_55 : memref<1x128xi32, #tpu.memory_space<vmem>> -> memref<128xi32, #tpu.memory_space<vmem>>
    %dma_wait3A_57 = arith.constant 0 : i32
    %dma_wait3A_58 = arith.constant 0 : i32
    %dma_wait3A_59 = tpu.memref_slice %arg11[%dma_wait3A_57, %dma_wait3A_58] : memref<10112x128xf32, #tpu.memory_space<vmem_shared>> -> memref<10112x128xf32, #tpu.memory_space<vmem_shared>>
    tpu.wait_indirect_dma semaphore(%arg13 : memref<!tpu.dma_semaphore, #tpu.memory_space<semaphore_mem>>) src(%dma_wait3A_53 : memref<128x128xf32, #tpu.memory_space<vmem>>) dst(%dma_wait3A_59 : memref<10112x128xf32, #tpu.memory_space<vmem_shared>>)
    %add3A_60 = arith.constant 40 : i32
    %add3A_61 = arith.addi %mul3A_4, %add3A_60 : i32
    "tpu.region"() ({
      %run_scoped3A = tpu.sem_alloc : memref<!tpu.dma_semaphore, #tpu.memory_space<semaphore_mem>>
      %dma_start3A_126 = arith.constant 0 : i32
      %dma_start3A_127 = tpu.memref_slice %arg3[%add3A_61, %dma_start3A_126] : memref<2560x128xi32, #tpu.memory_space<hbm>> -> memref<40x128xi32, #tpu.memory_space<hbm>>
      %dma_start3A_128 = arith.constant 0 : i32
      %dma_start3A_129 = tpu.memref_slice %arg3[%add3A_61, %dma_start3A_128] : memref<2560x128xi32, #tpu.memory_space<hbm>> -> memref<40x128xi32, #tpu.memory_space<hbm>>
      tpu.enqueue_dma source(%dma_start3A_129 : memref<40x128xi32, #tpu.memory_space<hbm>>) target(%arg8 : memref<40x128xi32, #tpu.memory_space<vmem>>) target_semaphore(%run_scoped3A : memref<!tpu.dma_semaphore, #tpu.memory_space<semaphore_mem>>)
      %dma_wait3A_130 = arith.constant 0 : i32
      %dma_wait3A_131 = tpu.memref_slice %arg3[%add3A_61, %dma_wait3A_130] : memref<2560x128xi32, #tpu.memory_space<hbm>> -> memref<40x128xi32, #tpu.memory_space<hbm>>
      %dma_wait3A_132 = arith.constant 0 : i32
      %dma_wait3A_133 = tpu.memref_slice %arg3[%add3A_61, %dma_wait3A_132] : memref<2560x128xi32, #tpu.memory_space<hbm>> -> memref<40x128xi32, #tpu.memory_space<hbm>>
      tpu.wait_dma2 semaphore(%run_scoped3A : memref<!tpu.dma_semaphore, #tpu.memory_space<semaphore_mem>>) src(%dma_wait3A_133 : memref<40x128xi32, #tpu.memory_space<hbm>>) dst(%arg8 : memref<40x128xi32, #tpu.memory_space<vmem>>)
      tpu.yield
    }) : () -> ()
    "tpu.region"() ({
      %run_scoped3A = tpu.sem_alloc : memref<!tpu.dma_semaphore, #tpu.memory_space<semaphore_mem>>
      %dma_start3A_126 = arith.constant 0 : i32
      %dma_start3A_127 = tpu.memref_slice %arg4[%add3A_61, %dma_start3A_126] : memref<2560x128xi32, #tpu.memory_space<hbm>> -> memref<40x128xi32, #tpu.memory_space<hbm>>
      %dma_start3A_128 = arith.constant 0 : i32
      %dma_start3A_129 = tpu.memref_slice %arg4[%add3A_61, %dma_start3A_128] : memref<2560x128xi32, #tpu.memory_space<hbm>> -> memref<40x128xi32, #tpu.memory_space<hbm>>
      tpu.enqueue_dma source(%dma_start3A_129 : memref<40x128xi32, #tpu.memory_space<hbm>>) target(%arg9 : memref<40x128xi32, #tpu.memory_space<vmem>>) target_semaphore(%run_scoped3A : memref<!tpu.dma_semaphore, #tpu.memory_space<semaphore_mem>>)
      %dma_wait3A_130 = arith.constant 0 : i32
      %dma_wait3A_131 = tpu.memref_slice %arg4[%add3A_61, %dma_wait3A_130] : memref<2560x128xi32, #tpu.memory_space<hbm>> -> memref<40x128xi32, #tpu.memory_space<hbm>>
      %dma_wait3A_132 = arith.constant 0 : i32
      %dma_wait3A_133 = tpu.memref_slice %arg4[%add3A_61, %dma_wait3A_132] : memref<2560x128xi32, #tpu.memory_space<hbm>> -> memref<40x128xi32, #tpu.memory_space<hbm>>
      tpu.wait_dma2 semaphore(%run_scoped3A : memref<!tpu.dma_semaphore, #tpu.memory_space<semaphore_mem>>) src(%dma_wait3A_133 : memref<40x128xi32, #tpu.memory_space<hbm>>) dst(%arg9 : memref<40x128xi32, #tpu.memory_space<vmem>>)
      tpu.yield
    }) : () -> ()
    %dma_start3A_62 = arith.constant 0 : i32
    %dma_start3A_63 = arith.constant 0 : i32
    %dma_start3A_64 = arith.constant 0 : i32
    %dma_start3A_65 = tpu.memref_slice %arg10[%dma_start3A_63, %dma_start3A_64] : memref<256x128xf32, #tpu.memory_space<vmem>> -> memref<128x128xf32, #tpu.memory_space<vmem>>
    %dma_start3A_66 = arith.constant 0 : i32
    %dma_start3A_67 = tpu.memref_slice %arg8[%dma_start3A_62, %dma_start3A_66] : memref<40x128xi32, #tpu.memory_space<vmem>> -> memref<1x128xi32, #tpu.memory_space<vmem>>
    %dma_start3A_68 = tpu.memref_squeeze %dma_start3A_67 : memref<1x128xi32, #tpu.memory_space<vmem>> -> memref<128xi32, #tpu.memory_space<vmem>>
    %dma_start3A_69 = arith.constant 0 : i32
    %dma_start3A_70 = arith.constant 0 : i32
    %dma_start3A_71 = tpu.memref_slice %arg2[%dma_start3A_69, %dma_start3A_70] : memref<190000x128xf32, #tpu.memory_space<hbm>> -> memref<190000x128xf32, #tpu.memory_space<hbm>>
    tpu.enqueue_indirect_dma source(%dma_start3A_71 : memref<190000x128xf32, #tpu.memory_space<hbm>>) target(%dma_start3A_65 : memref<128x128xf32, #tpu.memory_space<vmem>>) offsets(%dma_start3A_68 : memref<128xi32, #tpu.memory_space<vmem>>) semaphore(%arg12 : memref<!tpu.dma_semaphore, #tpu.memory_space<semaphore_mem>>)
    %dma_start3A_72 = arith.constant 1 : i32
    %dma_start3A_73 = arith.constant 128 : i32
    %dma_start3A_74 = arith.constant 0 : i32
    %dma_start3A_75 = tpu.memref_slice %arg10[%dma_start3A_73, %dma_start3A_74] : memref<256x128xf32, #tpu.memory_space<vmem>> -> memref<128x128xf32, #tpu.memory_space<vmem>>
    %dma_start3A_76 = arith.constant 0 : i32
    %dma_start3A_77 = tpu.memref_slice %arg8[%dma_start3A_72, %dma_start3A_76] : memref<40x128xi32, #tpu.memory_space<vmem>> -> memref<1x128xi32, #tpu.memory_space<vmem>>
    %dma_start3A_78 = tpu.memref_squeeze %dma_start3A_77 : memref<1x128xi32, #tpu.memory_space<vmem>> -> memref<128xi32, #tpu.memory_space<vmem>>
    %dma_start3A_79 = arith.constant 0 : i32
    %dma_start3A_80 = arith.constant 0 : i32
    %dma_start3A_81 = tpu.memref_slice %arg2[%dma_start3A_79, %dma_start3A_80] : memref<190000x128xf32, #tpu.memory_space<hbm>> -> memref<190000x128xf32, #tpu.memory_space<hbm>>
    tpu.enqueue_indirect_dma source(%dma_start3A_81 : memref<190000x128xf32, #tpu.memory_space<hbm>>) target(%dma_start3A_75 : memref<128x128xf32, #tpu.memory_space<vmem>>) offsets(%dma_start3A_78 : memref<128xi32, #tpu.memory_space<vmem>>) semaphore(%arg12 : memref<!tpu.dma_semaphore, #tpu.memory_space<semaphore_mem>>)
    %dma_wait3A_82 = arith.constant 0 : i32
    %dma_wait3A_83 = arith.constant 0 : i32
    %dma_wait3A_84 = arith.constant 0 : i32
    %dma_wait3A_85 = tpu.memref_slice %arg10[%dma_wait3A_83, %dma_wait3A_84] : memref<256x128xf32, #tpu.memory_space<vmem>> -> memref<128x128xf32, #tpu.memory_space<vmem>>
    %dma_wait3A_86 = arith.constant 0 : i32
    %dma_wait3A_87 = tpu.memref_slice %arg8[%dma_wait3A_82, %dma_wait3A_86] : memref<40x128xi32, #tpu.memory_space<vmem>> -> memref<1x128xi32, #tpu.memory_space<vmem>>
    %dma_wait3A_88 = tpu.memref_squeeze %dma_wait3A_87 : memref<1x128xi32, #tpu.memory_space<vmem>> -> memref<128xi32, #tpu.memory_space<vmem>>
    %dma_wait3A_89 = arith.constant 0 : i32
    %dma_wait3A_90 = arith.constant 0 : i32
    %dma_wait3A_91 = tpu.memref_slice %arg2[%dma_wait3A_89, %dma_wait3A_90] : memref<190000x128xf32, #tpu.memory_space<hbm>> -> memref<190000x128xf32, #tpu.memory_space<hbm>>
    tpu.wait_indirect_dma semaphore(%arg12 : memref<!tpu.dma_semaphore, #tpu.memory_space<semaphore_mem>>) src(%dma_wait3A_91 : memref<190000x128xf32, #tpu.memory_space<hbm>>) dst(%dma_wait3A_85 : memref<128x128xf32, #tpu.memory_space<vmem>>)
    %dma_start3A_92 = arith.constant 0 : i32
    %dma_start3A_93 = arith.constant 0 : i32
    %dma_start3A_94 = arith.constant 0 : i32
    %dma_start3A_95 = tpu.memref_slice %arg10[%dma_start3A_93, %dma_start3A_94] : memref<256x128xf32, #tpu.memory_space<vmem>> -> memref<128x128xf32, #tpu.memory_space<vmem>>
    %dma_start3A_96 = arith.constant 0 : i32
    %dma_start3A_97 = tpu.memref_slice %arg9[%dma_start3A_92, %dma_start3A_96] : memref<40x128xi32, #tpu.memory_space<vmem>> -> memref<1x128xi32, #tpu.memory_space<vmem>>
    %dma_start3A_98 = tpu.memref_squeeze %dma_start3A_97 : memref<1x128xi32, #tpu.memory_space<vmem>> -> memref<128xi32, #tpu.memory_space<vmem>>
    %dma_start3A_99 = arith.constant 0 : i32
    %dma_start3A_100 = arith.constant 0 : i32
    %dma_start3A_101 = tpu.memref_slice %arg11[%dma_start3A_99, %dma_start3A_100] : memref<10112x128xf32, #tpu.memory_space<vmem_shared>> -> memref<10112x128xf32, #tpu.memory_space<vmem_shared>>
    tpu.enqueue_indirect_dma source(%dma_start3A_95 : memref<128x128xf32, #tpu.memory_space<vmem>>) target(%dma_start3A_101 : memref<10112x128xf32, #tpu.memory_space<vmem_shared>>) offsets(%dma_start3A_98 : memref<128xi32, #tpu.memory_space<vmem>>) semaphore(%arg13 : memref<!tpu.dma_semaphore, #tpu.memory_space<semaphore_mem>>) {add = true}
    %scan3A_102 = arith.constant 0 : i32
    %scan3A_103 = arith.constant 0 : i32
    %scan3A_104 = arith.constant 39 : i32
    %scan3A_105 = arith.addi %scan3A_103, %scan3A_104 : i32
    %scan3A_106 = arith.constant 1 : i32
    scf.for %scan3A_126 = %scan3A_103 to %scan3A_105 step %scan3A_106  : i32 {
      %add3A_127 = arith.constant 1 : i32
      %add3A_128 = arith.addi %scan3A_126, %add3A_127 : i32
      %sub3A = arith.constant 1 : i32
      %sub3A_129 = arith.subi %add3A_128, %sub3A : i32
      %jit3A = arith.constant 2 : i32
      %eq3A_130 = arith.constant 0 : i32
      %eq3A_131 = arith.cmpi eq, %jit3A, %eq3A_130 : i32
      %jit3A_132 = arith.constant 1 : i32
      %select_n3A = arith.select %eq3A_131, %jit3A_132, %jit3A : i32
      %rem3A = arith.remsi %sub3A_129, %select_n3A : i32
      %ne3A = arith.constant 0 : i32
      %ne3A_133 = arith.cmpi ne, %rem3A, %ne3A : i32
      %lt3A = arith.constant 0 : i32
      %lt3A_134 = arith.cmpi slt, %rem3A, %lt3A : i32
      %lt3A_135 = arith.constant 0 : i32
      %lt3A_136 = arith.cmpi slt, %select_n3A, %lt3A_135 : i32
      %ne3A_137 = arith.xori %lt3A_134, %lt3A_136 : i1
      %and3A = arith.andi %ne3A_137, %ne3A_133 : i1
      %add3A_138 = arith.addi %rem3A, %select_n3A : i32
      %select_n3A_139 = arith.select %and3A, %add3A_138, %rem3A : i32
      %mul3A_140 = arith.constant 128 : i32
      %mul3A_141 = arith.muli %select_n3A_139, %mul3A_140 : i32
      %dma_wait3A_142 = arith.constant 0 : i32
      %dma_wait3A_143 = tpu.memref_slice %arg10[%mul3A_141, %dma_wait3A_142] : memref<256x128xf32, #tpu.memory_space<vmem>> -> memref<128x128xf32, #tpu.memory_space<vmem>>
      %dma_wait3A_144 = arith.constant 0 : i32
      %dma_wait3A_145 = tpu.memref_slice %arg9[%sub3A_129, %dma_wait3A_144] : memref<40x128xi32, #tpu.memory_space<vmem>> -> memref<1x128xi32, #tpu.memory_space<vmem>>
      %dma_wait3A_146 = tpu.memref_squeeze %dma_wait3A_145 : memref<1x128xi32, #tpu.memory_space<vmem>> -> memref<128xi32, #tpu.memory_space<vmem>>
      %dma_wait3A_147 = arith.constant 0 : i32
      %dma_wait3A_148 = arith.constant 0 : i32
      %dma_wait3A_149 = tpu.memref_slice %arg11[%dma_wait3A_147, %dma_wait3A_148] : memref<10112x128xf32, #tpu.memory_space<vmem_shared>> -> memref<10112x128xf32, #tpu.memory_space<vmem_shared>>
      tpu.wait_indirect_dma semaphore(%arg13 : memref<!tpu.dma_semaphore, #tpu.memory_space<semaphore_mem>>) src(%dma_wait3A_143 : memref<128x128xf32, #tpu.memory_space<vmem>>) dst(%dma_wait3A_149 : memref<10112x128xf32, #tpu.memory_space<vmem_shared>>)
      %add3A_150 = arith.constant 1 : i32
      %add3A_151 = arith.addi %add3A_128, %add3A_150 : i32
      %lt3A_152 = arith.constant 40 : i32
      %lt3A_153 = arith.cmpi slt, %add3A_151, %lt3A_152 : i32
      %convert_element_type3A_154 = arith.extui %lt3A_153 : i1 to i32
      %cond3A_155 = arith.constant 0 : i32
      %cond3A_156 = arith.cmpi ne, %convert_element_type3A_154, %cond3A_155 : i32
      scf.if %cond3A_156 {
        %add3A_209 = arith.constant 1 : i32
        %add3A_210 = arith.addi %add3A_128, %add3A_209 : i32
        %add3A_211 = arith.constant 1 : i32
        %add3A_212 = arith.addi %add3A_128, %add3A_211 : i32
        %jit3A_213 = arith.constant 2 : i32
        %eq3A_214 = arith.constant 0 : i32
        %eq3A_215 = arith.cmpi eq, %jit3A_213, %eq3A_214 : i32
        %jit3A_216 = arith.constant 1 : i32
        %select_n3A_217 = arith.select %eq3A_215, %jit3A_216, %jit3A_213 : i32
        %rem3A_218 = arith.remsi %add3A_212, %select_n3A_217 : i32
        %ne3A_219 = arith.constant 0 : i32
        %ne3A_220 = arith.cmpi ne, %rem3A_218, %ne3A_219 : i32
        %lt3A_221 = arith.constant 0 : i32
        %lt3A_222 = arith.cmpi slt, %rem3A_218, %lt3A_221 : i32
        %lt3A_223 = arith.constant 0 : i32
        %lt3A_224 = arith.cmpi slt, %select_n3A_217, %lt3A_223 : i32
        %ne3A_225 = arith.xori %lt3A_222, %lt3A_224 : i1
        %and3A_226 = arith.andi %ne3A_225, %ne3A_220 : i1
        %add3A_227 = arith.addi %rem3A_218, %select_n3A_217 : i32
        %select_n3A_228 = arith.select %and3A_226, %add3A_227, %rem3A_218 : i32
        %mul3A_229 = arith.constant 128 : i32
        %mul3A_230 = arith.muli %select_n3A_228, %mul3A_229 : i32
        %dma_start3A_231 = arith.constant 0 : i32
        %dma_start3A_232 = tpu.memref_slice %arg10[%mul3A_230, %dma_start3A_231] : memref<256x128xf32, #tpu.memory_space<vmem>> -> memref<128x128xf32, #tpu.memory_space<vmem>>
        %dma_start3A_233 = arith.constant 0 : i32
        %dma_start3A_234 = tpu.memref_slice %arg8[%add3A_210, %dma_start3A_233] : memref<40x128xi32, #tpu.memory_space<vmem>> -> memref<1x128xi32, #tpu.memory_space<vmem>>
        %dma_start3A_235 = tpu.memref_squeeze %dma_start3A_234 : memref<1x128xi32, #tpu.memory_space<vmem>> -> memref<128xi32, #tpu.memory_space<vmem>>
        %dma_start3A_236 = arith.constant 0 : i32
        %dma_start3A_237 = arith.constant 0 : i32
        %dma_start3A_238 = tpu.memref_slice %arg2[%dma_start3A_236, %dma_start3A_237] : memref<190000x128xf32, #tpu.memory_space<hbm>> -> memref<190000x128xf32, #tpu.memory_space<hbm>>
        tpu.enqueue_indirect_dma source(%dma_start3A_238 : memref<190000x128xf32, #tpu.memory_space<hbm>>) target(%dma_start3A_232 : memref<128x128xf32, #tpu.memory_space<vmem>>) offsets(%dma_start3A_235 : memref<128xi32, #tpu.memory_space<vmem>>) semaphore(%arg12 : memref<!tpu.dma_semaphore, #tpu.memory_space<semaphore_mem>>)
      } else {
      }
      %jit3A_157 = arith.constant 2 : i32
      %eq3A_158 = arith.constant 0 : i32
      %eq3A_159 = arith.cmpi eq, %jit3A_157, %eq3A_158 : i32
      %jit3A_160 = arith.constant 1 : i32
      %select_n3A_161 = arith.select %eq3A_159, %jit3A_160, %jit3A_157 : i32
      %rem3A_162 = arith.remsi %add3A_128, %select_n3A_161 : i32
      %ne3A_163 = arith.constant 0 : i32
      %ne3A_164 = arith.cmpi ne, %rem3A_162, %ne3A_163 : i32
      %lt3A_165 = arith.constant 0 : i32
      %lt3A_166 = arith.cmpi slt, %rem3A_162, %lt3A_165 : i32
      %lt3A_167 = arith.constant 0 : i32
      %lt3A_168 = arith.cmpi slt, %select_n3A_161, %lt3A_167 : i32
      %ne3A_169 = arith.xori %lt3A_166, %lt3A_168 : i1
      %and3A_170 = arith.andi %ne3A_169, %ne3A_164 : i1
      %add3A_171 = arith.addi %rem3A_162, %select_n3A_161 : i32
      %select_n3A_172 = arith.select %and3A_170, %add3A_171, %rem3A_162 : i32
      %mul3A_173 = arith.constant 128 : i32
      %mul3A_174 = arith.muli %select_n3A_172, %mul3A_173 : i32
      %dma_wait3A_175 = arith.constant 0 : i32
      %dma_wait3A_176 = tpu.memref_slice %arg10[%mul3A_174, %dma_wait3A_175] : memref<256x128xf32, #tpu.memory_space<vmem>> -> memref<128x128xf32, #tpu.memory_space<vmem>>
      %dma_wait3A_177 = arith.constant 0 : i32
      %dma_wait3A_178 = tpu.memref_slice %arg8[%add3A_128, %dma_wait3A_177] : memref<40x128xi32, #tpu.memory_space<vmem>> -> memref<1x128xi32, #tpu.memory_space<vmem>>
      %dma_wait3A_179 = tpu.memref_squeeze %dma_wait3A_178 : memref<1x128xi32, #tpu.memory_space<vmem>> -> memref<128xi32, #tpu.memory_space<vmem>>
      %dma_wait3A_180 = arith.constant 0 : i32
      %dma_wait3A_181 = arith.constant 0 : i32
      %dma_wait3A_182 = tpu.memref_slice %arg2[%dma_wait3A_180, %dma_wait3A_181] : memref<190000x128xf32, #tpu.memory_space<hbm>> -> memref<190000x128xf32, #tpu.memory_space<hbm>>
      tpu.wait_indirect_dma semaphore(%arg12 : memref<!tpu.dma_semaphore, #tpu.memory_space<semaphore_mem>>) src(%dma_wait3A_182 : memref<190000x128xf32, #tpu.memory_space<hbm>>) dst(%dma_wait3A_176 : memref<128x128xf32, #tpu.memory_space<vmem>>)
      %jit3A_183 = arith.constant 2 : i32
      %eq3A_184 = arith.constant 0 : i32
      %eq3A_185 = arith.cmpi eq, %jit3A_183, %eq3A_184 : i32
      %jit3A_186 = arith.constant 1 : i32
      %select_n3A_187 = arith.select %eq3A_185, %jit3A_186, %jit3A_183 : i32
      %rem3A_188 = arith.remsi %add3A_128, %select_n3A_187 : i32
      %ne3A_189 = arith.constant 0 : i32
      %ne3A_190 = arith.cmpi ne, %rem3A_188, %ne3A_189 : i32
      %lt3A_191 = arith.constant 0 : i32
      %lt3A_192 = arith.cmpi slt, %rem3A_188, %lt3A_191 : i32
      %lt3A_193 = arith.constant 0 : i32
      %lt3A_194 = arith.cmpi slt, %select_n3A_187, %lt3A_193 : i32
      %ne3A_195 = arith.xori %lt3A_192, %lt3A_194 : i1
      %and3A_196 = arith.andi %ne3A_195, %ne3A_190 : i1
      %add3A_197 = arith.addi %rem3A_188, %select_n3A_187 : i32
      %select_n3A_198 = arith.select %and3A_196, %add3A_197, %rem3A_188 : i32
      %mul3A_199 = arith.constant 128 : i32
      %mul3A_200 = arith.muli %select_n3A_198, %mul3A_199 : i32
      %dma_start3A_201 = arith.constant 0 : i32
      %dma_start3A_202 = tpu.memref_slice %arg10[%mul3A_200, %dma_start3A_201] : memref<256x128xf32, #tpu.memory_space<vmem>> -> memref<128x128xf32, #tpu.memory_space<vmem>>
      %dma_start3A_203 = arith.constant 0 : i32
      %dma_start3A_204 = tpu.memref_slice %arg9[%add3A_128, %dma_start3A_203] : memref<40x128xi32, #tpu.memory_space<vmem>> -> memref<1x128xi32, #tpu.memory_space<vmem>>
      %dma_start3A_205 = tpu.memref_squeeze %dma_start3A_204 : memref<1x128xi32, #tpu.memory_space<vmem>> -> memref<128xi32, #tpu.memory_space<vmem>>
      %dma_start3A_206 = arith.constant 0 : i32
      %dma_start3A_207 = arith.constant 0 : i32
      %dma_start3A_208 = tpu.memref_slice %arg11[%dma_start3A_206, %dma_start3A_207] : memref<10112x128xf32, #tpu.memory_space<vmem_shared>> -> memref<10112x128xf32, #tpu.memory_space<vmem_shared>>
      tpu.enqueue_indirect_dma source(%dma_start3A_202 : memref<128x128xf32, #tpu.memory_space<vmem>>) target(%dma_start3A_208 : memref<10112x128xf32, #tpu.memory_space<vmem_shared>>) offsets(%dma_start3A_205 : memref<128xi32, #tpu.memory_space<vmem>>) semaphore(%arg13 : memref<!tpu.dma_semaphore, #tpu.memory_space<semaphore_mem>>) {add = true}
    }
    %scan3A_107 = arith.constant 39 : i32
    %dma_wait3A_108 = arith.constant 39 : i32
    %dma_wait3A_109 = arith.constant 128 : i32
    %dma_wait3A_110 = arith.constant 0 : i32
    %dma_wait3A_111 = tpu.memref_slice %arg10[%dma_wait3A_109, %dma_wait3A_110] : memref<256x128xf32, #tpu.memory_space<vmem>> -> memref<128x128xf32, #tpu.memory_space<vmem>>
    %dma_wait3A_112 = arith.constant 0 : i32
    %dma_wait3A_113 = tpu.memref_slice %arg9[%dma_wait3A_108, %dma_wait3A_112] : memref<40x128xi32, #tpu.memory_space<vmem>> -> memref<1x128xi32, #tpu.memory_space<vmem>>
    %dma_wait3A_114 = tpu.memref_squeeze %dma_wait3A_113 : memref<1x128xi32, #tpu.memory_space<vmem>> -> memref<128xi32, #tpu.memory_space<vmem>>
    %dma_wait3A_115 = arith.constant 0 : i32
    %dma_wait3A_116 = arith.constant 0 : i32
    %dma_wait3A_117 = tpu.memref_slice %arg11[%dma_wait3A_115, %dma_wait3A_116] : memref<10112x128xf32, #tpu.memory_space<vmem_shared>> -> memref<10112x128xf32, #tpu.memory_space<vmem_shared>>
    tpu.wait_indirect_dma semaphore(%arg13 : memref<!tpu.dma_semaphore, #tpu.memory_space<semaphore_mem>>) src(%dma_wait3A_111 : memref<128x128xf32, #tpu.memory_space<vmem>>) dst(%dma_wait3A_117 : memref<10112x128xf32, #tpu.memory_space<vmem_shared>>)
    %barrier3A_118 = arith.constant 0 : index
    tpu.barrier barrier_id(%barrier3A_118)
    %eq3A = arith.constant 0 : i32
    %eq3A_119 = arith.cmpi eq, %arg0, %eq3A : i32
    %convert_element_type3A = arith.extui %eq3A_119 : i1 to i32
    %cond3A = arith.constant 0 : i32
    %cond3A_120 = arith.cmpi ne, %convert_element_type3A, %cond3A : i32
    scf.if %cond3A_120 {
      "tpu.region"() ({
        %run_scoped3A = tpu.sem_alloc : memref<!tpu.dma_semaphore, #tpu.memory_space<semaphore_mem>>
        %dma_start3A_126 = arith.constant 0 : i32
        %dma_start3A_127 = tpu.memref_slice %arg6[%mul3A_2, %dma_start3A_126] : memref<10112x128xf32, #tpu.memory_space<hbm>> -> memref<632x128xf32, #tpu.memory_space<hbm>>
        %dma_start3A_128 = arith.constant 0 : i32
        %dma_start3A_129 = tpu.memref_slice %arg11[%mul3A_2, %dma_start3A_128] : memref<10112x128xf32, #tpu.memory_space<vmem_shared>> -> memref<632x128xf32, #tpu.memory_space<vmem_shared>>
        tpu.enqueue_dma source(%dma_start3A_129 : memref<632x128xf32, #tpu.memory_space<vmem_shared>>) target(%dma_start3A_127 : memref<632x128xf32, #tpu.memory_space<hbm>>) target_semaphore(%run_scoped3A : memref<!tpu.dma_semaphore, #tpu.memory_space<semaphore_mem>>)
        %dma_wait3A_130 = arith.constant 0 : i32
        %dma_wait3A_131 = tpu.memref_slice %arg6[%mul3A_2, %dma_wait3A_130] : memref<10112x128xf32, #tpu.memory_space<hbm>> -> memref<632x128xf32, #tpu.memory_space<hbm>>
        %dma_wait3A_132 = arith.constant 0 : i32
        %dma_wait3A_133 = tpu.memref_slice %arg11[%mul3A_2, %dma_wait3A_132] : memref<10112x128xf32, #tpu.memory_space<vmem_shared>> -> memref<632x128xf32, #tpu.memory_space<vmem_shared>>
        tpu.wait_dma2 semaphore(%run_scoped3A : memref<!tpu.dma_semaphore, #tpu.memory_space<semaphore_mem>>) src(%dma_wait3A_133 : memref<632x128xf32, #tpu.memory_space<vmem_shared>>) dst(%dma_wait3A_131 : memref<632x128xf32, #tpu.memory_space<hbm>>)
        tpu.yield
      }) : () -> ()
    } else {
    }
    %eq3A_121 = arith.constant 1 : i32
    %eq3A_122 = arith.cmpi eq, %arg0, %eq3A_121 : i32
    %convert_element_type3A_123 = arith.extui %eq3A_122 : i1 to i32
    %cond3A_124 = arith.constant 0 : i32
    %cond3A_125 = arith.cmpi ne, %convert_element_type3A_123, %cond3A_124 : i32
    scf.if %cond3A_125 {
      "tpu.region"() ({
        %run_scoped3A = tpu.sem_alloc : memref<!tpu.dma_semaphore, #tpu.memory_space<semaphore_mem>>
        %dma_start3A_126 = arith.constant 0 : i32
        %dma_start3A_127 = tpu.memref_slice %arg7[%mul3A_2, %dma_start3A_126] : memref<10112x128xf32, #tpu.memory_space<hbm>> -> memref<632x128xf32, #tpu.memory_space<hbm>>
        %dma_start3A_128 = arith.constant 0 : i32
        %dma_start3A_129 = tpu.memref_slice %arg11[%mul3A_2, %dma_start3A_128] : memref<10112x128xf32, #tpu.memory_space<vmem_shared>> -> memref<632x128xf32, #tpu.memory_space<vmem_shared>>
        tpu.enqueue_dma source(%dma_start3A_129 : memref<632x128xf32, #tpu.memory_space<vmem_shared>>) target(%dma_start3A_127 : memref<632x128xf32, #tpu.memory_space<hbm>>) target_semaphore(%run_scoped3A : memref<!tpu.dma_semaphore, #tpu.memory_space<semaphore_mem>>)
        %dma_wait3A_130 = arith.constant 0 : i32
        %dma_wait3A_131 = tpu.memref_slice %arg7[%mul3A_2, %dma_wait3A_130] : memref<10112x128xf32, #tpu.memory_space<hbm>> -> memref<632x128xf32, #tpu.memory_space<hbm>>
        %dma_wait3A_132 = arith.constant 0 : i32
        %dma_wait3A_133 = tpu.memref_slice %arg11[%mul3A_2, %dma_wait3A_132] : memref<10112x128xf32, #tpu.memory_space<vmem_shared>> -> memref<632x128xf32, #tpu.memory_space<vmem_shared>>
        tpu.wait_dma2 semaphore(%run_scoped3A : memref<!tpu.dma_semaphore, #tpu.memory_space<semaphore_mem>>) src(%dma_wait3A_133 : memref<632x128xf32, #tpu.memory_space<vmem_shared>>) dst(%dma_wait3A_131 : memref<632x128xf32, #tpu.memory_space<hbm>>)
        tpu.yield
      }) : () -> ()
    } else {
    }
    return
  }
}

#map = affine_map<(d0, d1) -> (0, 0)>
module attributes {stable_mosaic.version = 14 : i64} {
  func.func @k(%arg0: i32, %arg1: i32, %arg2: memref<190000x128xf32, #tpu.memory_space<hbm>>, %arg3: memref<2560x128xi32, #tpu.memory_space<hbm>>, %arg4: memref<2560x128xi32, #tpu.memory_space<hbm>>, %arg5: memref<632x128xf32, #tpu.memory_space<hbm>>, %arg6: memref<10112x128xf32, #tpu.memory_space<hbm>>, %arg7: memref<10112x128xf32, #tpu.memory_space<hbm>>, %arg8: memref<40x128xi32, #tpu.memory_space<vmem>>, %arg9: memref<40x128xi32, #tpu.memory_space<vmem>>, %arg10: memref<256x128xf32, #tpu.memory_space<vmem>>, %arg11: memref<10112x128xf32, #tpu.memory_space<vmem_shared>>, %arg12: memref<!tpu.dma_semaphore, #tpu.memory_space<semaphore_mem>>, %arg13: memref<!tpu.dma_semaphore, #tpu.memory_space<semaphore_mem>>) attributes {dimension_semantics = [#tpu.dimension_semantics<core_parallel>, #tpu.dimension_semantics<subcore_parallel>], iteration_bounds = array<i64: 2, 16>, scalar_prefetch = 0 : i64, scratch_operands = 6 : i64, tpu.core_type = #tpu.core_type<sc_vector_subcore>, window_params = [{transform_indices = #map}, {transform_indices = #map}, {transform_indices = #map}, {transform_indices = #map}, {transform_indices = #map}, {transform_indices = #map}]} {
    %mul3A = arith.constant 2 : i32
    %mul3A_0 = arith.muli %arg1, %mul3A : i32
    %add3A = arith.addi %mul3A_0, %arg0 : i32
    %mul3A_1 = arith.constant 632 : i32
    %mul3A_2 = arith.muli %arg1, %mul3A_1 : i32
    %mul3A_3 = arith.constant 80 : i32
    %mul3A_4 = arith.muli %add3A, %mul3A_3 : i32
    %add3A_5 = arith.constant 0 : i32
    %add3A_6 = arith.addi %mul3A_4, %add3A_5 : i32
    "tpu.region"() ({
      %run_scoped3A = tpu.sem_alloc : memref<!tpu.dma_semaphore, #tpu.memory_space<semaphore_mem>>
      %dma_start3A_126 = arith.constant 0 : i32
      %dma_start3A_127 = tpu.memref_slice %arg3[%add3A_6, %dma_start3A_126] : memref<2560x128xi32, #tpu.memory_space<hbm>> -> memref<40x128xi32, #tpu.memory_space<hbm>>
      %dma_start3A_128 = arith.constant 0 : i32
      %dma_start3A_129 = tpu.memref_slice %arg3[%add3A_6, %dma_start3A_128] : memref<2560x128xi32, #tpu.memory_space<hbm>> -> memref<40x128xi32, #tpu.memory_space<hbm>>
      tpu.enqueue_dma source(%dma_start3A_129 : memref<40x128xi32, #tpu.memory_space<hbm>>) target(%arg8 : memref<40x128xi32, #tpu.memory_space<vmem>>) target_semaphore(%run_scoped3A : memref<!tpu.dma_semaphore, #tpu.memory_space<semaphore_mem>>)
      %dma_wait3A_130 = arith.constant 0 : i32
      %dma_wait3A_131 = tpu.memref_slice %arg3[%add3A_6, %dma_wait3A_130] : memref<2560x128xi32, #tpu.memory_space<hbm>> -> memref<40x128xi32, #tpu.memory_space<hbm>>
      %dma_wait3A_132 = arith.constant 0 : i32
      %dma_wait3A_133 = tpu.memref_slice %arg3[%add3A_6, %dma_wait3A_132] : memref<2560x128xi32, #tpu.memory_space<hbm>> -> memref<40x128xi32, #tpu.memory_space<hbm>>
      tpu.wait_dma2 semaphore(%run_scoped3A : memref<!tpu.dma_semaphore, #tpu.memory_space<semaphore_mem>>) src(%dma_wait3A_133 : memref<40x128xi32, #tpu.memory_space<hbm>>) dst(%arg8 : memref<40x128xi32, #tpu.memory_space<vmem>>)
      tpu.yield
    }) : () -> ()
    "tpu.region"() ({
      %run_scoped3A = tpu.sem_alloc : memref<!tpu.dma_semaphore, #tpu.memory_space<semaphore_mem>>
      %dma_start3A_126 = arith.constant 0 : i32
      %dma_start3A_127 = tpu.memref_slice %arg4[%add3A_6, %dma_start3A_126] : memref<2560x128xi32, #tpu.memory_space<hbm>> -> memref<40x128xi32, #tpu.memory_space<hbm>>
      %dma_start3A_128 = arith.constant 0 : i32
      %dma_start3A_129 = tpu.memref_slice %arg4[%add3A_6, %dma_start3A_128] : memref<2560x128xi32, #tpu.memory_space<hbm>> -> memref<40x128xi32, #tpu.memory_space<hbm>>
      tpu.enqueue_dma source(%dma_start3A_129 : memref<40x128xi32, #tpu.memory_space<hbm>>) target(%arg9 : memref<40x128xi32, #tpu.memory_space<vmem>>) target_semaphore(%run_scoped3A : memref<!tpu.dma_semaphore, #tpu.memory_space<semaphore_mem>>)
      %dma_wait3A_130 = arith.constant 0 : i32
      %dma_wait3A_131 = tpu.memref_slice %arg4[%add3A_6, %dma_wait3A_130] : memref<2560x128xi32, #tpu.memory_space<hbm>> -> memref<40x128xi32, #tpu.memory_space<hbm>>
      %dma_wait3A_132 = arith.constant 0 : i32
      %dma_wait3A_133 = tpu.memref_slice %arg4[%add3A_6, %dma_wait3A_132] : memref<2560x128xi32, #tpu.memory_space<hbm>> -> memref<40x128xi32, #tpu.memory_space<hbm>>
      tpu.wait_dma2 semaphore(%run_scoped3A : memref<!tpu.dma_semaphore, #tpu.memory_space<semaphore_mem>>) src(%dma_wait3A_133 : memref<40x128xi32, #tpu.memory_space<hbm>>) dst(%arg9 : memref<40x128xi32, #tpu.memory_space<vmem>>)
      tpu.yield
    }) : () -> ()
    %dma_start3A = arith.constant 0 : i32
    %dma_start3A_7 = arith.constant 0 : i32
    %dma_start3A_8 = arith.constant 0 : i32
    %dma_start3A_9 = tpu.memref_slice %arg10[%dma_start3A_7, %dma_start3A_8] : memref<256x128xf32, #tpu.memory_space<vmem>> -> memref<128x128xf32, #tpu.memory_space<vmem>>
    %dma_start3A_10 = arith.constant 0 : i32
    %dma_start3A_11 = tpu.memref_slice %arg8[%dma_start3A, %dma_start3A_10] : memref<40x128xi32, #tpu.memory_space<vmem>> -> memref<1x128xi32, #tpu.memory_space<vmem>>
    %dma_start3A_12 = tpu.memref_squeeze %dma_start3A_11 : memref<1x128xi32, #tpu.memory_space<vmem>> -> memref<128xi32, #tpu.memory_space<vmem>>
    %dma_start3A_13 = arith.constant 0 : i32
    %dma_start3A_14 = arith.constant 0 : i32
    %dma_start3A_15 = tpu.memref_slice %arg2[%dma_start3A_13, %dma_start3A_14] : memref<190000x128xf32, #tpu.memory_space<hbm>> -> memref<190000x128xf32, #tpu.memory_space<hbm>>
    tpu.enqueue_indirect_dma source(%dma_start3A_15 : memref<190000x128xf32, #tpu.memory_space<hbm>>) target(%dma_start3A_9 : memref<128x128xf32, #tpu.memory_space<vmem>>) offsets(%dma_start3A_12 : memref<128xi32, #tpu.memory_space<vmem>>) semaphore(%arg12 : memref<!tpu.dma_semaphore, #tpu.memory_space<semaphore_mem>>)
    %dma_start3A_16 = arith.constant 1 : i32
    %dma_start3A_17 = arith.constant 128 : i32
    %dma_start3A_18 = arith.constant 0 : i32
    %dma_start3A_19 = tpu.memref_slice %arg10[%dma_start3A_17, %dma_start3A_18] : memref<256x128xf32, #tpu.memory_space<vmem>> -> memref<128x128xf32, #tpu.memory_space<vmem>>
    %dma_start3A_20 = arith.constant 0 : i32
    %dma_start3A_21 = tpu.memref_slice %arg8[%dma_start3A_16, %dma_start3A_20] : memref<40x128xi32, #tpu.memory_space<vmem>> -> memref<1x128xi32, #tpu.memory_space<vmem>>
    %dma_start3A_22 = tpu.memref_squeeze %dma_start3A_21 : memref<1x128xi32, #tpu.memory_space<vmem>> -> memref<128xi32, #tpu.memory_space<vmem>>
    %dma_start3A_23 = arith.constant 0 : i32
    %dma_start3A_24 = arith.constant 0 : i32
    %dma_start3A_25 = tpu.memref_slice %arg2[%dma_start3A_23, %dma_start3A_24] : memref<190000x128xf32, #tpu.memory_space<hbm>> -> memref<190000x128xf32, #tpu.memory_space<hbm>>
    tpu.enqueue_indirect_dma source(%dma_start3A_25 : memref<190000x128xf32, #tpu.memory_space<hbm>>) target(%dma_start3A_19 : memref<128x128xf32, #tpu.memory_space<vmem>>) offsets(%dma_start3A_22 : memref<128xi32, #tpu.memory_space<vmem>>) semaphore(%arg12 : memref<!tpu.dma_semaphore, #tpu.memory_space<semaphore_mem>>)
    "tpu.region"() ({
      %run_scoped3A = tpu.sem_alloc : memref<!tpu.dma_semaphore, #tpu.memory_space<semaphore_mem>>
      %dma_start3A_126 = arith.constant 0 : i32
      %dma_start3A_127 = tpu.memref_slice %arg11[%mul3A_2, %dma_start3A_126] : memref<10112x128xf32, #tpu.memory_space<vmem_shared>> -> memref<632x128xf32, #tpu.memory_space<vmem_shared>>
      tpu.enqueue_dma source(%arg5 : memref<632x128xf32, #tpu.memory_space<hbm>>) target(%dma_start3A_127 : memref<632x128xf32, #tpu.memory_space<vmem_shared>>) target_semaphore(%run_scoped3A : memref<!tpu.dma_semaphore, #tpu.memory_space<semaphore_mem>>)
      %dma_wait3A_128 = arith.constant 0 : i32
      %dma_wait3A_129 = tpu.memref_slice %arg11[%mul3A_2, %dma_wait3A_128] : memref<10112x128xf32, #tpu.memory_space<vmem_shared>> -> memref<632x128xf32, #tpu.memory_space<vmem_shared>>
      tpu.wait_dma2 semaphore(%run_scoped3A : memref<!tpu.dma_semaphore, #tpu.memory_space<semaphore_mem>>) src(%arg5 : memref<632x128xf32, #tpu.memory_space<hbm>>) dst(%dma_wait3A_129 : memref<632x128xf32, #tpu.memory_space<vmem_shared>>)
      tpu.yield
    }) : () -> ()
    %barrier3A = arith.constant 0 : index
    tpu.barrier barrier_id(%barrier3A)
    %dma_wait3A = arith.constant 0 : i32
    %dma_wait3A_26 = arith.constant 0 : i32
    %dma_wait3A_27 = arith.constant 0 : i32
    %dma_wait3A_28 = tpu.memref_slice %arg10[%dma_wait3A_26, %dma_wait3A_27] : memref<256x128xf32, #tpu.memory_space<vmem>> -> memref<128x128xf32, #tpu.memory_space<vmem>>
    %dma_wait3A_29 = arith.constant 0 : i32
    %dma_wait3A_30 = tpu.memref_slice %arg8[%dma_wait3A, %dma_wait3A_29] : memref<40x128xi32, #tpu.memory_space<vmem>> -> memref<1x128xi32, #tpu.memory_space<vmem>>
    %dma_wait3A_31 = tpu.memref_squeeze %dma_wait3A_30 : memref<1x128xi32, #tpu.memory_space<vmem>> -> memref<128xi32, #tpu.memory_space<vmem>>
    %dma_wait3A_32 = arith.constant 0 : i32
    %dma_wait3A_33 = arith.constant 0 : i32
    %dma_wait3A_34 = tpu.memref_slice %arg2[%dma_wait3A_32, %dma_wait3A_33] : memref<190000x128xf32, #tpu.memory_space<hbm>> -> memref<190000x128xf32, #tpu.memory_space<hbm>>
    tpu.wait_indirect_dma semaphore(%arg12 : memref<!tpu.dma_semaphore, #tpu.memory_space<semaphore_mem>>) src(%dma_wait3A_34 : memref<190000x128xf32, #tpu.memory_space<hbm>>) dst(%dma_wait3A_28 : memref<128x128xf32, #tpu.memory_space<vmem>>)
    %dma_start3A_35 = arith.constant 0 : i32
    %dma_start3A_36 = arith.constant 0 : i32
    %dma_start3A_37 = arith.constant 0 : i32
    %dma_start3A_38 = tpu.memref_slice %arg10[%dma_start3A_36, %dma_start3A_37] : memref<256x128xf32, #tpu.memory_space<vmem>> -> memref<128x128xf32, #tpu.memory_space<vmem>>
    %dma_start3A_39 = arith.constant 0 : i32
    %dma_start3A_40 = tpu.memref_slice %arg9[%dma_start3A_35, %dma_start3A_39] : memref<40x128xi32, #tpu.memory_space<vmem>> -> memref<1x128xi32, #tpu.memory_space<vmem>>
    %dma_start3A_41 = tpu.memref_squeeze %dma_start3A_40 : memref<1x128xi32, #tpu.memory_space<vmem>> -> memref<128xi32, #tpu.memory_space<vmem>>
    %dma_start3A_42 = arith.constant 0 : i32
    %dma_start3A_43 = arith.constant 0 : i32
    %dma_start3A_44 = tpu.memref_slice %arg11[%dma_start3A_42, %dma_start3A_43] : memref<10112x128xf32, #tpu.memory_space<vmem_shared>> -> memref<10112x128xf32, #tpu.memory_space<vmem_shared>>
    tpu.enqueue_indirect_dma source(%dma_start3A_38 : memref<128x128xf32, #tpu.memory_space<vmem>>) target(%dma_start3A_44 : memref<10112x128xf32, #tpu.memory_space<vmem_shared>>) offsets(%dma_start3A_41 : memref<128xi32, #tpu.memory_space<vmem>>) semaphore(%arg13 : memref<!tpu.dma_semaphore, #tpu.memory_space<semaphore_mem>>) {add = true}
    %scan3A = arith.constant 0 : i32
    %scan3A_45 = arith.constant 0 : i32
    %scan3A_46 = arith.constant 39 : i32
    %scan3A_47 = arith.addi %scan3A_45, %scan3A_46 : i32
    %scan3A_48 = arith.constant 1 : i32
    scf.for %scan3A_126 = %scan3A_45 to %scan3A_47 step %scan3A_48  : i32 {
      %add3A_127 = arith.constant 1 : i32
      %add3A_128 = arith.addi %scan3A_126, %add3A_127 : i32
      %sub3A = arith.constant 1 : i32
      %sub3A_129 = arith.subi %add3A_128, %sub3A : i32
      %jit3A = arith.constant 2 : i32
      %eq3A_130 = arith.constant 0 : i32
      %eq3A_131 = arith.cmpi eq, %jit3A, %eq3A_130 : i32
      %jit3A_132 = arith.constant 1 : i32
      %select_n3A = arith.select %eq3A_131, %jit3A_132, %jit3A : i32
      %rem3A = arith.remsi %sub3A_129, %select_n3A : i32
      %ne3A = arith.constant 0 : i32
      %ne3A_133 = arith.cmpi ne, %rem3A, %ne3A : i32
      %lt3A = arith.constant 0 : i32
      %lt3A_134 = arith.cmpi slt, %rem3A, %lt3A : i32
      %lt3A_135 = arith.constant 0 : i32
      %lt3A_136 = arith.cmpi slt, %select_n3A, %lt3A_135 : i32
      %ne3A_137 = arith.xori %lt3A_134, %lt3A_136 : i1
      %and3A = arith.andi %ne3A_137, %ne3A_133 : i1
      %add3A_138 = arith.addi %rem3A, %select_n3A : i32
      %select_n3A_139 = arith.select %and3A, %add3A_138, %rem3A : i32
      %mul3A_140 = arith.constant 128 : i32
      %mul3A_141 = arith.muli %select_n3A_139, %mul3A_140 : i32
      %dma_wait3A_142 = arith.constant 0 : i32
      %dma_wait3A_143 = tpu.memref_slice %arg10[%mul3A_141, %dma_wait3A_142] : memref<256x128xf32, #tpu.memory_space<vmem>> -> memref<128x128xf32, #tpu.memory_space<vmem>>
      %dma_wait3A_144 = arith.constant 0 : i32
      %dma_wait3A_145 = tpu.memref_slice %arg9[%sub3A_129, %dma_wait3A_144] : memref<40x128xi32, #tpu.memory_space<vmem>> -> memref<1x128xi32, #tpu.memory_space<vmem>>
      %dma_wait3A_146 = tpu.memref_squeeze %dma_wait3A_145 : memref<1x128xi32, #tpu.memory_space<vmem>> -> memref<128xi32, #tpu.memory_space<vmem>>
      %dma_wait3A_147 = arith.constant 0 : i32
      %dma_wait3A_148 = arith.constant 0 : i32
      %dma_wait3A_149 = tpu.memref_slice %arg11[%dma_wait3A_147, %dma_wait3A_148] : memref<10112x128xf32, #tpu.memory_space<vmem_shared>> -> memref<10112x128xf32, #tpu.memory_space<vmem_shared>>
      tpu.wait_indirect_dma semaphore(%arg13 : memref<!tpu.dma_semaphore, #tpu.memory_space<semaphore_mem>>) src(%dma_wait3A_143 : memref<128x128xf32, #tpu.memory_space<vmem>>) dst(%dma_wait3A_149 : memref<10112x128xf32, #tpu.memory_space<vmem_shared>>)
      %add3A_150 = arith.constant 1 : i32
      %add3A_151 = arith.addi %add3A_128, %add3A_150 : i32
      %lt3A_152 = arith.constant 40 : i32
      %lt3A_153 = arith.cmpi slt, %add3A_151, %lt3A_152 : i32
      %convert_element_type3A_154 = arith.extui %lt3A_153 : i1 to i32
      %cond3A_155 = arith.constant 0 : i32
      %cond3A_156 = arith.cmpi ne, %convert_element_type3A_154, %cond3A_155 : i32
      scf.if %cond3A_156 {
        %add3A_209 = arith.constant 1 : i32
        %add3A_210 = arith.addi %add3A_128, %add3A_209 : i32
        %add3A_211 = arith.constant 1 : i32
        %add3A_212 = arith.addi %add3A_128, %add3A_211 : i32
        %jit3A_213 = arith.constant 2 : i32
        %eq3A_214 = arith.constant 0 : i32
        %eq3A_215 = arith.cmpi eq, %jit3A_213, %eq3A_214 : i32
        %jit3A_216 = arith.constant 1 : i32
        %select_n3A_217 = arith.select %eq3A_215, %jit3A_216, %jit3A_213 : i32
        %rem3A_218 = arith.remsi %add3A_212, %select_n3A_217 : i32
        %ne3A_219 = arith.constant 0 : i32
        %ne3A_220 = arith.cmpi ne, %rem3A_218, %ne3A_219 : i32
        %lt3A_221 = arith.constant 0 : i32
        %lt3A_222 = arith.cmpi slt, %rem3A_218, %lt3A_221 : i32
        %lt3A_223 = arith.constant 0 : i32
        %lt3A_224 = arith.cmpi slt, %select_n3A_217, %lt3A_223 : i32
        %ne3A_225 = arith.xori %lt3A_222, %lt3A_224 : i1
        %and3A_226 = arith.andi %ne3A_225, %ne3A_220 : i1
        %add3A_227 = arith.addi %rem3A_218, %select_n3A_217 : i32
        %select_n3A_228 = arith.select %and3A_226, %add3A_227, %rem3A_218 : i32
        %mul3A_229 = arith.constant 128 : i32
        %mul3A_230 = arith.muli %select_n3A_228, %mul3A_229 : i32
        %dma_start3A_231 = arith.constant 0 : i32
        %dma_start3A_232 = tpu.memref_slice %arg10[%mul3A_230, %dma_start3A_231] : memref<256x128xf32, #tpu.memory_space<vmem>> -> memref<128x128xf32, #tpu.memory_space<vmem>>
        %dma_start3A_233 = arith.constant 0 : i32
        %dma_start3A_234 = tpu.memref_slice %arg8[%add3A_210, %dma_start3A_233] : memref<40x128xi32, #tpu.memory_space<vmem>> -> memref<1x128xi32, #tpu.memory_space<vmem>>
        %dma_start3A_235 = tpu.memref_squeeze %dma_start3A_234 : memref<1x128xi32, #tpu.memory_space<vmem>> -> memref<128xi32, #tpu.memory_space<vmem>>
        %dma_start3A_236 = arith.constant 0 : i32
        %dma_start3A_237 = arith.constant 0 : i32
        %dma_start3A_238 = tpu.memref_slice %arg2[%dma_start3A_236, %dma_start3A_237] : memref<190000x128xf32, #tpu.memory_space<hbm>> -> memref<190000x128xf32, #tpu.memory_space<hbm>>
        tpu.enqueue_indirect_dma source(%dma_start3A_238 : memref<190000x128xf32, #tpu.memory_space<hbm>>) target(%dma_start3A_232 : memref<128x128xf32, #tpu.memory_space<vmem>>) offsets(%dma_start3A_235 : memref<128xi32, #tpu.memory_space<vmem>>) semaphore(%arg12 : memref<!tpu.dma_semaphore, #tpu.memory_space<semaphore_mem>>)
      } else {
      }
      %jit3A_157 = arith.constant 2 : i32
      %eq3A_158 = arith.constant 0 : i32
      %eq3A_159 = arith.cmpi eq, %jit3A_157, %eq3A_158 : i32
      %jit3A_160 = arith.constant 1 : i32
      %select_n3A_161 = arith.select %eq3A_159, %jit3A_160, %jit3A_157 : i32
      %rem3A_162 = arith.remsi %add3A_128, %select_n3A_161 : i32
      %ne3A_163 = arith.constant 0 : i32
      %ne3A_164 = arith.cmpi ne, %rem3A_162, %ne3A_163 : i32
      %lt3A_165 = arith.constant 0 : i32
      %lt3A_166 = arith.cmpi slt, %rem3A_162, %lt3A_165 : i32
      %lt3A_167 = arith.constant 0 : i32
      %lt3A_168 = arith.cmpi slt, %select_n3A_161, %lt3A_167 : i32
      %ne3A_169 = arith.xori %lt3A_166, %lt3A_168 : i1
      %and3A_170 = arith.andi %ne3A_169, %ne3A_164 : i1
      %add3A_171 = arith.addi %rem3A_162, %select_n3A_161 : i32
      %select_n3A_172 = arith.select %and3A_170, %add3A_171, %rem3A_162 : i32
      %mul3A_173 = arith.constant 128 : i32
      %mul3A_174 = arith.muli %select_n3A_172, %mul3A_173 : i32
      %dma_wait3A_175 = arith.constant 0 : i32
      %dma_wait3A_176 = tpu.memref_slice %arg10[%mul3A_174, %dma_wait3A_175] : memref<256x128xf32, #tpu.memory_space<vmem>> -> memref<128x128xf32, #tpu.memory_space<vmem>>
      %dma_wait3A_177 = arith.constant 0 : i32
      %dma_wait3A_178 = tpu.memref_slice %arg8[%add3A_128, %dma_wait3A_177] : memref<40x128xi32, #tpu.memory_space<vmem>> -> memref<1x128xi32, #tpu.memory_space<vmem>>
      %dma_wait3A_179 = tpu.memref_squeeze %dma_wait3A_178 : memref<1x128xi32, #tpu.memory_space<vmem>> -> memref<128xi32, #tpu.memory_space<vmem>>
      %dma_wait3A_180 = arith.constant 0 : i32
      %dma_wait3A_181 = arith.constant 0 : i32
      %dma_wait3A_182 = tpu.memref_slice %arg2[%dma_wait3A_180, %dma_wait3A_181] : memref<190000x128xf32, #tpu.memory_space<hbm>> -> memref<190000x128xf32, #tpu.memory_space<hbm>>
      tpu.wait_indirect_dma semaphore(%arg12 : memref<!tpu.dma_semaphore, #tpu.memory_space<semaphore_mem>>) src(%dma_wait3A_182 : memref<190000x128xf32, #tpu.memory_space<hbm>>) dst(%dma_wait3A_176 : memref<128x128xf32, #tpu.memory_space<vmem>>)
      %jit3A_183 = arith.constant 2 : i32
      %eq3A_184 = arith.constant 0 : i32
      %eq3A_185 = arith.cmpi eq, %jit3A_183, %eq3A_184 : i32
      %jit3A_186 = arith.constant 1 : i32
      %select_n3A_187 = arith.select %eq3A_185, %jit3A_186, %jit3A_183 : i32
      %rem3A_188 = arith.remsi %add3A_128, %select_n3A_187 : i32
      %ne3A_189 = arith.constant 0 : i32
      %ne3A_190 = arith.cmpi ne, %rem3A_188, %ne3A_189 : i32
      %lt3A_191 = arith.constant 0 : i32
      %lt3A_192 = arith.cmpi slt, %rem3A_188, %lt3A_191 : i32
      %lt3A_193 = arith.constant 0 : i32
      %lt3A_194 = arith.cmpi slt, %select_n3A_187, %lt3A_193 : i32
      %ne3A_195 = arith.xori %lt3A_192, %lt3A_194 : i1
      %and3A_196 = arith.andi %ne3A_195, %ne3A_190 : i1
      %add3A_197 = arith.addi %rem3A_188, %select_n3A_187 : i32
      %select_n3A_198 = arith.select %and3A_196, %add3A_197, %rem3A_188 : i32
      %mul3A_199 = arith.constant 128 : i32
      %mul3A_200 = arith.muli %select_n3A_198, %mul3A_199 : i32
      %dma_start3A_201 = arith.constant 0 : i32
      %dma_start3A_202 = tpu.memref_slice %arg10[%mul3A_200, %dma_start3A_201] : memref<256x128xf32, #tpu.memory_space<vmem>> -> memref<128x128xf32, #tpu.memory_space<vmem>>
      %dma_start3A_203 = arith.constant 0 : i32
      %dma_start3A_204 = tpu.memref_slice %arg9[%add3A_128, %dma_start3A_203] : memref<40x128xi32, #tpu.memory_space<vmem>> -> memref<1x128xi32, #tpu.memory_space<vmem>>
      %dma_start3A_205 = tpu.memref_squeeze %dma_start3A_204 : memref<1x128xi32, #tpu.memory_space<vmem>> -> memref<128xi32, #tpu.memory_space<vmem>>
      %dma_start3A_206 = arith.constant 0 : i32
      %dma_start3A_207 = arith.constant 0 : i32
      %dma_start3A_208 = tpu.memref_slice %arg11[%dma_start3A_206, %dma_start3A_207] : memref<10112x128xf32, #tpu.memory_space<vmem_shared>> -> memref<10112x128xf32, #tpu.memory_space<vmem_shared>>
      tpu.enqueue_indirect_dma source(%dma_start3A_202 : memref<128x128xf32, #tpu.memory_space<vmem>>) target(%dma_start3A_208 : memref<10112x128xf32, #tpu.memory_space<vmem_shared>>) offsets(%dma_start3A_205 : memref<128xi32, #tpu.memory_space<vmem>>) semaphore(%arg13 : memref<!tpu.dma_semaphore, #tpu.memory_space<semaphore_mem>>) {add = true}
    }
    %scan3A_49 = arith.constant 39 : i32
    %dma_wait3A_50 = arith.constant 39 : i32
    %dma_wait3A_51 = arith.constant 128 : i32
    %dma_wait3A_52 = arith.constant 0 : i32
    %dma_wait3A_53 = tpu.memref_slice %arg10[%dma_wait3A_51, %dma_wait3A_52] : memref<256x128xf32, #tpu.memory_space<vmem>> -> memref<128x128xf32, #tpu.memory_space<vmem>>
    %dma_wait3A_54 = arith.constant 0 : i32
    %dma_wait3A_55 = tpu.memref_slice %arg9[%dma_wait3A_50, %dma_wait3A_54] : memref<40x128xi32, #tpu.memory_space<vmem>> -> memref<1x128xi32, #tpu.memory_space<vmem>>
    %dma_wait3A_56 = tpu.memref_squeeze %dma_wait3A_55 : memref<1x128xi32, #tpu.memory_space<vmem>> -> memref<128xi32, #tpu.memory_space<vmem>>
    %dma_wait3A_57 = arith.constant 0 : i32
    %dma_wait3A_58 = arith.constant 0 : i32
    %dma_wait3A_59 = tpu.memref_slice %arg11[%dma_wait3A_57, %dma_wait3A_58] : memref<10112x128xf32, #tpu.memory_space<vmem_shared>> -> memref<10112x128xf32, #tpu.memory_space<vmem_shared>>
    tpu.wait_indirect_dma semaphore(%arg13 : memref<!tpu.dma_semaphore, #tpu.memory_space<semaphore_mem>>) src(%dma_wait3A_53 : memref<128x128xf32, #tpu.memory_space<vmem>>) dst(%dma_wait3A_59 : memref<10112x128xf32, #tpu.memory_space<vmem_shared>>)
    %add3A_60 = arith.constant 40 : i32
    %add3A_61 = arith.addi %mul3A_4, %add3A_60 : i32
    "tpu.region"() ({
      %run_scoped3A = tpu.sem_alloc : memref<!tpu.dma_semaphore, #tpu.memory_space<semaphore_mem>>
      %dma_start3A_126 = arith.constant 0 : i32
      %dma_start3A_127 = tpu.memref_slice %arg3[%add3A_61, %dma_start3A_126] : memref<2560x128xi32, #tpu.memory_space<hbm>> -> memref<40x128xi32, #tpu.memory_space<hbm>>
      %dma_start3A_128 = arith.constant 0 : i32
      %dma_start3A_129 = tpu.memref_slice %arg3[%add3A_61, %dma_start3A_128] : memref<2560x128xi32, #tpu.memory_space<hbm>> -> memref<40x128xi32, #tpu.memory_space<hbm>>
      tpu.enqueue_dma source(%dma_start3A_129 : memref<40x128xi32, #tpu.memory_space<hbm>>) target(%arg8 : memref<40x128xi32, #tpu.memory_space<vmem>>) target_semaphore(%run_scoped3A : memref<!tpu.dma_semaphore, #tpu.memory_space<semaphore_mem>>)
      %dma_wait3A_130 = arith.constant 0 : i32
      %dma_wait3A_131 = tpu.memref_slice %arg3[%add3A_61, %dma_wait3A_130] : memref<2560x128xi32, #tpu.memory_space<hbm>> -> memref<40x128xi32, #tpu.memory_space<hbm>>
      %dma_wait3A_132 = arith.constant 0 : i32
      %dma_wait3A_133 = tpu.memref_slice %arg3[%add3A_61, %dma_wait3A_132] : memref<2560x128xi32, #tpu.memory_space<hbm>> -> memref<40x128xi32, #tpu.memory_space<hbm>>
      tpu.wait_dma2 semaphore(%run_scoped3A : memref<!tpu.dma_semaphore, #tpu.memory_space<semaphore_mem>>) src(%dma_wait3A_133 : memref<40x128xi32, #tpu.memory_space<hbm>>) dst(%arg8 : memref<40x128xi32, #tpu.memory_space<vmem>>)
      tpu.yield
    }) : () -> ()
    "tpu.region"() ({
      %run_scoped3A = tpu.sem_alloc : memref<!tpu.dma_semaphore, #tpu.memory_space<semaphore_mem>>
      %dma_start3A_126 = arith.constant 0 : i32
      %dma_start3A_127 = tpu.memref_slice %arg4[%add3A_61, %dma_start3A_126] : memref<2560x128xi32, #tpu.memory_space<hbm>> -> memref<40x128xi32, #tpu.memory_space<hbm>>
      %dma_start3A_128 = arith.constant 0 : i32
      %dma_start3A_129 = tpu.memref_slice %arg4[%add3A_61, %dma_start3A_128] : memref<2560x128xi32, #tpu.memory_space<hbm>> -> memref<40x128xi32, #tpu.memory_space<hbm>>
      tpu.enqueue_dma source(%dma_start3A_129 : memref<40x128xi32, #tpu.memory_space<hbm>>) target(%arg9 : memref<40x128xi32, #tpu.memory_space<vmem>>) target_semaphore(%run_scoped3A : memref<!tpu.dma_semaphore, #tpu.memory_space<semaphore_mem>>)
      %dma_wait3A_130 = arith.constant 0 : i32
      %dma_wait3A_131 = tpu.memref_slice %arg4[%add3A_61, %dma_wait3A_130] : memref<2560x128xi32, #tpu.memory_space<hbm>> -> memref<40x128xi32, #tpu.memory_space<hbm>>
      %dma_wait3A_132 = arith.constant 0 : i32
      %dma_wait3A_133 = tpu.memref_slice %arg4[%add3A_61, %dma_wait3A_132] : memref<2560x128xi32, #tpu.memory_space<hbm>> -> memref<40x128xi32, #tpu.memory_space<hbm>>
      tpu.wait_dma2 semaphore(%run_scoped3A : memref<!tpu.dma_semaphore, #tpu.memory_space<semaphore_mem>>) src(%dma_wait3A_133 : memref<40x128xi32, #tpu.memory_space<hbm>>) dst(%arg9 : memref<40x128xi32, #tpu.memory_space<vmem>>)
      tpu.yield
    }) : () -> ()
    %dma_start3A_62 = arith.constant 0 : i32
    %dma_start3A_63 = arith.constant 0 : i32
    %dma_start3A_64 = arith.constant 0 : i32
    %dma_start3A_65 = tpu.memref_slice %arg10[%dma_start3A_63, %dma_start3A_64] : memref<256x128xf32, #tpu.memory_space<vmem>> -> memref<128x128xf32, #tpu.memory_space<vmem>>
    %dma_start3A_66 = arith.constant 0 : i32
    %dma_start3A_67 = tpu.memref_slice %arg8[%dma_start3A_62, %dma_start3A_66] : memref<40x128xi32, #tpu.memory_space<vmem>> -> memref<1x128xi32, #tpu.memory_space<vmem>>
    %dma_start3A_68 = tpu.memref_squeeze %dma_start3A_67 : memref<1x128xi32, #tpu.memory_space<vmem>> -> memref<128xi32, #tpu.memory_space<vmem>>
    %dma_start3A_69 = arith.constant 0 : i32
    %dma_start3A_70 = arith.constant 0 : i32
    %dma_start3A_71 = tpu.memref_slice %arg2[%dma_start3A_69, %dma_start3A_70] : memref<190000x128xf32, #tpu.memory_space<hbm>> -> memref<190000x128xf32, #tpu.memory_space<hbm>>
    tpu.enqueue_indirect_dma source(%dma_start3A_71 : memref<190000x128xf32, #tpu.memory_space<hbm>>) target(%dma_start3A_65 : memref<128x128xf32, #tpu.memory_space<vmem>>) offsets(%dma_start3A_68 : memref<128xi32, #tpu.memory_space<vmem>>) semaphore(%arg12 : memref<!tpu.dma_semaphore, #tpu.memory_space<semaphore_mem>>)
    %dma_start3A_72 = arith.constant 1 : i32
    %dma_start3A_73 = arith.constant 128 : i32
    %dma_start3A_74 = arith.constant 0 : i32
    %dma_start3A_75 = tpu.memref_slice %arg10[%dma_start3A_73, %dma_start3A_74] : memref<256x128xf32, #tpu.memory_space<vmem>> -> memref<128x128xf32, #tpu.memory_space<vmem>>
    %dma_start3A_76 = arith.constant 0 : i32
    %dma_start3A_77 = tpu.memref_slice %arg8[%dma_start3A_72, %dma_start3A_76] : memref<40x128xi32, #tpu.memory_space<vmem>> -> memref<1x128xi32, #tpu.memory_space<vmem>>
    %dma_start3A_78 = tpu.memref_squeeze %dma_start3A_77 : memref<1x128xi32, #tpu.memory_space<vmem>> -> memref<128xi32, #tpu.memory_space<vmem>>
    %dma_start3A_79 = arith.constant 0 : i32
    %dma_start3A_80 = arith.constant 0 : i32
    %dma_start3A_81 = tpu.memref_slice %arg2[%dma_start3A_79, %dma_start3A_80] : memref<190000x128xf32, #tpu.memory_space<hbm>> -> memref<190000x128xf32, #tpu.memory_space<hbm>>
    tpu.enqueue_indirect_dma source(%dma_start3A_81 : memref<190000x128xf32, #tpu.memory_space<hbm>>) target(%dma_start3A_75 : memref<128x128xf32, #tpu.memory_space<vmem>>) offsets(%dma_start3A_78 : memref<128xi32, #tpu.memory_space<vmem>>) semaphore(%arg12 : memref<!tpu.dma_semaphore, #tpu.memory_space<semaphore_mem>>)
    %dma_wait3A_82 = arith.constant 0 : i32
    %dma_wait3A_83 = arith.constant 0 : i32
    %dma_wait3A_84 = arith.constant 0 : i32
    %dma_wait3A_85 = tpu.memref_slice %arg10[%dma_wait3A_83, %dma_wait3A_84] : memref<256x128xf32, #tpu.memory_space<vmem>> -> memref<128x128xf32, #tpu.memory_space<vmem>>
    %dma_wait3A_86 = arith.constant 0 : i32
    %dma_wait3A_87 = tpu.memref_slice %arg8[%dma_wait3A_82, %dma_wait3A_86] : memref<40x128xi32, #tpu.memory_space<vmem>> -> memref<1x128xi32, #tpu.memory_space<vmem>>
    %dma_wait3A_88 = tpu.memref_squeeze %dma_wait3A_87 : memref<1x128xi32, #tpu.memory_space<vmem>> -> memref<128xi32, #tpu.memory_space<vmem>>
    %dma_wait3A_89 = arith.constant 0 : i32
    %dma_wait3A_90 = arith.constant 0 : i32
    %dma_wait3A_91 = tpu.memref_slice %arg2[%dma_wait3A_89, %dma_wait3A_90] : memref<190000x128xf32, #tpu.memory_space<hbm>> -> memref<190000x128xf32, #tpu.memory_space<hbm>>
    tpu.wait_indirect_dma semaphore(%arg12 : memref<!tpu.dma_semaphore, #tpu.memory_space<semaphore_mem>>) src(%dma_wait3A_91 : memref<190000x128xf32, #tpu.memory_space<hbm>>) dst(%dma_wait3A_85 : memref<128x128xf32, #tpu.memory_space<vmem>>)
    %dma_start3A_92 = arith.constant 0 : i32
    %dma_start3A_93 = arith.constant 0 : i32
    %dma_start3A_94 = arith.constant 0 : i32
    %dma_start3A_95 = tpu.memref_slice %arg10[%dma_start3A_93, %dma_start3A_94] : memref<256x128xf32, #tpu.memory_space<vmem>> -> memref<128x128xf32, #tpu.memory_space<vmem>>
    %dma_start3A_96 = arith.constant 0 : i32
    %dma_start3A_97 = tpu.memref_slice %arg9[%dma_start3A_92, %dma_start3A_96] : memref<40x128xi32, #tpu.memory_space<vmem>> -> memref<1x128xi32, #tpu.memory_space<vmem>>
    %dma_start3A_98 = tpu.memref_squeeze %dma_start3A_97 : memref<1x128xi32, #tpu.memory_space<vmem>> -> memref<128xi32, #tpu.memory_space<vmem>>
    %dma_start3A_99 = arith.constant 0 : i32
    %dma_start3A_100 = arith.constant 0 : i32
    %dma_start3A_101 = tpu.memref_slice %arg11[%dma_start3A_99, %dma_start3A_100] : memref<10112x128xf32, #tpu.memory_space<vmem_shared>> -> memref<10112x128xf32, #tpu.memory_space<vmem_shared>>
    tpu.enqueue_indirect_dma source(%dma_start3A_95 : memref<128x128xf32, #tpu.memory_space<vmem>>) target(%dma_start3A_101 : memref<10112x128xf32, #tpu.memory_space<vmem_shared>>) offsets(%dma_start3A_98 : memref<128xi32, #tpu.memory_space<vmem>>) semaphore(%arg13 : memref<!tpu.dma_semaphore, #tpu.memory_space<semaphore_mem>>) {add = true}
    %scan3A_102 = arith.constant 0 : i32
    %scan3A_103 = arith.constant 0 : i32
    %scan3A_104 = arith.constant 39 : i32
    %scan3A_105 = arith.addi %scan3A_103, %scan3A_104 : i32
    %scan3A_106 = arith.constant 1 : i32
    scf.for %scan3A_126 = %scan3A_103 to %scan3A_105 step %scan3A_106  : i32 {
      %add3A_127 = arith.constant 1 : i32
      %add3A_128 = arith.addi %scan3A_126, %add3A_127 : i32
      %sub3A = arith.constant 1 : i32
      %sub3A_129 = arith.subi %add3A_128, %sub3A : i32
      %jit3A = arith.constant 2 : i32
      %eq3A_130 = arith.constant 0 : i32
      %eq3A_131 = arith.cmpi eq, %jit3A, %eq3A_130 : i32
      %jit3A_132 = arith.constant 1 : i32
      %select_n3A = arith.select %eq3A_131, %jit3A_132, %jit3A : i32
      %rem3A = arith.remsi %sub3A_129, %select_n3A : i32
      %ne3A = arith.constant 0 : i32
      %ne3A_133 = arith.cmpi ne, %rem3A, %ne3A : i32
      %lt3A = arith.constant 0 : i32
      %lt3A_134 = arith.cmpi slt, %rem3A, %lt3A : i32
      %lt3A_135 = arith.constant 0 : i32
      %lt3A_136 = arith.cmpi slt, %select_n3A, %lt3A_135 : i32
      %ne3A_137 = arith.xori %lt3A_134, %lt3A_136 : i1
      %and3A = arith.andi %ne3A_137, %ne3A_133 : i1
      %add3A_138 = arith.addi %rem3A, %select_n3A : i32
      %select_n3A_139 = arith.select %and3A, %add3A_138, %rem3A : i32
      %mul3A_140 = arith.constant 128 : i32
      %mul3A_141 = arith.muli %select_n3A_139, %mul3A_140 : i32
      %dma_wait3A_142 = arith.constant 0 : i32
      %dma_wait3A_143 = tpu.memref_slice %arg10[%mul3A_141, %dma_wait3A_142] : memref<256x128xf32, #tpu.memory_space<vmem>> -> memref<128x128xf32, #tpu.memory_space<vmem>>
      %dma_wait3A_144 = arith.constant 0 : i32
      %dma_wait3A_145 = tpu.memref_slice %arg9[%sub3A_129, %dma_wait3A_144] : memref<40x128xi32, #tpu.memory_space<vmem>> -> memref<1x128xi32, #tpu.memory_space<vmem>>
      %dma_wait3A_146 = tpu.memref_squeeze %dma_wait3A_145 : memref<1x128xi32, #tpu.memory_space<vmem>> -> memref<128xi32, #tpu.memory_space<vmem>>
      %dma_wait3A_147 = arith.constant 0 : i32
      %dma_wait3A_148 = arith.constant 0 : i32
      %dma_wait3A_149 = tpu.memref_slice %arg11[%dma_wait3A_147, %dma_wait3A_148] : memref<10112x128xf32, #tpu.memory_space<vmem_shared>> -> memref<10112x128xf32, #tpu.memory_space<vmem_shared>>
      tpu.wait_indirect_dma semaphore(%arg13 : memref<!tpu.dma_semaphore, #tpu.memory_space<semaphore_mem>>) src(%dma_wait3A_143 : memref<128x128xf32, #tpu.memory_space<vmem>>) dst(%dma_wait3A_149 : memref<10112x128xf32, #tpu.memory_space<vmem_shared>>)
      %add3A_150 = arith.constant 1 : i32
      %add3A_151 = arith.addi %add3A_128, %add3A_150 : i32
      %lt3A_152 = arith.constant 40 : i32
      %lt3A_153 = arith.cmpi slt, %add3A_151, %lt3A_152 : i32
      %convert_element_type3A_154 = arith.extui %lt3A_153 : i1 to i32
      %cond3A_155 = arith.constant 0 : i32
      %cond3A_156 = arith.cmpi ne, %convert_element_type3A_154, %cond3A_155 : i32
      scf.if %cond3A_156 {
        %add3A_209 = arith.constant 1 : i32
        %add3A_210 = arith.addi %add3A_128, %add3A_209 : i32
        %add3A_211 = arith.constant 1 : i32
        %add3A_212 = arith.addi %add3A_128, %add3A_211 : i32
        %jit3A_213 = arith.constant 2 : i32
        %eq3A_214 = arith.constant 0 : i32
        %eq3A_215 = arith.cmpi eq, %jit3A_213, %eq3A_214 : i32
        %jit3A_216 = arith.constant 1 : i32
        %select_n3A_217 = arith.select %eq3A_215, %jit3A_216, %jit3A_213 : i32
        %rem3A_218 = arith.remsi %add3A_212, %select_n3A_217 : i32
        %ne3A_219 = arith.constant 0 : i32
        %ne3A_220 = arith.cmpi ne, %rem3A_218, %ne3A_219 : i32
        %lt3A_221 = arith.constant 0 : i32
        %lt3A_222 = arith.cmpi slt, %rem3A_218, %lt3A_221 : i32
        %lt3A_223 = arith.constant 0 : i32
        %lt3A_224 = arith.cmpi slt, %select_n3A_217, %lt3A_223 : i32
        %ne3A_225 = arith.xori %lt3A_222, %lt3A_224 : i1
        %and3A_226 = arith.andi %ne3A_225, %ne3A_220 : i1
        %add3A_227 = arith.addi %rem3A_218, %select_n3A_217 : i32
        %select_n3A_228 = arith.select %and3A_226, %add3A_227, %rem3A_218 : i32
        %mul3A_229 = arith.constant 128 : i32
        %mul3A_230 = arith.muli %select_n3A_228, %mul3A_229 : i32
        %dma_start3A_231 = arith.constant 0 : i32
        %dma_start3A_232 = tpu.memref_slice %arg10[%mul3A_230, %dma_start3A_231] : memref<256x128xf32, #tpu.memory_space<vmem>> -> memref<128x128xf32, #tpu.memory_space<vmem>>
        %dma_start3A_233 = arith.constant 0 : i32
        %dma_start3A_234 = tpu.memref_slice %arg8[%add3A_210, %dma_start3A_233] : memref<40x128xi32, #tpu.memory_space<vmem>> -> memref<1x128xi32, #tpu.memory_space<vmem>>
        %dma_start3A_235 = tpu.memref_squeeze %dma_start3A_234 : memref<1x128xi32, #tpu.memory_space<vmem>> -> memref<128xi32, #tpu.memory_space<vmem>>
        %dma_start3A_236 = arith.constant 0 : i32
        %dma_start3A_237 = arith.constant 0 : i32
        %dma_start3A_238 = tpu.memref_slice %arg2[%dma_start3A_236, %dma_start3A_237] : memref<190000x128xf32, #tpu.memory_space<hbm>> -> memref<190000x128xf32, #tpu.memory_space<hbm>>
        tpu.enqueue_indirect_dma source(%dma_start3A_238 : memref<190000x128xf32, #tpu.memory_space<hbm>>) target(%dma_start3A_232 : memref<128x128xf32, #tpu.memory_space<vmem>>) offsets(%dma_start3A_235 : memref<128xi32, #tpu.memory_space<vmem>>) semaphore(%arg12 : memref<!tpu.dma_semaphore, #tpu.memory_space<semaphore_mem>>)
      } else {
      }
      %jit3A_157 = arith.constant 2 : i32
      %eq3A_158 = arith.constant 0 : i32
      %eq3A_159 = arith.cmpi eq, %jit3A_157, %eq3A_158 : i32
      %jit3A_160 = arith.constant 1 : i32
      %select_n3A_161 = arith.select %eq3A_159, %jit3A_160, %jit3A_157 : i32
      %rem3A_162 = arith.remsi %add3A_128, %select_n3A_161 : i32
      %ne3A_163 = arith.constant 0 : i32
      %ne3A_164 = arith.cmpi ne, %rem3A_162, %ne3A_163 : i32
      %lt3A_165 = arith.constant 0 : i32
      %lt3A_166 = arith.cmpi slt, %rem3A_162, %lt3A_165 : i32
      %lt3A_167 = arith.constant 0 : i32
      %lt3A_168 = arith.cmpi slt, %select_n3A_161, %lt3A_167 : i32
      %ne3A_169 = arith.xori %lt3A_166, %lt3A_168 : i1
      %and3A_170 = arith.andi %ne3A_169, %ne3A_164 : i1
      %add3A_171 = arith.addi %rem3A_162, %select_n3A_161 : i32
      %select_n3A_172 = arith.select %and3A_170, %add3A_171, %rem3A_162 : i32
      %mul3A_173 = arith.constant 128 : i32
      %mul3A_174 = arith.muli %select_n3A_172, %mul3A_173 : i32
      %dma_wait3A_175 = arith.constant 0 : i32
      %dma_wait3A_176 = tpu.memref_slice %arg10[%mul3A_174, %dma_wait3A_175] : memref<256x128xf32, #tpu.memory_space<vmem>> -> memref<128x128xf32, #tpu.memory_space<vmem>>
      %dma_wait3A_177 = arith.constant 0 : i32
      %dma_wait3A_178 = tpu.memref_slice %arg8[%add3A_128, %dma_wait3A_177] : memref<40x128xi32, #tpu.memory_space<vmem>> -> memref<1x128xi32, #tpu.memory_space<vmem>>
      %dma_wait3A_179 = tpu.memref_squeeze %dma_wait3A_178 : memref<1x128xi32, #tpu.memory_space<vmem>> -> memref<128xi32, #tpu.memory_space<vmem>>
      %dma_wait3A_180 = arith.constant 0 : i32
      %dma_wait3A_181 = arith.constant 0 : i32
      %dma_wait3A_182 = tpu.memref_slice %arg2[%dma_wait3A_180, %dma_wait3A_181] : memref<190000x128xf32, #tpu.memory_space<hbm>> -> memref<190000x128xf32, #tpu.memory_space<hbm>>
      tpu.wait_indirect_dma semaphore(%arg12 : memref<!tpu.dma_semaphore, #tpu.memory_space<semaphore_mem>>) src(%dma_wait3A_182 : memref<190000x128xf32, #tpu.memory_space<hbm>>) dst(%dma_wait3A_176 : memref<128x128xf32, #tpu.memory_space<vmem>>)
      %jit3A_183 = arith.constant 2 : i32
      %eq3A_184 = arith.constant 0 : i32
      %eq3A_185 = arith.cmpi eq, %jit3A_183, %eq3A_184 : i32
      %jit3A_186 = arith.constant 1 : i32
      %select_n3A_187 = arith.select %eq3A_185, %jit3A_186, %jit3A_183 : i32
      %rem3A_188 = arith.remsi %add3A_128, %select_n3A_187 : i32
      %ne3A_189 = arith.constant 0 : i32
      %ne3A_190 = arith.cmpi ne, %rem3A_188, %ne3A_189 : i32
      %lt3A_191 = arith.constant 0 : i32
      %lt3A_192 = arith.cmpi slt, %rem3A_188, %lt3A_191 : i32
      %lt3A_193 = arith.constant 0 : i32
      %lt3A_194 = arith.cmpi slt, %select_n3A_187, %lt3A_193 : i32
      %ne3A_195 = arith.xori %lt3A_192, %lt3A_194 : i1
      %and3A_196 = arith.andi %ne3A_195, %ne3A_190 : i1
      %add3A_197 = arith.addi %rem3A_188, %select_n3A_187 : i32
      %select_n3A_198 = arith.select %and3A_196, %add3A_197, %rem3A_188 : i32
      %mul3A_199 = arith.constant 128 : i32
      %mul3A_200 = arith.muli %select_n3A_198, %mul3A_199 : i32
      %dma_start3A_201 = arith.constant 0 : i32
      %dma_start3A_202 = tpu.memref_slice %arg10[%mul3A_200, %dma_start3A_201] : memref<256x128xf32, #tpu.memory_space<vmem>> -> memref<128x128xf32, #tpu.memory_space<vmem>>
      %dma_start3A_203 = arith.constant 0 : i32
      %dma_start3A_204 = tpu.memref_slice %arg9[%add3A_128, %dma_start3A_203] : memref<40x128xi32, #tpu.memory_space<vmem>> -> memref<1x128xi32, #tpu.memory_space<vmem>>
      %dma_start3A_205 = tpu.memref_squeeze %dma_start3A_204 : memref<1x128xi32, #tpu.memory_space<vmem>> -> memref<128xi32, #tpu.memory_space<vmem>>
      %dma_start3A_206 = arith.constant 0 : i32
      %dma_start3A_207 = arith.constant 0 : i32
      %dma_start3A_208 = tpu.memref_slice %arg11[%dma_start3A_206, %dma_start3A_207] : memref<10112x128xf32, #tpu.memory_space<vmem_shared>> -> memref<10112x128xf32, #tpu.memory_space<vmem_shared>>
      tpu.enqueue_indirect_dma source(%dma_start3A_202 : memref<128x128xf32, #tpu.memory_space<vmem>>) target(%dma_start3A_208 : memref<10112x128xf32, #tpu.memory_space<vmem_shared>>) offsets(%dma_start3A_205 : memref<128xi32, #tpu.memory_space<vmem>>) semaphore(%arg13 : memref<!tpu.dma_semaphore, #tpu.memory_space<semaphore_mem>>) {add = true}
    }
    %scan3A_107 = arith.constant 39 : i32
    %dma_wait3A_108 = arith.constant 39 : i32
    %dma_wait3A_109 = arith.constant 128 : i32
    %dma_wait3A_110 = arith.constant 0 : i32
    %dma_wait3A_111 = tpu.memref_slice %arg10[%dma_wait3A_109, %dma_wait3A_110] : memref<256x128xf32, #tpu.memory_space<vmem>> -> memref<128x128xf32, #tpu.memory_space<vmem>>
    %dma_wait3A_112 = arith.constant 0 : i32
    %dma_wait3A_113 = tpu.memref_slice %arg9[%dma_wait3A_108, %dma_wait3A_112] : memref<40x128xi32, #tpu.memory_space<vmem>> -> memref<1x128xi32, #tpu.memory_space<vmem>>
    %dma_wait3A_114 = tpu.memref_squeeze %dma_wait3A_113 : memref<1x128xi32, #tpu.memory_space<vmem>> -> memref<128xi32, #tpu.memory_space<vmem>>
    %dma_wait3A_115 = arith.constant 0 : i32
    %dma_wait3A_116 = arith.constant 0 : i32
    %dma_wait3A_117 = tpu.memref_slice %arg11[%dma_wait3A_115, %dma_wait3A_116] : memref<10112x128xf32, #tpu.memory_space<vmem_shared>> -> memref<10112x128xf32, #tpu.memory_space<vmem_shared>>
    tpu.wait_indirect_dma semaphore(%arg13 : memref<!tpu.dma_semaphore, #tpu.memory_space<semaphore_mem>>) src(%dma_wait3A_111 : memref<128x128xf32, #tpu.memory_space<vmem>>) dst(%dma_wait3A_117 : memref<10112x128xf32, #tpu.memory_space<vmem_shared>>)
    %barrier3A_118 = arith.constant 0 : index
    tpu.barrier barrier_id(%barrier3A_118)
    %eq3A = arith.constant 0 : i32
    %eq3A_119 = arith.cmpi eq, %arg0, %eq3A : i32
    %convert_element_type3A = arith.extui %eq3A_119 : i1 to i32
    %cond3A = arith.constant 0 : i32
    %cond3A_120 = arith.cmpi ne, %convert_element_type3A, %cond3A : i32
    scf.if %cond3A_120 {
      "tpu.region"() ({
        %run_scoped3A = tpu.sem_alloc : memref<!tpu.dma_semaphore, #tpu.memory_space<semaphore_mem>>
        %dma_start3A_126 = arith.constant 0 : i32
        %dma_start3A_127 = tpu.memref_slice %arg6[%mul3A_2, %dma_start3A_126] : memref<10112x128xf32, #tpu.memory_space<hbm>> -> memref<632x128xf32, #tpu.memory_space<hbm>>
        %dma_start3A_128 = arith.constant 0 : i32
        %dma_start3A_129 = tpu.memref_slice %arg11[%mul3A_2, %dma_start3A_128] : memref<10112x128xf32, #tpu.memory_space<vmem_shared>> -> memref<632x128xf32, #tpu.memory_space<vmem_shared>>
        tpu.enqueue_dma source(%dma_start3A_129 : memref<632x128xf32, #tpu.memory_space<vmem_shared>>) target(%dma_start3A_127 : memref<632x128xf32, #tpu.memory_space<hbm>>) target_semaphore(%run_scoped3A : memref<!tpu.dma_semaphore, #tpu.memory_space<semaphore_mem>>)
        %dma_wait3A_130 = arith.constant 0 : i32
        %dma_wait3A_131 = tpu.memref_slice %arg6[%mul3A_2, %dma_wait3A_130] : memref<10112x128xf32, #tpu.memory_space<hbm>> -> memref<632x128xf32, #tpu.memory_space<hbm>>
        %dma_wait3A_132 = arith.constant 0 : i32
        %dma_wait3A_133 = tpu.memref_slice %arg11[%mul3A_2, %dma_wait3A_132] : memref<10112x128xf32, #tpu.memory_space<vmem_shared>> -> memref<632x128xf32, #tpu.memory_space<vmem_shared>>
        tpu.wait_dma2 semaphore(%run_scoped3A : memref<!tpu.dma_semaphore, #tpu.memory_space<semaphore_mem>>) src(%dma_wait3A_133 : memref<632x128xf32, #tpu.memory_space<vmem_shared>>) dst(%dma_wait3A_131 : memref<632x128xf32, #tpu.memory_space<hbm>>)
        tpu.yield
      }) : () -> ()
    } else {
    }
    %eq3A_121 = arith.constant 1 : i32
    %eq3A_122 = arith.cmpi eq, %arg0, %eq3A_121 : i32
    %convert_element_type3A_123 = arith.extui %eq3A_122 : i1 to i32
    %cond3A_124 = arith.constant 0 : i32
    %cond3A_125 = arith.cmpi ne, %convert_element_type3A_123, %cond3A_124 : i32
    scf.if %cond3A_125 {
      "tpu.region"() ({
        %run_scoped3A = tpu.sem_alloc : memref<!tpu.dma_semaphore, #tpu.memory_space<semaphore_mem>>
        %dma_start3A_126 = arith.constant 0 : i32
        %dma_start3A_127 = tpu.memref_slice %arg7[%mul3A_2, %dma_start3A_126] : memref<10112x128xf32, #tpu.memory_space<hbm>> -> memref<632x128xf32, #tpu.memory_space<hbm>>
        %dma_start3A_128 = arith.constant 0 : i32
        %dma_start3A_129 = tpu.memref_slice %arg11[%mul3A_2, %dma_start3A_128] : memref<10112x128xf32, #tpu.memory_space<vmem_shared>> -> memref<632x128xf32, #tpu.memory_space<vmem_shared>>
        tpu.enqueue_dma source(%dma_start3A_129 : memref<632x128xf32, #tpu.memory_space<vmem_shared>>) target(%dma_start3A_127 : memref<632x128xf32, #tpu.memory_space<hbm>>) target_semaphore(%run_scoped3A : memref<!tpu.dma_semaphore, #tpu.memory_space<semaphore_mem>>)
        %dma_wait3A_130 = arith.constant 0 : i32
        %dma_wait3A_131 = tpu.memref_slice %arg7[%mul3A_2, %dma_wait3A_130] : memref<10112x128xf32, #tpu.memory_space<hbm>> -> memref<632x128xf32, #tpu.memory_space<hbm>>
        %dma_wait3A_132 = arith.constant 0 : i32
        %dma_wait3A_133 = tpu.memref_slice %arg11[%mul3A_2, %dma_wait3A_132] : memref<10112x128xf32, #tpu.memory_space<vmem_shared>> -> memref<632x128xf32, #tpu.memory_space<vmem_shared>>
        tpu.wait_dma2 semaphore(%run_scoped3A : memref<!tpu.dma_semaphore, #tpu.memory_space<semaphore_mem>>) src(%dma_wait3A_133 : memref<632x128xf32, #tpu.memory_space<vmem_shared>>) dst(%dma_wait3A_131 : memref<632x128xf32, #tpu.memory_space<hbm>>)
        tpu.yield
      }) : () -> ()
    } else {
    }
    return
  }
}

#map = affine_map<(d0, d1) -> (0, 0)>
module attributes {stable_mosaic.version = 14 : i64} {
  func.func @k(%arg0: i32, %arg1: i32, %arg2: memref<190000x128xf32, #tpu.memory_space<hbm>>, %arg3: memref<2560x128xi32, #tpu.memory_space<hbm>>, %arg4: memref<2560x128xi32, #tpu.memory_space<hbm>>, %arg5: memref<632x128xf32, #tpu.memory_space<hbm>>, %arg6: memref<10112x128xf32, #tpu.memory_space<hbm>>, %arg7: memref<10112x128xf32, #tpu.memory_space<hbm>>, %arg8: memref<40x128xi32, #tpu.memory_space<vmem>>, %arg9: memref<40x128xi32, #tpu.memory_space<vmem>>, %arg10: memref<256x128xf32, #tpu.memory_space<vmem>>, %arg11: memref<10112x128xf32, #tpu.memory_space<vmem_shared>>, %arg12: memref<!tpu.dma_semaphore, #tpu.memory_space<semaphore_mem>>, %arg13: memref<!tpu.dma_semaphore, #tpu.memory_space<semaphore_mem>>) attributes {dimension_semantics = [#tpu.dimension_semantics<core_parallel>, #tpu.dimension_semantics<subcore_parallel>], iteration_bounds = array<i64: 2, 16>, scalar_prefetch = 0 : i64, scratch_operands = 6 : i64, tpu.core_type = #tpu.core_type<sc_vector_subcore>, window_params = [{transform_indices = #map}, {transform_indices = #map}, {transform_indices = #map}, {transform_indices = #map}, {transform_indices = #map}, {transform_indices = #map}]} {
    %mul3A = arith.constant 2 : i32
    %mul3A_0 = arith.muli %arg1, %mul3A : i32
    %add3A = arith.addi %mul3A_0, %arg0 : i32
    %mul3A_1 = arith.constant 632 : i32
    %mul3A_2 = arith.muli %arg1, %mul3A_1 : i32
    %mul3A_3 = arith.constant 80 : i32
    %mul3A_4 = arith.muli %add3A, %mul3A_3 : i32
    %add3A_5 = arith.constant 0 : i32
    %add3A_6 = arith.addi %mul3A_4, %add3A_5 : i32
    "tpu.region"() ({
      %run_scoped3A = tpu.sem_alloc : memref<!tpu.dma_semaphore, #tpu.memory_space<semaphore_mem>>
      %dma_start3A_126 = arith.constant 0 : i32
      %dma_start3A_127 = tpu.memref_slice %arg3[%add3A_6, %dma_start3A_126] : memref<2560x128xi32, #tpu.memory_space<hbm>> -> memref<40x128xi32, #tpu.memory_space<hbm>>
      %dma_start3A_128 = arith.constant 0 : i32
      %dma_start3A_129 = tpu.memref_slice %arg3[%add3A_6, %dma_start3A_128] : memref<2560x128xi32, #tpu.memory_space<hbm>> -> memref<40x128xi32, #tpu.memory_space<hbm>>
      tpu.enqueue_dma source(%dma_start3A_129 : memref<40x128xi32, #tpu.memory_space<hbm>>) target(%arg8 : memref<40x128xi32, #tpu.memory_space<vmem>>) target_semaphore(%run_scoped3A : memref<!tpu.dma_semaphore, #tpu.memory_space<semaphore_mem>>)
      %dma_wait3A_130 = arith.constant 0 : i32
      %dma_wait3A_131 = tpu.memref_slice %arg3[%add3A_6, %dma_wait3A_130] : memref<2560x128xi32, #tpu.memory_space<hbm>> -> memref<40x128xi32, #tpu.memory_space<hbm>>
      %dma_wait3A_132 = arith.constant 0 : i32
      %dma_wait3A_133 = tpu.memref_slice %arg3[%add3A_6, %dma_wait3A_132] : memref<2560x128xi32, #tpu.memory_space<hbm>> -> memref<40x128xi32, #tpu.memory_space<hbm>>
      tpu.wait_dma2 semaphore(%run_scoped3A : memref<!tpu.dma_semaphore, #tpu.memory_space<semaphore_mem>>) src(%dma_wait3A_133 : memref<40x128xi32, #tpu.memory_space<hbm>>) dst(%arg8 : memref<40x128xi32, #tpu.memory_space<vmem>>)
      tpu.yield
    }) : () -> ()
    "tpu.region"() ({
      %run_scoped3A = tpu.sem_alloc : memref<!tpu.dma_semaphore, #tpu.memory_space<semaphore_mem>>
      %dma_start3A_126 = arith.constant 0 : i32
      %dma_start3A_127 = tpu.memref_slice %arg4[%add3A_6, %dma_start3A_126] : memref<2560x128xi32, #tpu.memory_space<hbm>> -> memref<40x128xi32, #tpu.memory_space<hbm>>
      %dma_start3A_128 = arith.constant 0 : i32
      %dma_start3A_129 = tpu.memref_slice %arg4[%add3A_6, %dma_start3A_128] : memref<2560x128xi32, #tpu.memory_space<hbm>> -> memref<40x128xi32, #tpu.memory_space<hbm>>
      tpu.enqueue_dma source(%dma_start3A_129 : memref<40x128xi32, #tpu.memory_space<hbm>>) target(%arg9 : memref<40x128xi32, #tpu.memory_space<vmem>>) target_semaphore(%run_scoped3A : memref<!tpu.dma_semaphore, #tpu.memory_space<semaphore_mem>>)
      %dma_wait3A_130 = arith.constant 0 : i32
      %dma_wait3A_131 = tpu.memref_slice %arg4[%add3A_6, %dma_wait3A_130] : memref<2560x128xi32, #tpu.memory_space<hbm>> -> memref<40x128xi32, #tpu.memory_space<hbm>>
      %dma_wait3A_132 = arith.constant 0 : i32
      %dma_wait3A_133 = tpu.memref_slice %arg4[%add3A_6, %dma_wait3A_132] : memref<2560x128xi32, #tpu.memory_space<hbm>> -> memref<40x128xi32, #tpu.memory_space<hbm>>
      tpu.wait_dma2 semaphore(%run_scoped3A : memref<!tpu.dma_semaphore, #tpu.memory_space<semaphore_mem>>) src(%dma_wait3A_133 : memref<40x128xi32, #tpu.memory_space<hbm>>) dst(%arg9 : memref<40x128xi32, #tpu.memory_space<vmem>>)
      tpu.yield
    }) : () -> ()
    %dma_start3A = arith.constant 0 : i32
    %dma_start3A_7 = arith.constant 0 : i32
    %dma_start3A_8 = arith.constant 0 : i32
    %dma_start3A_9 = tpu.memref_slice %arg10[%dma_start3A_7, %dma_start3A_8] : memref<256x128xf32, #tpu.memory_space<vmem>> -> memref<128x128xf32, #tpu.memory_space<vmem>>
    %dma_start3A_10 = arith.constant 0 : i32
    %dma_start3A_11 = tpu.memref_slice %arg8[%dma_start3A, %dma_start3A_10] : memref<40x128xi32, #tpu.memory_space<vmem>> -> memref<1x128xi32, #tpu.memory_space<vmem>>
    %dma_start3A_12 = tpu.memref_squeeze %dma_start3A_11 : memref<1x128xi32, #tpu.memory_space<vmem>> -> memref<128xi32, #tpu.memory_space<vmem>>
    %dma_start3A_13 = arith.constant 0 : i32
    %dma_start3A_14 = arith.constant 0 : i32
    %dma_start3A_15 = tpu.memref_slice %arg2[%dma_start3A_13, %dma_start3A_14] : memref<190000x128xf32, #tpu.memory_space<hbm>> -> memref<190000x128xf32, #tpu.memory_space<hbm>>
    tpu.enqueue_indirect_dma source(%dma_start3A_15 : memref<190000x128xf32, #tpu.memory_space<hbm>>) target(%dma_start3A_9 : memref<128x128xf32, #tpu.memory_space<vmem>>) offsets(%dma_start3A_12 : memref<128xi32, #tpu.memory_space<vmem>>) semaphore(%arg12 : memref<!tpu.dma_semaphore, #tpu.memory_space<semaphore_mem>>)
    %dma_start3A_16 = arith.constant 1 : i32
    %dma_start3A_17 = arith.constant 128 : i32
    %dma_start3A_18 = arith.constant 0 : i32
    %dma_start3A_19 = tpu.memref_slice %arg10[%dma_start3A_17, %dma_start3A_18] : memref<256x128xf32, #tpu.memory_space<vmem>> -> memref<128x128xf32, #tpu.memory_space<vmem>>
    %dma_start3A_20 = arith.constant 0 : i32
    %dma_start3A_21 = tpu.memref_slice %arg8[%dma_start3A_16, %dma_start3A_20] : memref<40x128xi32, #tpu.memory_space<vmem>> -> memref<1x128xi32, #tpu.memory_space<vmem>>
    %dma_start3A_22 = tpu.memref_squeeze %dma_start3A_21 : memref<1x128xi32, #tpu.memory_space<vmem>> -> memref<128xi32, #tpu.memory_space<vmem>>
    %dma_start3A_23 = arith.constant 0 : i32
    %dma_start3A_24 = arith.constant 0 : i32
    %dma_start3A_25 = tpu.memref_slice %arg2[%dma_start3A_23, %dma_start3A_24] : memref<190000x128xf32, #tpu.memory_space<hbm>> -> memref<190000x128xf32, #tpu.memory_space<hbm>>
    tpu.enqueue_indirect_dma source(%dma_start3A_25 : memref<190000x128xf32, #tpu.memory_space<hbm>>) target(%dma_start3A_19 : memref<128x128xf32, #tpu.memory_space<vmem>>) offsets(%dma_start3A_22 : memref<128xi32, #tpu.memory_space<vmem>>) semaphore(%arg12 : memref<!tpu.dma_semaphore, #tpu.memory_space<semaphore_mem>>)
    "tpu.region"() ({
      %run_scoped3A = tpu.sem_alloc : memref<!tpu.dma_semaphore, #tpu.memory_space<semaphore_mem>>
      %dma_start3A_126 = arith.constant 0 : i32
      %dma_start3A_127 = tpu.memref_slice %arg11[%mul3A_2, %dma_start3A_126] : memref<10112x128xf32, #tpu.memory_space<vmem_shared>> -> memref<632x128xf32, #tpu.memory_space<vmem_shared>>
      tpu.enqueue_dma source(%arg5 : memref<632x128xf32, #tpu.memory_space<hbm>>) target(%dma_start3A_127 : memref<632x128xf32, #tpu.memory_space<vmem_shared>>) target_semaphore(%run_scoped3A : memref<!tpu.dma_semaphore, #tpu.memory_space<semaphore_mem>>)
      %dma_wait3A_128 = arith.constant 0 : i32
      %dma_wait3A_129 = tpu.memref_slice %arg11[%mul3A_2, %dma_wait3A_128] : memref<10112x128xf32, #tpu.memory_space<vmem_shared>> -> memref<632x128xf32, #tpu.memory_space<vmem_shared>>
      tpu.wait_dma2 semaphore(%run_scoped3A : memref<!tpu.dma_semaphore, #tpu.memory_space<semaphore_mem>>) src(%arg5 : memref<632x128xf32, #tpu.memory_space<hbm>>) dst(%dma_wait3A_129 : memref<632x128xf32, #tpu.memory_space<vmem_shared>>)
      tpu.yield
    }) : () -> ()
    %barrier3A = arith.constant 0 : index
    tpu.barrier barrier_id(%barrier3A)
    %dma_wait3A = arith.constant 0 : i32
    %dma_wait3A_26 = arith.constant 0 : i32
    %dma_wait3A_27 = arith.constant 0 : i32
    %dma_wait3A_28 = tpu.memref_slice %arg10[%dma_wait3A_26, %dma_wait3A_27] : memref<256x128xf32, #tpu.memory_space<vmem>> -> memref<128x128xf32, #tpu.memory_space<vmem>>
    %dma_wait3A_29 = arith.constant 0 : i32
    %dma_wait3A_30 = tpu.memref_slice %arg8[%dma_wait3A, %dma_wait3A_29] : memref<40x128xi32, #tpu.memory_space<vmem>> -> memref<1x128xi32, #tpu.memory_space<vmem>>
    %dma_wait3A_31 = tpu.memref_squeeze %dma_wait3A_30 : memref<1x128xi32, #tpu.memory_space<vmem>> -> memref<128xi32, #tpu.memory_space<vmem>>
    %dma_wait3A_32 = arith.constant 0 : i32
    %dma_wait3A_33 = arith.constant 0 : i32
    %dma_wait3A_34 = tpu.memref_slice %arg2[%dma_wait3A_32, %dma_wait3A_33] : memref<190000x128xf32, #tpu.memory_space<hbm>> -> memref<190000x128xf32, #tpu.memory_space<hbm>>
    tpu.wait_indirect_dma semaphore(%arg12 : memref<!tpu.dma_semaphore, #tpu.memory_space<semaphore_mem>>) src(%dma_wait3A_34 : memref<190000x128xf32, #tpu.memory_space<hbm>>) dst(%dma_wait3A_28 : memref<128x128xf32, #tpu.memory_space<vmem>>)
    %dma_start3A_35 = arith.constant 0 : i32
    %dma_start3A_36 = arith.constant 0 : i32
    %dma_start3A_37 = arith.constant 0 : i32
    %dma_start3A_38 = tpu.memref_slice %arg10[%dma_start3A_36, %dma_start3A_37] : memref<256x128xf32, #tpu.memory_space<vmem>> -> memref<128x128xf32, #tpu.memory_space<vmem>>
    %dma_start3A_39 = arith.constant 0 : i32
    %dma_start3A_40 = tpu.memref_slice %arg9[%dma_start3A_35, %dma_start3A_39] : memref<40x128xi32, #tpu.memory_space<vmem>> -> memref<1x128xi32, #tpu.memory_space<vmem>>
    %dma_start3A_41 = tpu.memref_squeeze %dma_start3A_40 : memref<1x128xi32, #tpu.memory_space<vmem>> -> memref<128xi32, #tpu.memory_space<vmem>>
    %dma_start3A_42 = arith.constant 0 : i32
    %dma_start3A_43 = arith.constant 0 : i32
    %dma_start3A_44 = tpu.memref_slice %arg11[%dma_start3A_42, %dma_start3A_43] : memref<10112x128xf32, #tpu.memory_space<vmem_shared>> -> memref<10112x128xf32, #tpu.memory_space<vmem_shared>>
    tpu.enqueue_indirect_dma source(%dma_start3A_38 : memref<128x128xf32, #tpu.memory_space<vmem>>) target(%dma_start3A_44 : memref<10112x128xf32, #tpu.memory_space<vmem_shared>>) offsets(%dma_start3A_41 : memref<128xi32, #tpu.memory_space<vmem>>) semaphore(%arg13 : memref<!tpu.dma_semaphore, #tpu.memory_space<semaphore_mem>>) {add = true}
    %scan3A = arith.constant 0 : i32
    %scan3A_45 = arith.constant 0 : i32
    %scan3A_46 = arith.constant 39 : i32
    %scan3A_47 = arith.addi %scan3A_45, %scan3A_46 : i32
    %scan3A_48 = arith.constant 1 : i32
    scf.for %scan3A_126 = %scan3A_45 to %scan3A_47 step %scan3A_48  : i32 {
      %add3A_127 = arith.constant 1 : i32
      %add3A_128 = arith.addi %scan3A_126, %add3A_127 : i32
      %sub3A = arith.constant 1 : i32
      %sub3A_129 = arith.subi %add3A_128, %sub3A : i32
      %jit3A = arith.constant 2 : i32
      %eq3A_130 = arith.constant 0 : i32
      %eq3A_131 = arith.cmpi eq, %jit3A, %eq3A_130 : i32
      %jit3A_132 = arith.constant 1 : i32
      %select_n3A = arith.select %eq3A_131, %jit3A_132, %jit3A : i32
      %rem3A = arith.remsi %sub3A_129, %select_n3A : i32
      %ne3A = arith.constant 0 : i32
      %ne3A_133 = arith.cmpi ne, %rem3A, %ne3A : i32
      %lt3A = arith.constant 0 : i32
      %lt3A_134 = arith.cmpi slt, %rem3A, %lt3A : i32
      %lt3A_135 = arith.constant 0 : i32
      %lt3A_136 = arith.cmpi slt, %select_n3A, %lt3A_135 : i32
      %ne3A_137 = arith.xori %lt3A_134, %lt3A_136 : i1
      %and3A = arith.andi %ne3A_137, %ne3A_133 : i1
      %add3A_138 = arith.addi %rem3A, %select_n3A : i32
      %select_n3A_139 = arith.select %and3A, %add3A_138, %rem3A : i32
      %mul3A_140 = arith.constant 128 : i32
      %mul3A_141 = arith.muli %select_n3A_139, %mul3A_140 : i32
      %dma_wait3A_142 = arith.constant 0 : i32
      %dma_wait3A_143 = tpu.memref_slice %arg10[%mul3A_141, %dma_wait3A_142] : memref<256x128xf32, #tpu.memory_space<vmem>> -> memref<128x128xf32, #tpu.memory_space<vmem>>
      %dma_wait3A_144 = arith.constant 0 : i32
      %dma_wait3A_145 = tpu.memref_slice %arg9[%sub3A_129, %dma_wait3A_144] : memref<40x128xi32, #tpu.memory_space<vmem>> -> memref<1x128xi32, #tpu.memory_space<vmem>>
      %dma_wait3A_146 = tpu.memref_squeeze %dma_wait3A_145 : memref<1x128xi32, #tpu.memory_space<vmem>> -> memref<128xi32, #tpu.memory_space<vmem>>
      %dma_wait3A_147 = arith.constant 0 : i32
      %dma_wait3A_148 = arith.constant 0 : i32
      %dma_wait3A_149 = tpu.memref_slice %arg11[%dma_wait3A_147, %dma_wait3A_148] : memref<10112x128xf32, #tpu.memory_space<vmem_shared>> -> memref<10112x128xf32, #tpu.memory_space<vmem_shared>>
      tpu.wait_indirect_dma semaphore(%arg13 : memref<!tpu.dma_semaphore, #tpu.memory_space<semaphore_mem>>) src(%dma_wait3A_143 : memref<128x128xf32, #tpu.memory_space<vmem>>) dst(%dma_wait3A_149 : memref<10112x128xf32, #tpu.memory_space<vmem_shared>>)
      %add3A_150 = arith.constant 1 : i32
      %add3A_151 = arith.addi %add3A_128, %add3A_150 : i32
      %lt3A_152 = arith.constant 40 : i32
      %lt3A_153 = arith.cmpi slt, %add3A_151, %lt3A_152 : i32
      %convert_element_type3A_154 = arith.extui %lt3A_153 : i1 to i32
      %cond3A_155 = arith.constant 0 : i32
      %cond3A_156 = arith.cmpi ne, %convert_element_type3A_154, %cond3A_155 : i32
      scf.if %cond3A_156 {
        %add3A_209 = arith.constant 1 : i32
        %add3A_210 = arith.addi %add3A_128, %add3A_209 : i32
        %add3A_211 = arith.constant 1 : i32
        %add3A_212 = arith.addi %add3A_128, %add3A_211 : i32
        %jit3A_213 = arith.constant 2 : i32
        %eq3A_214 = arith.constant 0 : i32
        %eq3A_215 = arith.cmpi eq, %jit3A_213, %eq3A_214 : i32
        %jit3A_216 = arith.constant 1 : i32
        %select_n3A_217 = arith.select %eq3A_215, %jit3A_216, %jit3A_213 : i32
        %rem3A_218 = arith.remsi %add3A_212, %select_n3A_217 : i32
        %ne3A_219 = arith.constant 0 : i32
        %ne3A_220 = arith.cmpi ne, %rem3A_218, %ne3A_219 : i32
        %lt3A_221 = arith.constant 0 : i32
        %lt3A_222 = arith.cmpi slt, %rem3A_218, %lt3A_221 : i32
        %lt3A_223 = arith.constant 0 : i32
        %lt3A_224 = arith.cmpi slt, %select_n3A_217, %lt3A_223 : i32
        %ne3A_225 = arith.xori %lt3A_222, %lt3A_224 : i1
        %and3A_226 = arith.andi %ne3A_225, %ne3A_220 : i1
        %add3A_227 = arith.addi %rem3A_218, %select_n3A_217 : i32
        %select_n3A_228 = arith.select %and3A_226, %add3A_227, %rem3A_218 : i32
        %mul3A_229 = arith.constant 128 : i32
        %mul3A_230 = arith.muli %select_n3A_228, %mul3A_229 : i32
        %dma_start3A_231 = arith.constant 0 : i32
        %dma_start3A_232 = tpu.memref_slice %arg10[%mul3A_230, %dma_start3A_231] : memref<256x128xf32, #tpu.memory_space<vmem>> -> memref<128x128xf32, #tpu.memory_space<vmem>>
        %dma_start3A_233 = arith.constant 0 : i32
        %dma_start3A_234 = tpu.memref_slice %arg8[%add3A_210, %dma_start3A_233] : memref<40x128xi32, #tpu.memory_space<vmem>> -> memref<1x128xi32, #tpu.memory_space<vmem>>
        %dma_start3A_235 = tpu.memref_squeeze %dma_start3A_234 : memref<1x128xi32, #tpu.memory_space<vmem>> -> memref<128xi32, #tpu.memory_space<vmem>>
        %dma_start3A_236 = arith.constant 0 : i32
        %dma_start3A_237 = arith.constant 0 : i32
        %dma_start3A_238 = tpu.memref_slice %arg2[%dma_start3A_236, %dma_start3A_237] : memref<190000x128xf32, #tpu.memory_space<hbm>> -> memref<190000x128xf32, #tpu.memory_space<hbm>>
        tpu.enqueue_indirect_dma source(%dma_start3A_238 : memref<190000x128xf32, #tpu.memory_space<hbm>>) target(%dma_start3A_232 : memref<128x128xf32, #tpu.memory_space<vmem>>) offsets(%dma_start3A_235 : memref<128xi32, #tpu.memory_space<vmem>>) semaphore(%arg12 : memref<!tpu.dma_semaphore, #tpu.memory_space<semaphore_mem>>)
      } else {
      }
      %jit3A_157 = arith.constant 2 : i32
      %eq3A_158 = arith.constant 0 : i32
      %eq3A_159 = arith.cmpi eq, %jit3A_157, %eq3A_158 : i32
      %jit3A_160 = arith.constant 1 : i32
      %select_n3A_161 = arith.select %eq3A_159, %jit3A_160, %jit3A_157 : i32
      %rem3A_162 = arith.remsi %add3A_128, %select_n3A_161 : i32
      %ne3A_163 = arith.constant 0 : i32
      %ne3A_164 = arith.cmpi ne, %rem3A_162, %ne3A_163 : i32
      %lt3A_165 = arith.constant 0 : i32
      %lt3A_166 = arith.cmpi slt, %rem3A_162, %lt3A_165 : i32
      %lt3A_167 = arith.constant 0 : i32
      %lt3A_168 = arith.cmpi slt, %select_n3A_161, %lt3A_167 : i32
      %ne3A_169 = arith.xori %lt3A_166, %lt3A_168 : i1
      %and3A_170 = arith.andi %ne3A_169, %ne3A_164 : i1
      %add3A_171 = arith.addi %rem3A_162, %select_n3A_161 : i32
      %select_n3A_172 = arith.select %and3A_170, %add3A_171, %rem3A_162 : i32
      %mul3A_173 = arith.constant 128 : i32
      %mul3A_174 = arith.muli %select_n3A_172, %mul3A_173 : i32
      %dma_wait3A_175 = arith.constant 0 : i32
      %dma_wait3A_176 = tpu.memref_slice %arg10[%mul3A_174, %dma_wait3A_175] : memref<256x128xf32, #tpu.memory_space<vmem>> -> memref<128x128xf32, #tpu.memory_space<vmem>>
      %dma_wait3A_177 = arith.constant 0 : i32
      %dma_wait3A_178 = tpu.memref_slice %arg8[%add3A_128, %dma_wait3A_177] : memref<40x128xi32, #tpu.memory_space<vmem>> -> memref<1x128xi32, #tpu.memory_space<vmem>>
      %dma_wait3A_179 = tpu.memref_squeeze %dma_wait3A_178 : memref<1x128xi32, #tpu.memory_space<vmem>> -> memref<128xi32, #tpu.memory_space<vmem>>
      %dma_wait3A_180 = arith.constant 0 : i32
      %dma_wait3A_181 = arith.constant 0 : i32
      %dma_wait3A_182 = tpu.memref_slice %arg2[%dma_wait3A_180, %dma_wait3A_181] : memref<190000x128xf32, #tpu.memory_space<hbm>> -> memref<190000x128xf32, #tpu.memory_space<hbm>>
      tpu.wait_indirect_dma semaphore(%arg12 : memref<!tpu.dma_semaphore, #tpu.memory_space<semaphore_mem>>) src(%dma_wait3A_182 : memref<190000x128xf32, #tpu.memory_space<hbm>>) dst(%dma_wait3A_176 : memref<128x128xf32, #tpu.memory_space<vmem>>)
      %jit3A_183 = arith.constant 2 : i32
      %eq3A_184 = arith.constant 0 : i32
      %eq3A_185 = arith.cmpi eq, %jit3A_183, %eq3A_184 : i32
      %jit3A_186 = arith.constant 1 : i32
      %select_n3A_187 = arith.select %eq3A_185, %jit3A_186, %jit3A_183 : i32
      %rem3A_188 = arith.remsi %add3A_128, %select_n3A_187 : i32
      %ne3A_189 = arith.constant 0 : i32
      %ne3A_190 = arith.cmpi ne, %rem3A_188, %ne3A_189 : i32
      %lt3A_191 = arith.constant 0 : i32
      %lt3A_192 = arith.cmpi slt, %rem3A_188, %lt3A_191 : i32
      %lt3A_193 = arith.constant 0 : i32
      %lt3A_194 = arith.cmpi slt, %select_n3A_187, %lt3A_193 : i32
      %ne3A_195 = arith.xori %lt3A_192, %lt3A_194 : i1
      %and3A_196 = arith.andi %ne3A_195, %ne3A_190 : i1
      %add3A_197 = arith.addi %rem3A_188, %select_n3A_187 : i32
      %select_n3A_198 = arith.select %and3A_196, %add3A_197, %rem3A_188 : i32
      %mul3A_199 = arith.constant 128 : i32
      %mul3A_200 = arith.muli %select_n3A_198, %mul3A_199 : i32
      %dma_start3A_201 = arith.constant 0 : i32
      %dma_start3A_202 = tpu.memref_slice %arg10[%mul3A_200, %dma_start3A_201] : memref<256x128xf32, #tpu.memory_space<vmem>> -> memref<128x128xf32, #tpu.memory_space<vmem>>
      %dma_start3A_203 = arith.constant 0 : i32
      %dma_start3A_204 = tpu.memref_slice %arg9[%add3A_128, %dma_start3A_203] : memref<40x128xi32, #tpu.memory_space<vmem>> -> memref<1x128xi32, #tpu.memory_space<vmem>>
      %dma_start3A_205 = tpu.memref_squeeze %dma_start3A_204 : memref<1x128xi32, #tpu.memory_space<vmem>> -> memref<128xi32, #tpu.memory_space<vmem>>
      %dma_start3A_206 = arith.constant 0 : i32
      %dma_start3A_207 = arith.constant 0 : i32
      %dma_start3A_208 = tpu.memref_slice %arg11[%dma_start3A_206, %dma_start3A_207] : memref<10112x128xf32, #tpu.memory_space<vmem_shared>> -> memref<10112x128xf32, #tpu.memory_space<vmem_shared>>
      tpu.enqueue_indirect_dma source(%dma_start3A_202 : memref<128x128xf32, #tpu.memory_space<vmem>>) target(%dma_start3A_208 : memref<10112x128xf32, #tpu.memory_space<vmem_shared>>) offsets(%dma_start3A_205 : memref<128xi32, #tpu.memory_space<vmem>>) semaphore(%arg13 : memref<!tpu.dma_semaphore, #tpu.memory_space<semaphore_mem>>) {add = true}
    }
    %scan3A_49 = arith.constant 39 : i32
    %dma_wait3A_50 = arith.constant 39 : i32
    %dma_wait3A_51 = arith.constant 128 : i32
    %dma_wait3A_52 = arith.constant 0 : i32
    %dma_wait3A_53 = tpu.memref_slice %arg10[%dma_wait3A_51, %dma_wait3A_52] : memref<256x128xf32, #tpu.memory_space<vmem>> -> memref<128x128xf32, #tpu.memory_space<vmem>>
    %dma_wait3A_54 = arith.constant 0 : i32
    %dma_wait3A_55 = tpu.memref_slice %arg9[%dma_wait3A_50, %dma_wait3A_54] : memref<40x128xi32, #tpu.memory_space<vmem>> -> memref<1x128xi32, #tpu.memory_space<vmem>>
    %dma_wait3A_56 = tpu.memref_squeeze %dma_wait3A_55 : memref<1x128xi32, #tpu.memory_space<vmem>> -> memref<128xi32, #tpu.memory_space<vmem>>
    %dma_wait3A_57 = arith.constant 0 : i32
    %dma_wait3A_58 = arith.constant 0 : i32
    %dma_wait3A_59 = tpu.memref_slice %arg11[%dma_wait3A_57, %dma_wait3A_58] : memref<10112x128xf32, #tpu.memory_space<vmem_shared>> -> memref<10112x128xf32, #tpu.memory_space<vmem_shared>>
    tpu.wait_indirect_dma semaphore(%arg13 : memref<!tpu.dma_semaphore, #tpu.memory_space<semaphore_mem>>) src(%dma_wait3A_53 : memref<128x128xf32, #tpu.memory_space<vmem>>) dst(%dma_wait3A_59 : memref<10112x128xf32, #tpu.memory_space<vmem_shared>>)
    %add3A_60 = arith.constant 40 : i32
    %add3A_61 = arith.addi %mul3A_4, %add3A_60 : i32
    "tpu.region"() ({
      %run_scoped3A = tpu.sem_alloc : memref<!tpu.dma_semaphore, #tpu.memory_space<semaphore_mem>>
      %dma_start3A_126 = arith.constant 0 : i32
      %dma_start3A_127 = tpu.memref_slice %arg3[%add3A_61, %dma_start3A_126] : memref<2560x128xi32, #tpu.memory_space<hbm>> -> memref<40x128xi32, #tpu.memory_space<hbm>>
      %dma_start3A_128 = arith.constant 0 : i32
      %dma_start3A_129 = tpu.memref_slice %arg3[%add3A_61, %dma_start3A_128] : memref<2560x128xi32, #tpu.memory_space<hbm>> -> memref<40x128xi32, #tpu.memory_space<hbm>>
      tpu.enqueue_dma source(%dma_start3A_129 : memref<40x128xi32, #tpu.memory_space<hbm>>) target(%arg8 : memref<40x128xi32, #tpu.memory_space<vmem>>) target_semaphore(%run_scoped3A : memref<!tpu.dma_semaphore, #tpu.memory_space<semaphore_mem>>)
      %dma_wait3A_130 = arith.constant 0 : i32
      %dma_wait3A_131 = tpu.memref_slice %arg3[%add3A_61, %dma_wait3A_130] : memref<2560x128xi32, #tpu.memory_space<hbm>> -> memref<40x128xi32, #tpu.memory_space<hbm>>
      %dma_wait3A_132 = arith.constant 0 : i32
      %dma_wait3A_133 = tpu.memref_slice %arg3[%add3A_61, %dma_wait3A_132] : memref<2560x128xi32, #tpu.memory_space<hbm>> -> memref<40x128xi32, #tpu.memory_space<hbm>>
      tpu.wait_dma2 semaphore(%run_scoped3A : memref<!tpu.dma_semaphore, #tpu.memory_space<semaphore_mem>>) src(%dma_wait3A_133 : memref<40x128xi32, #tpu.memory_space<hbm>>) dst(%arg8 : memref<40x128xi32, #tpu.memory_space<vmem>>)
      tpu.yield
    }) : () -> ()
    "tpu.region"() ({
      %run_scoped3A = tpu.sem_alloc : memref<!tpu.dma_semaphore, #tpu.memory_space<semaphore_mem>>
      %dma_start3A_126 = arith.constant 0 : i32
      %dma_start3A_127 = tpu.memref_slice %arg4[%add3A_61, %dma_start3A_126] : memref<2560x128xi32, #tpu.memory_space<hbm>> -> memref<40x128xi32, #tpu.memory_space<hbm>>
      %dma_start3A_128 = arith.constant 0 : i32
      %dma_start3A_129 = tpu.memref_slice %arg4[%add3A_61, %dma_start3A_128] : memref<2560x128xi32, #tpu.memory_space<hbm>> -> memref<40x128xi32, #tpu.memory_space<hbm>>
      tpu.enqueue_dma source(%dma_start3A_129 : memref<40x128xi32, #tpu.memory_space<hbm>>) target(%arg9 : memref<40x128xi32, #tpu.memory_space<vmem>>) target_semaphore(%run_scoped3A : memref<!tpu.dma_semaphore, #tpu.memory_space<semaphore_mem>>)
      %dma_wait3A_130 = arith.constant 0 : i32
      %dma_wait3A_131 = tpu.memref_slice %arg4[%add3A_61, %dma_wait3A_130] : memref<2560x128xi32, #tpu.memory_space<hbm>> -> memref<40x128xi32, #tpu.memory_space<hbm>>
      %dma_wait3A_132 = arith.constant 0 : i32
      %dma_wait3A_133 = tpu.memref_slice %arg4[%add3A_61, %dma_wait3A_132] : memref<2560x128xi32, #tpu.memory_space<hbm>> -> memref<40x128xi32, #tpu.memory_space<hbm>>
      tpu.wait_dma2 semaphore(%run_scoped3A : memref<!tpu.dma_semaphore, #tpu.memory_space<semaphore_mem>>) src(%dma_wait3A_133 : memref<40x128xi32, #tpu.memory_space<hbm>>) dst(%arg9 : memref<40x128xi32, #tpu.memory_space<vmem>>)
      tpu.yield
    }) : () -> ()
    %dma_start3A_62 = arith.constant 0 : i32
    %dma_start3A_63 = arith.constant 0 : i32
    %dma_start3A_64 = arith.constant 0 : i32
    %dma_start3A_65 = tpu.memref_slice %arg10[%dma_start3A_63, %dma_start3A_64] : memref<256x128xf32, #tpu.memory_space<vmem>> -> memref<128x128xf32, #tpu.memory_space<vmem>>
    %dma_start3A_66 = arith.constant 0 : i32
    %dma_start3A_67 = tpu.memref_slice %arg8[%dma_start3A_62, %dma_start3A_66] : memref<40x128xi32, #tpu.memory_space<vmem>> -> memref<1x128xi32, #tpu.memory_space<vmem>>
    %dma_start3A_68 = tpu.memref_squeeze %dma_start3A_67 : memref<1x128xi32, #tpu.memory_space<vmem>> -> memref<128xi32, #tpu.memory_space<vmem>>
    %dma_start3A_69 = arith.constant 0 : i32
    %dma_start3A_70 = arith.constant 0 : i32
    %dma_start3A_71 = tpu.memref_slice %arg2[%dma_start3A_69, %dma_start3A_70] : memref<190000x128xf32, #tpu.memory_space<hbm>> -> memref<190000x128xf32, #tpu.memory_space<hbm>>
    tpu.enqueue_indirect_dma source(%dma_start3A_71 : memref<190000x128xf32, #tpu.memory_space<hbm>>) target(%dma_start3A_65 : memref<128x128xf32, #tpu.memory_space<vmem>>) offsets(%dma_start3A_68 : memref<128xi32, #tpu.memory_space<vmem>>) semaphore(%arg12 : memref<!tpu.dma_semaphore, #tpu.memory_space<semaphore_mem>>)
    %dma_start3A_72 = arith.constant 1 : i32
    %dma_start3A_73 = arith.constant 128 : i32
    %dma_start3A_74 = arith.constant 0 : i32
    %dma_start3A_75 = tpu.memref_slice %arg10[%dma_start3A_73, %dma_start3A_74] : memref<256x128xf32, #tpu.memory_space<vmem>> -> memref<128x128xf32, #tpu.memory_space<vmem>>
    %dma_start3A_76 = arith.constant 0 : i32
    %dma_start3A_77 = tpu.memref_slice %arg8[%dma_start3A_72, %dma_start3A_76] : memref<40x128xi32, #tpu.memory_space<vmem>> -> memref<1x128xi32, #tpu.memory_space<vmem>>
    %dma_start3A_78 = tpu.memref_squeeze %dma_start3A_77 : memref<1x128xi32, #tpu.memory_space<vmem>> -> memref<128xi32, #tpu.memory_space<vmem>>
    %dma_start3A_79 = arith.constant 0 : i32
    %dma_start3A_80 = arith.constant 0 : i32
    %dma_start3A_81 = tpu.memref_slice %arg2[%dma_start3A_79, %dma_start3A_80] : memref<190000x128xf32, #tpu.memory_space<hbm>> -> memref<190000x128xf32, #tpu.memory_space<hbm>>
    tpu.enqueue_indirect_dma source(%dma_start3A_81 : memref<190000x128xf32, #tpu.memory_space<hbm>>) target(%dma_start3A_75 : memref<128x128xf32, #tpu.memory_space<vmem>>) offsets(%dma_start3A_78 : memref<128xi32, #tpu.memory_space<vmem>>) semaphore(%arg12 : memref<!tpu.dma_semaphore, #tpu.memory_space<semaphore_mem>>)
    %dma_wait3A_82 = arith.constant 0 : i32
    %dma_wait3A_83 = arith.constant 0 : i32
    %dma_wait3A_84 = arith.constant 0 : i32
    %dma_wait3A_85 = tpu.memref_slice %arg10[%dma_wait3A_83, %dma_wait3A_84] : memref<256x128xf32, #tpu.memory_space<vmem>> -> memref<128x128xf32, #tpu.memory_space<vmem>>
    %dma_wait3A_86 = arith.constant 0 : i32
    %dma_wait3A_87 = tpu.memref_slice %arg8[%dma_wait3A_82, %dma_wait3A_86] : memref<40x128xi32, #tpu.memory_space<vmem>> -> memref<1x128xi32, #tpu.memory_space<vmem>>
    %dma_wait3A_88 = tpu.memref_squeeze %dma_wait3A_87 : memref<1x128xi32, #tpu.memory_space<vmem>> -> memref<128xi32, #tpu.memory_space<vmem>>
    %dma_wait3A_89 = arith.constant 0 : i32
    %dma_wait3A_90 = arith.constant 0 : i32
    %dma_wait3A_91 = tpu.memref_slice %arg2[%dma_wait3A_89, %dma_wait3A_90] : memref<190000x128xf32, #tpu.memory_space<hbm>> -> memref<190000x128xf32, #tpu.memory_space<hbm>>
    tpu.wait_indirect_dma semaphore(%arg12 : memref<!tpu.dma_semaphore, #tpu.memory_space<semaphore_mem>>) src(%dma_wait3A_91 : memref<190000x128xf32, #tpu.memory_space<hbm>>) dst(%dma_wait3A_85 : memref<128x128xf32, #tpu.memory_space<vmem>>)
    %dma_start3A_92 = arith.constant 0 : i32
    %dma_start3A_93 = arith.constant 0 : i32
    %dma_start3A_94 = arith.constant 0 : i32
    %dma_start3A_95 = tpu.memref_slice %arg10[%dma_start3A_93, %dma_start3A_94] : memref<256x128xf32, #tpu.memory_space<vmem>> -> memref<128x128xf32, #tpu.memory_space<vmem>>
    %dma_start3A_96 = arith.constant 0 : i32
    %dma_start3A_97 = tpu.memref_slice %arg9[%dma_start3A_92, %dma_start3A_96] : memref<40x128xi32, #tpu.memory_space<vmem>> -> memref<1x128xi32, #tpu.memory_space<vmem>>
    %dma_start3A_98 = tpu.memref_squeeze %dma_start3A_97 : memref<1x128xi32, #tpu.memory_space<vmem>> -> memref<128xi32, #tpu.memory_space<vmem>>
    %dma_start3A_99 = arith.constant 0 : i32
    %dma_start3A_100 = arith.constant 0 : i32
    %dma_start3A_101 = tpu.memref_slice %arg11[%dma_start3A_99, %dma_start3A_100] : memref<10112x128xf32, #tpu.memory_space<vmem_shared>> -> memref<10112x128xf32, #tpu.memory_space<vmem_shared>>
    tpu.enqueue_indirect_dma source(%dma_start3A_95 : memref<128x128xf32, #tpu.memory_space<vmem>>) target(%dma_start3A_101 : memref<10112x128xf32, #tpu.memory_space<vmem_shared>>) offsets(%dma_start3A_98 : memref<128xi32, #tpu.memory_space<vmem>>) semaphore(%arg13 : memref<!tpu.dma_semaphore, #tpu.memory_space<semaphore_mem>>) {add = true}
    %scan3A_102 = arith.constant 0 : i32
    %scan3A_103 = arith.constant 0 : i32
    %scan3A_104 = arith.constant 39 : i32
    %scan3A_105 = arith.addi %scan3A_103, %scan3A_104 : i32
    %scan3A_106 = arith.constant 1 : i32
    scf.for %scan3A_126 = %scan3A_103 to %scan3A_105 step %scan3A_106  : i32 {
      %add3A_127 = arith.constant 1 : i32
      %add3A_128 = arith.addi %scan3A_126, %add3A_127 : i32
      %sub3A = arith.constant 1 : i32
      %sub3A_129 = arith.subi %add3A_128, %sub3A : i32
      %jit3A = arith.constant 2 : i32
      %eq3A_130 = arith.constant 0 : i32
      %eq3A_131 = arith.cmpi eq, %jit3A, %eq3A_130 : i32
      %jit3A_132 = arith.constant 1 : i32
      %select_n3A = arith.select %eq3A_131, %jit3A_132, %jit3A : i32
      %rem3A = arith.remsi %sub3A_129, %select_n3A : i32
      %ne3A = arith.constant 0 : i32
      %ne3A_133 = arith.cmpi ne, %rem3A, %ne3A : i32
      %lt3A = arith.constant 0 : i32
      %lt3A_134 = arith.cmpi slt, %rem3A, %lt3A : i32
      %lt3A_135 = arith.constant 0 : i32
      %lt3A_136 = arith.cmpi slt, %select_n3A, %lt3A_135 : i32
      %ne3A_137 = arith.xori %lt3A_134, %lt3A_136 : i1
      %and3A = arith.andi %ne3A_137, %ne3A_133 : i1
      %add3A_138 = arith.addi %rem3A, %select_n3A : i32
      %select_n3A_139 = arith.select %and3A, %add3A_138, %rem3A : i32
      %mul3A_140 = arith.constant 128 : i32
      %mul3A_141 = arith.muli %select_n3A_139, %mul3A_140 : i32
      %dma_wait3A_142 = arith.constant 0 : i32
      %dma_wait3A_143 = tpu.memref_slice %arg10[%mul3A_141, %dma_wait3A_142] : memref<256x128xf32, #tpu.memory_space<vmem>> -> memref<128x128xf32, #tpu.memory_space<vmem>>
      %dma_wait3A_144 = arith.constant 0 : i32
      %dma_wait3A_145 = tpu.memref_slice %arg9[%sub3A_129, %dma_wait3A_144] : memref<40x128xi32, #tpu.memory_space<vmem>> -> memref<1x128xi32, #tpu.memory_space<vmem>>
      %dma_wait3A_146 = tpu.memref_squeeze %dma_wait3A_145 : memref<1x128xi32, #tpu.memory_space<vmem>> -> memref<128xi32, #tpu.memory_space<vmem>>
      %dma_wait3A_147 = arith.constant 0 : i32
      %dma_wait3A_148 = arith.constant 0 : i32
      %dma_wait3A_149 = tpu.memref_slice %arg11[%dma_wait3A_147, %dma_wait3A_148] : memref<10112x128xf32, #tpu.memory_space<vmem_shared>> -> memref<10112x128xf32, #tpu.memory_space<vmem_shared>>
      tpu.wait_indirect_dma semaphore(%arg13 : memref<!tpu.dma_semaphore, #tpu.memory_space<semaphore_mem>>) src(%dma_wait3A_143 : memref<128x128xf32, #tpu.memory_space<vmem>>) dst(%dma_wait3A_149 : memref<10112x128xf32, #tpu.memory_space<vmem_shared>>)
      %add3A_150 = arith.constant 1 : i32
      %add3A_151 = arith.addi %add3A_128, %add3A_150 : i32
      %lt3A_152 = arith.constant 40 : i32
      %lt3A_153 = arith.cmpi slt, %add3A_151, %lt3A_152 : i32
      %convert_element_type3A_154 = arith.extui %lt3A_153 : i1 to i32
      %cond3A_155 = arith.constant 0 : i32
      %cond3A_156 = arith.cmpi ne, %convert_element_type3A_154, %cond3A_155 : i32
      scf.if %cond3A_156 {
        %add3A_209 = arith.constant 1 : i32
        %add3A_210 = arith.addi %add3A_128, %add3A_209 : i32
        %add3A_211 = arith.constant 1 : i32
        %add3A_212 = arith.addi %add3A_128, %add3A_211 : i32
        %jit3A_213 = arith.constant 2 : i32
        %eq3A_214 = arith.constant 0 : i32
        %eq3A_215 = arith.cmpi eq, %jit3A_213, %eq3A_214 : i32
        %jit3A_216 = arith.constant 1 : i32
        %select_n3A_217 = arith.select %eq3A_215, %jit3A_216, %jit3A_213 : i32
        %rem3A_218 = arith.remsi %add3A_212, %select_n3A_217 : i32
        %ne3A_219 = arith.constant 0 : i32
        %ne3A_220 = arith.cmpi ne, %rem3A_218, %ne3A_219 : i32
        %lt3A_221 = arith.constant 0 : i32
        %lt3A_222 = arith.cmpi slt, %rem3A_218, %lt3A_221 : i32
        %lt3A_223 = arith.constant 0 : i32
        %lt3A_224 = arith.cmpi slt, %select_n3A_217, %lt3A_223 : i32
        %ne3A_225 = arith.xori %lt3A_222, %lt3A_224 : i1
        %and3A_226 = arith.andi %ne3A_225, %ne3A_220 : i1
        %add3A_227 = arith.addi %rem3A_218, %select_n3A_217 : i32
        %select_n3A_228 = arith.select %and3A_226, %add3A_227, %rem3A_218 : i32
        %mul3A_229 = arith.constant 128 : i32
        %mul3A_230 = arith.muli %select_n3A_228, %mul3A_229 : i32
        %dma_start3A_231 = arith.constant 0 : i32
        %dma_start3A_232 = tpu.memref_slice %arg10[%mul3A_230, %dma_start3A_231] : memref<256x128xf32, #tpu.memory_space<vmem>> -> memref<128x128xf32, #tpu.memory_space<vmem>>
        %dma_start3A_233 = arith.constant 0 : i32
        %dma_start3A_234 = tpu.memref_slice %arg8[%add3A_210, %dma_start3A_233] : memref<40x128xi32, #tpu.memory_space<vmem>> -> memref<1x128xi32, #tpu.memory_space<vmem>>
        %dma_start3A_235 = tpu.memref_squeeze %dma_start3A_234 : memref<1x128xi32, #tpu.memory_space<vmem>> -> memref<128xi32, #tpu.memory_space<vmem>>
        %dma_start3A_236 = arith.constant 0 : i32
        %dma_start3A_237 = arith.constant 0 : i32
        %dma_start3A_238 = tpu.memref_slice %arg2[%dma_start3A_236, %dma_start3A_237] : memref<190000x128xf32, #tpu.memory_space<hbm>> -> memref<190000x128xf32, #tpu.memory_space<hbm>>
        tpu.enqueue_indirect_dma source(%dma_start3A_238 : memref<190000x128xf32, #tpu.memory_space<hbm>>) target(%dma_start3A_232 : memref<128x128xf32, #tpu.memory_space<vmem>>) offsets(%dma_start3A_235 : memref<128xi32, #tpu.memory_space<vmem>>) semaphore(%arg12 : memref<!tpu.dma_semaphore, #tpu.memory_space<semaphore_mem>>)
      } else {
      }
      %jit3A_157 = arith.constant 2 : i32
      %eq3A_158 = arith.constant 0 : i32
      %eq3A_159 = arith.cmpi eq, %jit3A_157, %eq3A_158 : i32
      %jit3A_160 = arith.constant 1 : i32
      %select_n3A_161 = arith.select %eq3A_159, %jit3A_160, %jit3A_157 : i32
      %rem3A_162 = arith.remsi %add3A_128, %select_n3A_161 : i32
      %ne3A_163 = arith.constant 0 : i32
      %ne3A_164 = arith.cmpi ne, %rem3A_162, %ne3A_163 : i32
      %lt3A_165 = arith.constant 0 : i32
      %lt3A_166 = arith.cmpi slt, %rem3A_162, %lt3A_165 : i32
      %lt3A_167 = arith.constant 0 : i32
      %lt3A_168 = arith.cmpi slt, %select_n3A_161, %lt3A_167 : i32
      %ne3A_169 = arith.xori %lt3A_166, %lt3A_168 : i1
      %and3A_170 = arith.andi %ne3A_169, %ne3A_164 : i1
      %add3A_171 = arith.addi %rem3A_162, %select_n3A_161 : i32
      %select_n3A_172 = arith.select %and3A_170, %add3A_171, %rem3A_162 : i32
      %mul3A_173 = arith.constant 128 : i32
      %mul3A_174 = arith.muli %select_n3A_172, %mul3A_173 : i32
      %dma_wait3A_175 = arith.constant 0 : i32
      %dma_wait3A_176 = tpu.memref_slice %arg10[%mul3A_174, %dma_wait3A_175] : memref<256x128xf32, #tpu.memory_space<vmem>> -> memref<128x128xf32, #tpu.memory_space<vmem>>
      %dma_wait3A_177 = arith.constant 0 : i32
      %dma_wait3A_178 = tpu.memref_slice %arg8[%add3A_128, %dma_wait3A_177] : memref<40x128xi32, #tpu.memory_space<vmem>> -> memref<1x128xi32, #tpu.memory_space<vmem>>
      %dma_wait3A_179 = tpu.memref_squeeze %dma_wait3A_178 : memref<1x128xi32, #tpu.memory_space<vmem>> -> memref<128xi32, #tpu.memory_space<vmem>>
      %dma_wait3A_180 = arith.constant 0 : i32
      %dma_wait3A_181 = arith.constant 0 : i32
      %dma_wait3A_182 = tpu.memref_slice %arg2[%dma_wait3A_180, %dma_wait3A_181] : memref<190000x128xf32, #tpu.memory_space<hbm>> -> memref<190000x128xf32, #tpu.memory_space<hbm>>
      tpu.wait_indirect_dma semaphore(%arg12 : memref<!tpu.dma_semaphore, #tpu.memory_space<semaphore_mem>>) src(%dma_wait3A_182 : memref<190000x128xf32, #tpu.memory_space<hbm>>) dst(%dma_wait3A_176 : memref<128x128xf32, #tpu.memory_space<vmem>>)
      %jit3A_183 = arith.constant 2 : i32
      %eq3A_184 = arith.constant 0 : i32
      %eq3A_185 = arith.cmpi eq, %jit3A_183, %eq3A_184 : i32
      %jit3A_186 = arith.constant 1 : i32
      %select_n3A_187 = arith.select %eq3A_185, %jit3A_186, %jit3A_183 : i32
      %rem3A_188 = arith.remsi %add3A_128, %select_n3A_187 : i32
      %ne3A_189 = arith.constant 0 : i32
      %ne3A_190 = arith.cmpi ne, %rem3A_188, %ne3A_189 : i32
      %lt3A_191 = arith.constant 0 : i32
      %lt3A_192 = arith.cmpi slt, %rem3A_188, %lt3A_191 : i32
      %lt3A_193 = arith.constant 0 : i32
      %lt3A_194 = arith.cmpi slt, %select_n3A_187, %lt3A_193 : i32
      %ne3A_195 = arith.xori %lt3A_192, %lt3A_194 : i1
      %and3A_196 = arith.andi %ne3A_195, %ne3A_190 : i1
      %add3A_197 = arith.addi %rem3A_188, %select_n3A_187 : i32
      %select_n3A_198 = arith.select %and3A_196, %add3A_197, %rem3A_188 : i32
      %mul3A_199 = arith.constant 128 : i32
      %mul3A_200 = arith.muli %select_n3A_198, %mul3A_199 : i32
      %dma_start3A_201 = arith.constant 0 : i32
      %dma_start3A_202 = tpu.memref_slice %arg10[%mul3A_200, %dma_start3A_201] : memref<256x128xf32, #tpu.memory_space<vmem>> -> memref<128x128xf32, #tpu.memory_space<vmem>>
      %dma_start3A_203 = arith.constant 0 : i32
      %dma_start3A_204 = tpu.memref_slice %arg9[%add3A_128, %dma_start3A_203] : memref<40x128xi32, #tpu.memory_space<vmem>> -> memref<1x128xi32, #tpu.memory_space<vmem>>
      %dma_start3A_205 = tpu.memref_squeeze %dma_start3A_204 : memref<1x128xi32, #tpu.memory_space<vmem>> -> memref<128xi32, #tpu.memory_space<vmem>>
      %dma_start3A_206 = arith.constant 0 : i32
      %dma_start3A_207 = arith.constant 0 : i32
      %dma_start3A_208 = tpu.memref_slice %arg11[%dma_start3A_206, %dma_start3A_207] : memref<10112x128xf32, #tpu.memory_space<vmem_shared>> -> memref<10112x128xf32, #tpu.memory_space<vmem_shared>>
      tpu.enqueue_indirect_dma source(%dma_start3A_202 : memref<128x128xf32, #tpu.memory_space<vmem>>) target(%dma_start3A_208 : memref<10112x128xf32, #tpu.memory_space<vmem_shared>>) offsets(%dma_start3A_205 : memref<128xi32, #tpu.memory_space<vmem>>) semaphore(%arg13 : memref<!tpu.dma_semaphore, #tpu.memory_space<semaphore_mem>>) {add = true}
    }
    %scan3A_107 = arith.constant 39 : i32
    %dma_wait3A_108 = arith.constant 39 : i32
    %dma_wait3A_109 = arith.constant 128 : i32
    %dma_wait3A_110 = arith.constant 0 : i32
    %dma_wait3A_111 = tpu.memref_slice %arg10[%dma_wait3A_109, %dma_wait3A_110] : memref<256x128xf32, #tpu.memory_space<vmem>> -> memref<128x128xf32, #tpu.memory_space<vmem>>
    %dma_wait3A_112 = arith.constant 0 : i32
    %dma_wait3A_113 = tpu.memref_slice %arg9[%dma_wait3A_108, %dma_wait3A_112] : memref<40x128xi32, #tpu.memory_space<vmem>> -> memref<1x128xi32, #tpu.memory_space<vmem>>
    %dma_wait3A_114 = tpu.memref_squeeze %dma_wait3A_113 : memref<1x128xi32, #tpu.memory_space<vmem>> -> memref<128xi32, #tpu.memory_space<vmem>>
    %dma_wait3A_115 = arith.constant 0 : i32
    %dma_wait3A_116 = arith.constant 0 : i32
    %dma_wait3A_117 = tpu.memref_slice %arg11[%dma_wait3A_115, %dma_wait3A_116] : memref<10112x128xf32, #tpu.memory_space<vmem_shared>> -> memref<10112x128xf32, #tpu.memory_space<vmem_shared>>
    tpu.wait_indirect_dma semaphore(%arg13 : memref<!tpu.dma_semaphore, #tpu.memory_space<semaphore_mem>>) src(%dma_wait3A_111 : memref<128x128xf32, #tpu.memory_space<vmem>>) dst(%dma_wait3A_117 : memref<10112x128xf32, #tpu.memory_space<vmem_shared>>)
    %barrier3A_118 = arith.constant 0 : index
    tpu.barrier barrier_id(%barrier3A_118)
    %eq3A = arith.constant 0 : i32
    %eq3A_119 = arith.cmpi eq, %arg0, %eq3A : i32
    %convert_element_type3A = arith.extui %eq3A_119 : i1 to i32
    %cond3A = arith.constant 0 : i32
    %cond3A_120 = arith.cmpi ne, %convert_element_type3A, %cond3A : i32
    scf.if %cond3A_120 {
      "tpu.region"() ({
        %run_scoped3A = tpu.sem_alloc : memref<!tpu.dma_semaphore, #tpu.memory_space<semaphore_mem>>
        %dma_start3A_126 = arith.constant 0 : i32
        %dma_start3A_127 = tpu.memref_slice %arg6[%mul3A_2, %dma_start3A_126] : memref<10112x128xf32, #tpu.memory_space<hbm>> -> memref<632x128xf32, #tpu.memory_space<hbm>>
        %dma_start3A_128 = arith.constant 0 : i32
        %dma_start3A_129 = tpu.memref_slice %arg11[%mul3A_2, %dma_start3A_128] : memref<10112x128xf32, #tpu.memory_space<vmem_shared>> -> memref<632x128xf32, #tpu.memory_space<vmem_shared>>
        tpu.enqueue_dma source(%dma_start3A_129 : memref<632x128xf32, #tpu.memory_space<vmem_shared>>) target(%dma_start3A_127 : memref<632x128xf32, #tpu.memory_space<hbm>>) target_semaphore(%run_scoped3A : memref<!tpu.dma_semaphore, #tpu.memory_space<semaphore_mem>>)
        %dma_wait3A_130 = arith.constant 0 : i32
        %dma_wait3A_131 = tpu.memref_slice %arg6[%mul3A_2, %dma_wait3A_130] : memref<10112x128xf32, #tpu.memory_space<hbm>> -> memref<632x128xf32, #tpu.memory_space<hbm>>
        %dma_wait3A_132 = arith.constant 0 : i32
        %dma_wait3A_133 = tpu.memref_slice %arg11[%mul3A_2, %dma_wait3A_132] : memref<10112x128xf32, #tpu.memory_space<vmem_shared>> -> memref<632x128xf32, #tpu.memory_space<vmem_shared>>
        tpu.wait_dma2 semaphore(%run_scoped3A : memref<!tpu.dma_semaphore, #tpu.memory_space<semaphore_mem>>) src(%dma_wait3A_133 : memref<632x128xf32, #tpu.memory_space<vmem_shared>>) dst(%dma_wait3A_131 : memref<632x128xf32, #tpu.memory_space<hbm>>)
        tpu.yield
      }) : () -> ()
    } else {
    }
    %eq3A_121 = arith.constant 1 : i32
    %eq3A_122 = arith.cmpi eq, %arg0, %eq3A_121 : i32
    %convert_element_type3A_123 = arith.extui %eq3A_122 : i1 to i32
    %cond3A_124 = arith.constant 0 : i32
    %cond3A_125 = arith.cmpi ne, %convert_element_type3A_123, %cond3A_124 : i32
    scf.if %cond3A_125 {
      "tpu.region"() ({
        %run_scoped3A = tpu.sem_alloc : memref<!tpu.dma_semaphore, #tpu.memory_space<semaphore_mem>>
        %dma_start3A_126 = arith.constant 0 : i32
        %dma_start3A_127 = tpu.memref_slice %arg7[%mul3A_2, %dma_start3A_126] : memref<10112x128xf32, #tpu.memory_space<hbm>> -> memref<632x128xf32, #tpu.memory_space<hbm>>
        %dma_start3A_128 = arith.constant 0 : i32
        %dma_start3A_129 = tpu.memref_slice %arg11[%mul3A_2, %dma_start3A_128] : memref<10112x128xf32, #tpu.memory_space<vmem_shared>> -> memref<632x128xf32, #tpu.memory_space<vmem_shared>>
        tpu.enqueue_dma source(%dma_start3A_129 : memref<632x128xf32, #tpu.memory_space<vmem_shared>>) target(%dma_start3A_127 : memref<632x128xf32, #tpu.memory_space<hbm>>) target_semaphore(%run_scoped3A : memref<!tpu.dma_semaphore, #tpu.memory_space<semaphore_mem>>)
        %dma_wait3A_130 = arith.constant 0 : i32
        %dma_wait3A_131 = tpu.memref_slice %arg7[%mul3A_2, %dma_wait3A_130] : memref<10112x128xf32, #tpu.memory_space<hbm>> -> memref<632x128xf32, #tpu.memory_space<hbm>>
        %dma_wait3A_132 = arith.constant 0 : i32
        %dma_wait3A_133 = tpu.memref_slice %arg11[%mul3A_2, %dma_wait3A_132] : memref<10112x128xf32, #tpu.memory_space<vmem_shared>> -> memref<632x128xf32, #tpu.memory_space<vmem_shared>>
        tpu.wait_dma2 semaphore(%run_scoped3A : memref<!tpu.dma_semaphore, #tpu.memory_space<semaphore_mem>>) src(%dma_wait3A_133 : memref<632x128xf32, #tpu.memory_space<vmem_shared>>) dst(%dma_wait3A_131 : memref<632x128xf32, #tpu.memory_space<hbm>>)
        tpu.yield
      }) : () -> ()
    } else {
    }
    return
  }
}

module attributes {stable_mosaic.version = 14 : i64} {
  func.func @_relmm_body(%arg0: i32, %arg1: i32, %arg2: memref<10000x128xf32, #tpu.memory_space<vmem>>, %arg3: memref<1x128x128xf32, #tpu.memory_space<vmem>>, %arg4: memref<10000x128xf32, #tpu.memory_space<vmem>>) attributes {dimension_semantics = [#tpu.dimension_semantics<arbitrary>, #tpu.dimension_semantics<arbitrary>], iteration_bounds = array<i64: 1, 19>, scalar_prefetch = 0 : i64, scratch_operands = 0 : i64, tpu.core_type = #tpu.core_type<tc>, window_params = [{transform_indices = @transform_0, window_bounds = array<i64: 10000, 128>}, {transform_indices = @transform_1, window_bounds = array<i64: 1, 128, 128>}, {transform_indices = @transform_2, window_bounds = array<i64: 10000, 128>}]} {
    %get3A = arith.constant 0 : index
    %get3A_0 = arith.constant 0 : index
    %get3A_1 = vector.load %arg2[%get3A, %get3A_0] : memref<10000x128xf32, #tpu.memory_space<vmem>>, vector<10000x128xf32>
    %get3A_2 = arith.constant 0 : index
    %get3A_3 = arith.constant 0 : index
    %get3A_4 = arith.constant 0 : index
    %get3A_5 = vector.load %arg3[%get3A_2, %get3A_3, %get3A_4] : memref<1x128x128xf32, #tpu.memory_space<vmem>>, vector<1x128x128xf32>
    %get3A_6 = vector.shape_cast %get3A_5 : vector<1x128x128xf32> to vector<128x128xf32>
    %dot_general3A = arith.constant dense<0.000000e+00> : vector<10000x128xf32>
    %dot_general3A_7 = tpu.matmul %get3A_1, %get3A_6, %dot_general3A {dimension_numbers = #tpu.dot_dimension_numbers<[1], [0], [0], [1], [0, 0, 1, 1], [], []>, transpose_lhs_hint = false} : vector<10000x128xf32>, vector<128x128xf32>, vector<10000x128xf32> -> vector<10000x128xf32>
    %swap3A = arith.constant 0 : index
    %swap3A_8 = arith.constant 0 : index
    %swap3A_9 = vector.load %arg4[%swap3A, %swap3A_8] : memref<10000x128xf32, #tpu.memory_space<vmem>>, vector<10000x128xf32>
    tpu.vector_store %arg4[%swap3A, %swap3A_8], %dot_general3A_7 {strides = array<i32>} : memref<10000x128xf32, #tpu.memory_space<vmem>>, vector<10000x128xf32>,
    return
  }
  func.func @transform_0(%arg0: i32, %arg1: i32) -> (i32, i32) {
    %c0_i32 = arith.constant 0 : i32
    %c0_i32_0 = arith.constant 0 : i32
    return %arg0, %c0_i32 : i32, i32
  }
  func.func @transform_1(%arg0: i32, %arg1: i32) -> (i32, i32, i32) {
    %c0_i32 = arith.constant 0 : i32
    %c0_i32_0 = arith.constant 0 : i32
    %c0_i32_1 = arith.constant 0 : i32
    return %arg1, %c0_i32, %c0_i32_0 : i32, i32, i32
  }
  func.func @transform_2(%arg0: i32, %arg1: i32) -> (i32, i32) {
    %mul3A = arith.constant 1 : i32
    %mul3A_0 = arith.muli %arg1, %mul3A : i32
    %add3A = arith.addi %mul3A_0, %arg0 : i32
    %c0_i32 = arith.constant 0 : i32
    %c0_i32_1 = arith.constant 0 : i32
    return %add3A, %c0_i32 : i32, i32
  }
}

module attributes {stable_mosaic.version = 14 : i64} {
  func.func @_fused_body(%arg0: i32, %arg1: memref<10000x128xf32, #tpu.memory_space<vmem>>, %arg2: memref<10000x128xf32, #tpu.memory_space<vmem>>, %arg3: memref<10000x128xf32, #tpu.memory_space<vmem>>, %arg4: memref<128x128xf32, #tpu.memory_space<vmem>>, %arg5: memref<1x128xf32, #tpu.memory_space<vmem>>, %arg6: memref<1x128x128xf32, #tpu.memory_space<vmem>>, %arg7: memref<10000x128xf32, #tpu.memory_space<vmem>>, %arg8: memref<10000x128xf32, #tpu.memory_space<vmem>>, %arg9: memref<10000x128xf32, #tpu.memory_space<vmem>>) attributes {dimension_semantics = [#tpu.dimension_semantics<arbitrary>], iteration_bounds = array<i64: 19>, scalar_prefetch = 0 : i64, scratch_operands = 1 : i64, tpu.core_type = #tpu.core_type<tc>, window_params = [{transform_indices = @transform_0, window_bounds = array<i64: 10000, 128>}, {transform_indices = @transform_1, window_bounds = array<i64: 10000, 128>}, {pipeline_mode = #tpu.pipeline_mode<synchronous>, transform_indices = @transform_2, window_bounds = array<i64: 10000, 128>}, {pipeline_mode = #tpu.pipeline_mode<synchronous>, transform_indices = @transform_3, window_bounds = array<i64: 128, 128>}, {pipeline_mode = #tpu.pipeline_mode<synchronous>, transform_indices = @transform_4, window_bounds = array<i64: 1, 128>}, {transform_indices = @transform_5, window_bounds = array<i64: 1, 128, 128>}, {transform_indices = @transform_6, window_bounds = array<i64: 10000, 128>}, {pipeline_mode = #tpu.pipeline_mode<synchronous>, transform_indices = @transform_7, window_bounds = array<i64: 10000, 128>}]} {
    %eq3A = arith.constant 0 : i32
    %eq3A_0 = arith.cmpi eq, %arg0, %eq3A : i32
    %convert_element_type3A = arith.extui %eq3A_0 : i1 to i32
    %cond3A = arith.constant 0 : i32
    %cond3A_1 = arith.cmpi ne, %convert_element_type3A, %cond3A : i32
    scf.if %cond3A_1 {
      %get3A_12 = arith.constant 0 : index
      %get3A_13 = arith.constant 0 : index
      %get3A_14 = vector.load %arg1[%get3A_12, %get3A_13] : memref<10000x128xf32, #tpu.memory_space<vmem>>, vector<10000x128xf32>
      %get3A_15 = arith.constant 0 : index
      %get3A_16 = arith.constant 0 : index
      %get3A_17 = vector.load %arg2[%get3A_15, %get3A_16] : memref<10000x128xf32, #tpu.memory_space<vmem>>, vector<10000x128xf32>
      %add3A = arith.addf %get3A_14, %get3A_17 : vector<10000x128xf32>
      %get3A_18 = arith.constant 0 : index
      %get3A_19 = arith.constant 0 : index
      %get3A_20 = vector.load %arg3[%get3A_18, %get3A_19] : memref<10000x128xf32, #tpu.memory_space<vmem>>, vector<10000x128xf32>
      %get3A_21 = arith.constant 0 : index
      %get3A_22 = arith.constant 0 : index
      %get3A_23 = vector.load %arg4[%get3A_21, %get3A_22] : memref<128x128xf32, #tpu.memory_space<vmem>>, vector<128x128xf32>
      %dot_general3A_24 = arith.constant dense<0.000000e+00> : vector<10000x128xf32>
      %dot_general3A_25 = tpu.matmul %get3A_20, %get3A_23, %dot_general3A_24 {dimension_numbers = #tpu.dot_dimension_numbers<[1], [0], [0], [1], [0, 0, 1, 1], [], []>, transpose_lhs_hint = false} : vector<10000x128xf32>, vector<128x128xf32>, vector<10000x128xf32> -> vector<10000x128xf32>
      %add3A_26 = arith.addf %add3A, %dot_general3A_25 : vector<10000x128xf32>
      %get3A_27 = arith.constant 0 : index
      %get3A_28 = arith.constant 0 : index
      %get3A_29 = vector.load %arg5[%get3A_27, %get3A_28] : memref<1x128xf32, #tpu.memory_space<vmem>>, vector<1x128xf32>
      %add3A_30 = vector.broadcast %get3A_29 : vector<1x128xf32> to vector<10000x128xf32>
      %add3A_31 = arith.addf %add3A_26, %add3A_30 : vector<10000x128xf32>
      %max3A = arith.constant 0.000000e+00 : f32
      %max3A_32 = vector.broadcast %max3A : f32 to vector<10000x128xf32>
      %max3A_33 = arith.maximumf %add3A_31, %max3A_32 : vector<10000x128xf32>
      %swap3A_34 = arith.constant 0 : index
      %swap3A_35 = arith.constant 0 : index
      %swap3A_36 = vector.load %arg9[%swap3A_34, %swap3A_35] : memref<10000x128xf32, #tpu.memory_space<vmem>>, vector<10000x128xf32>
      tpu.vector_store %arg9[%swap3A_34, %swap3A_35], %max3A_33 {strides = array<i32>} : memref<10000x128xf32, #tpu.memory_space<vmem>>, vector<10000x128xf32>,
      %swap3A_37 = arith.constant 0 : index
      %swap3A_38 = arith.constant 0 : index
      %swap3A_39 = vector.load %arg8[%swap3A_37, %swap3A_38] : memref<10000x128xf32, #tpu.memory_space<vmem>>, vector<10000x128xf32>
      tpu.vector_store %arg8[%swap3A_37, %swap3A_38], %max3A_33 {strides = array<i32>} : memref<10000x128xf32, #tpu.memory_space<vmem>>, vector<10000x128xf32>,
    } else {
    }
    %get3A = arith.constant 0 : index
    %get3A_2 = arith.constant 0 : index
    %get3A_3 = vector.load %arg9[%get3A, %get3A_2] : memref<10000x128xf32, #tpu.memory_space<vmem>>, vector<10000x128xf32>
    %get3A_4 = arith.constant 0 : index
    %get3A_5 = arith.constant 0 : index
    %get3A_6 = arith.constant 0 : index
    %get3A_7 = vector.load %arg6[%get3A_4, %get3A_5, %get3A_6] : memref<1x128x128xf32, #tpu.memory_space<vmem>>, vector<1x128x128xf32>
    %get3A_8 = vector.shape_cast %get3A_7 : vector<1x128x128xf32> to vector<128x128xf32>
    %dot_general3A = arith.constant dense<0.000000e+00> : vector<10000x128xf32>
    %dot_general3A_9 = tpu.matmul %get3A_3, %get3A_8, %dot_general3A {dimension_numbers = #tpu.dot_dimension_numbers<[1], [0], [0], [1], [0, 0, 1, 1], [], []>, transpose_lhs_hint = false} : vector<10000x128xf32>, vector<128x128xf32>, vector<10000x128xf32> -> vector<10000x128xf32>
    %swap3A = arith.constant 0 : index
    %swap3A_10 = arith.constant 0 : index
    %swap3A_11 = vector.load %arg7[%swap3A, %swap3A_10] : memref<10000x128xf32, #tpu.memory_space<vmem>>, vector<10000x128xf32>
    tpu.vector_store %arg7[%swap3A, %swap3A_10], %dot_general3A_9 {strides = array<i32>} : memref<10000x128xf32, #tpu.memory_space<vmem>>, vector<10000x128xf32>,
    return
  }
  func.func @transform_0(%arg0: i32) -> (i32, i32) {
    %c0_i32 = arith.constant 0 : i32
    %c0_i32_0 = arith.constant 0 : i32
    %c0_i32_1 = arith.constant 0 : i32
    return %c0_i32, %c0_i32_0 : i32, i32
  }
  func.func @transform_1(%arg0: i32) -> (i32, i32) {
    %c0_i32 = arith.constant 0 : i32
    %c0_i32_0 = arith.constant 0 : i32
    %c0_i32_1 = arith.constant 0 : i32
    return %c0_i32, %c0_i32_0 : i32, i32
  }
  func.func @transform_2(%arg0: i32) -> (i32, i32) {
    %c0_i32 = arith.constant 0 : i32
    %c0_i32_0 = arith.constant 0 : i32
    %c0_i32_1 = arith.constant 0 : i32
    return %c0_i32, %c0_i32_0 : i32, i32
  }
  func.func @transform_3(%arg0: i32) -> (i32, i32) {
    %c0_i32 = arith.constant 0 : i32
    %c0_i32_0 = arith.constant 0 : i32
    %c0_i32_1 = arith.constant 0 : i32
    return %c0_i32, %c0_i32_0 : i32, i32
  }
  func.func @transform_4(%arg0: i32) -> (i32, i32) {
    %c0_i32 = arith.constant 0 : i32
    %c0_i32_0 = arith.constant 0 : i32
    %c0_i32_1 = arith.constant 0 : i32
    return %c0_i32, %c0_i32_0 : i32, i32
  }
  func.func @transform_5(%arg0: i32) -> (i32, i32, i32) {
    %c0_i32 = arith.constant 0 : i32
    %c0_i32_0 = arith.constant 0 : i32
    %c0_i32_1 = arith.constant 0 : i32
    return %arg0, %c0_i32, %c0_i32_0 : i32, i32, i32
  }
  func.func @transform_6(%arg0: i32) -> (i32, i32) {
    %c0_i32 = arith.constant 0 : i32
    %c0_i32_0 = arith.constant 0 : i32
    return %arg0, %c0_i32 : i32, i32
  }
  func.func @transform_7(%arg0: i32) -> (i32, i32) {
    %c0_i32 = arith.constant 0 : i32
    %c0_i32_0 = arith.constant 0 : i32
    %c0_i32_1 = arith.constant 0 : i32
    return %c0_i32, %c0_i32_0 : i32, i32
  }
}

module attributes {stable_mosaic.version = 14 : i64} {
  func.func @_combine_body(%arg0: i32, %arg1: memref<5000x128xf32, #tpu.memory_space<vmem>>, %arg2: memref<5000x128xf32, #tpu.memory_space<vmem>>, %arg3: memref<5000x128xf32, #tpu.memory_space<vmem>>, %arg4: memref<128x128xf32, #tpu.memory_space<vmem>>, %arg5: memref<1x128xf32, #tpu.memory_space<vmem>>, %arg6: memref<5000x128xf32, #tpu.memory_space<vmem>>) attributes {dimension_semantics = [#tpu.dimension_semantics<arbitrary>], iteration_bounds = array<i64: 2>, scalar_prefetch = 0 : i64, scratch_operands = 0 : i64, tpu.core_type = #tpu.core_type<tc>, window_params = [{transform_indices = @transform_0, window_bounds = array<i64: 5000, 128>}, {transform_indices = @transform_1, window_bounds = array<i64: 5000, 128>}, {transform_indices = @transform_2, window_bounds = array<i64: 5000, 128>}, {pipeline_mode = #tpu.pipeline_mode<synchronous>, transform_indices = @transform_3, window_bounds = array<i64: 128, 128>}, {pipeline_mode = #tpu.pipeline_mode<synchronous>, transform_indices = @transform_4, window_bounds = array<i64: 1, 128>}, {transform_indices = @transform_5, window_bounds = array<i64: 5000, 128>}]} {
    %get3A = arith.constant 0 : index
    %get3A_0 = arith.constant 0 : index
    %get3A_1 = vector.load %arg1[%get3A, %get3A_0] : memref<5000x128xf32, #tpu.memory_space<vmem>>, vector<5000x128xf32>
    %get3A_2 = arith.constant 0 : index
    %get3A_3 = arith.constant 0 : index
    %get3A_4 = vector.load %arg2[%get3A_2, %get3A_3] : memref<5000x128xf32, #tpu.memory_space<vmem>>, vector<5000x128xf32>
    %add3A = arith.addf %get3A_1, %get3A_4 : vector<5000x128xf32>
    %get3A_5 = arith.constant 0 : index
    %get3A_6 = arith.constant 0 : index
    %get3A_7 = vector.load %arg3[%get3A_5, %get3A_6] : memref<5000x128xf32, #tpu.memory_space<vmem>>, vector<5000x128xf32>
    %get3A_8 = arith.constant 0 : index
    %get3A_9 = arith.constant 0 : index
    %get3A_10 = vector.load %arg4[%get3A_8, %get3A_9] : memref<128x128xf32, #tpu.memory_space<vmem>>, vector<128x128xf32>
    %dot_general3A = arith.constant dense<0.000000e+00> : vector<5000x128xf32>
    %dot_general3A_11 = tpu.matmul %get3A_7, %get3A_10, %dot_general3A {dimension_numbers = #tpu.dot_dimension_numbers<[1], [0], [0], [1], [0, 0, 1, 1], [], []>, transpose_lhs_hint = false} : vector<5000x128xf32>, vector<128x128xf32>, vector<5000x128xf32> -> vector<5000x128xf32>
    %add3A_12 = arith.addf %add3A, %dot_general3A_11 : vector<5000x128xf32>
    %get3A_13 = arith.constant 0 : index
    %get3A_14 = arith.constant 0 : index
    %get3A_15 = vector.load %arg5[%get3A_13, %get3A_14] : memref<1x128xf32, #tpu.memory_space<vmem>>, vector<1x128xf32>
    %add3A_16 = vector.broadcast %get3A_15 : vector<1x128xf32> to vector<5000x128xf32>
    %add3A_17 = arith.addf %add3A_12, %add3A_16 : vector<5000x128xf32>
    %swap3A = arith.constant 0 : index
    %swap3A_18 = arith.constant 0 : index
    %swap3A_19 = vector.load %arg6[%swap3A, %swap3A_18] : memref<5000x128xf32, #tpu.memory_space<vmem>>, vector<5000x128xf32>
    tpu.vector_store %arg6[%swap3A, %swap3A_18], %add3A_17 {strides = array<i32>} : memref<5000x128xf32, #tpu.memory_space<vmem>>, vector<5000x128xf32>,
    return
  }
  func.func @transform_0(%arg0: i32) -> (i32, i32) {
    %c0_i32 = arith.constant 0 : i32
    %c0_i32_0 = arith.constant 0 : i32
    return %arg0, %c0_i32 : i32, i32
  }
  func.func @transform_1(%arg0: i32) -> (i32, i32) {
    %c0_i32 = arith.constant 0 : i32
    %c0_i32_0 = arith.constant 0 : i32
    return %arg0, %c0_i32 : i32, i32
  }
  func.func @transform_2(%arg0: i32) -> (i32, i32) {
    %c0_i32 = arith.constant 0 : i32
    %c0_i32_0 = arith.constant 0 : i32
    return %arg0, %c0_i32 : i32, i32
  }
  func.func @transform_3(%arg0: i32) -> (i32, i32) {
    %c0_i32 = arith.constant 0 : i32
    %c0_i32_0 = arith.constant 0 : i32
    %c0_i32_1 = arith.constant 0 : i32
    return %c0_i32, %c0_i32_0 : i32, i32
  }
  func.func @transform_4(%arg0: i32) -> (i32, i32) {
    %c0_i32 = arith.constant 0 : i32
    %c0_i32_0 = arith.constant 0 : i32
    %c0_i32_1 = arith.constant 0 : i32
    return %c0_i32, %c0_i32_0 : i32, i32
  }
  func.func @transform_5(%arg0: i32) -> (i32, i32) {
    %c0_i32 = arith.constant 0 : i32
    %c0_i32_0 = arith.constant 0 : i32
    return %arg0, %c0_i32 : i32, i32
  }
}

</mosaic_0001>

<sc_bundles>
// kernel: kernel.12.cloned.1.call-start
scs
__scs_entry_jumppad:
0x0: {  	(pc) =	sbr.rel $0x88, $3  }
0x1: {  	(tag) =	ssettag $0x0;
	lr =	simm.s32 $0x1  }
0x2: {  	[smem:$0x3F95] =	sst lr;
	_ =	strace $0xD0000000  }
0x3: {  	_ = 	snop  }
0x4: {  	_ = 	snop  }
0x5: {  	_ = 	snop  }
0x6: {  	_ = 	snop  }
0x7: {  	_ = 	snop  }
__scs_overlays_trampoline_lowered:
0x8: {  	[smem:$0x3FA4] =	sst s0  }
0x9: {  	[smem:$0x3FA5] =	sst s1  }
0xa: {  	[smem:$0x3FA6] =	sst s2  }
0xb: {  	[smem:$0x3FA7] =	sst s3  }
0xc: {  	[smem:$0x3FA8] =	sst s4  }
0xd: {  	[smem:$0x3FA9] =	sst s5  }
0xe: {  	[smem:$0x3FAA] =	sst s6  }
0xf: {  	[smem:$0x3FAB] =	sst s7  }
0x10: {  	[smem:$0x3FAC] =	sst s8  }
0x11: {  	[smem:$0x3FAD] =	sst s9;
	s0 =	simm.s32 @!p0 $0x0  }
0x12: {  	s1 =	sld [smem:$0x3F93];
	s0 =	simm.s32 @p0 $0x1  }
0x13: {  	[smem:$0x3FAE] =	sst s0;
	s0 =	simm.s32 @!p1 $0x0  }
0x14: {  	s2 =	sld [smem:$0x3F92];
	s0 =	simm.s32 @p1 $0x1  }
0x15: {  	[smem:$0x3FAF] =	sst s0;
	s0 =	simm.s32 @!p2 $0x0  }
0x16: {  	s3 =	sld [smem:$0x3FDB];
	s0 =	simm.s32 @p2 $0x1  }
0x17: {  	s4 =	simm.s32 $0x1BF5;
	[smem:$0x3FB1] =	sst s0  }
0x18: {  	s0 =	sld [smem:$0x3F94];
	_ =	swait.ge [sflag:s4], $0x0  }
0x19: {  	s7 =	sld [smem:$0x3F95]  }
0x1a: {  	s8 =	sadd.s32 $0xFFFFE003, lr  }
0x1b: {  	s9 =	sadd.s32 $0xFFFFFEF7, lr;
	s5 =	simm.s32 $0xFFFFFFFF;
	p2 =	slt.u32 s8, $0xFFFFF086  }
0x1c: {  	p1 =	slt.u32 s9, $0xF7A;
	s5 =	simm.s32 @!p2 $0x0  }
0x1d: {  	s5 =	simm.s32 @p1 $0x1;
	p0 =	seq.s32 s7, s2  }
0x1e: {  	s7 =	smul.u32 @!p0 $0xF7A, s2;
	p2 =	seq.s32 @!p0 s5, $0x0  }
0x1f: {  	s9 =	smul.u32 $0xF7A, s1;
	s8 =	simm.s32 @!p0 $0x1BF5;
	p2 =	por !p2, p0  }
0x20: {  	[sflag:s8] =	ssyncset.s32 @!p0 $0xFFFFF086;
	s6 =	sadd.s32 @!p0 s3, s7;
	s7 =	simm.s32 @!p0 $0x108  }
0x21: {  	s3 =	sadd.s32 s3, s9;
	s6 =	sadd.s32 @!p0 $0x88, s6;
	s7 =	simm.s32 @p2 $0x1082  }
0x22: {  	[simem:s7], [sflag:s8] =	dma.local @!p0 [hbm:s6], $0xF7A  }
0x23: {  	s9 =	sor.u32 $0xD0000000, s2;
	s6 =	simm.s32 $0x108;
	_ =	swait.ge @!p0 [sflag:s8], $0x0  }
0x24: {  	s3 =	sadd.s32 $0x88, s3;
	s6 =	simm.s32 @!p1 $0x1082;
	[sflag:s4] =	ssyncset.s32 $0xFFFFF086  }
0x25: {  	[simem:s6], [sflag:s4] =	dma.local [hbm:s3], $0xF7A  }
0x26: {  	[smem:$0x3F95] =	sst s1;
	(tag) =	ssettag s2;
	_ =	strace s9  }
0x27: {  	s1 =	sld [smem:$0x3FA5]  }
0x28: {  	s2 =	sld [smem:$0x3FA6]  }
0x29: {  	s4 =	sld [smem:$0x3FA8]  }
0x2a: {  	p0 =	seq.s32 s5, $0x0;
	s5 =	sld [smem:$0x3FA9]  }
0x2b: {  	s6 =	sld [smem:$0x3FAA]  }
0x2c: {  	s7 =	sld [smem:$0x3FAB]  }
0x2d: {  	s3 =	simm.s32 $0x108;
	s8 =	sld [smem:$0x3FAC]  }
0x2e: {  	s3 =	simm.s32 @!p0 $0x1082;
	s9 =	sld [smem:$0x3FAD]  }
0x2f: {  	lr =	sadd.s32 s0, s3;
	s0 =	sld [smem:$0x3FA4]  }
0x30: {  	s3 =	sld [smem:$0x3FA7]  }
0x31: {  	[smem:$0x3FB0] =	sst s10  }
0x32: {  	s10 =	sld [smem:$0x3FAE];
	_ =	sdelay $0x3  }
0x33: {  	p0 =	seq.s32 s10, $0x1;
	s10 =	sld [smem:$0x3FB0];
	_ =	sdelay $0x3  }
0x34: {  	[smem:$0x3FB0] =	sst s10  }
0x35: {  	s10 =	sld [smem:$0x3FAF];
	_ =	sdelay $0x3  }
0x36: {  	p1 =	seq.s32 s10, $0x1;
	s10 =	sld [smem:$0x3FB0];
	_ =	sdelay $0x3  }
0x37: {  	[smem:$0x3FB0] =	sst s10  }
0x38: {  	s10 =	sld [smem:$0x3FB1]  }
0x39: {  	_ = 	snop;
	(pc) =	sbr.ind lr, $3  }
0x3a: {  	_ = 	snop  }
0x3b: {  	_ = 	snop  }
0x3c: {  	p2 =	seq.s32 s10, $0x1;
	s10 =	sld [smem:$0x3FB0]  }
0x3d: {  	_ =	shalt  }
0x3e: {  	_ =	shalt  }
0x3f: {  	_ =	shalt  }
0x40: {  	_ =	shalt  }
0x41: {  	_ =	shalt  }
0x42: {  	_ =	shalt  }
0x43: {  	_ =	shalt  }
0x44: {  	_ =	shalt  }
0x45: {  	_ =	shalt  }
0x46: {  	_ =	shalt  }
0x47: {  	_ =	shalt  }
0x48: {  	_ =	shalt  }
0x49: {  	_ =	shalt  }
0x4a: {  	_ =	shalt  }
0x4b: {  	_ =	shalt  }
0x4c: {  	_ =	shalt  }
0x4d: {  	_ =	shalt  }
0x4e: {  	_ =	shalt  }
0x4f: {  	_ =	shalt  }
0x50: {  	_ =	shalt  }
0x51: {  	_ =	shalt  }
0x52: {  	_ =	shalt  }
0x53: {  	_ =	shalt  }
0x54: {  	_ =	shalt  }
0x55: {  	_ =	shalt  }
0x56: {  	_ =	shalt  }
0x57: {  	_ =	shalt  }
0x58: {  	_ =	shalt  }
0x59: {  	_ =	shalt  }
0x5a: {  	_ =	shalt  }
0x5b: {  	_ =	shalt  }
0x5c: {  	_ =	shalt  }
0x5d: {  	_ =	shalt  }
0x5e: {  	_ =	shalt  }
0x5f: {  	_ =	shalt  }
0x60: {  	_ =	shalt  }
0x61: {  	_ =	shalt  }
0x62: {  	_ =	shalt  }
0x63: {  	_ =	shalt  }
0x64: {  	_ =	shalt  }
0x65: {  	_ =	shalt  }
0x66: {  	_ =	shalt  }
0x67: {  	_ =	shalt  }
0x68: {  	_ =	shalt  }
0x69: {  	_ =	shalt  }
0x6a: {  	_ =	shalt  }
0x6b: {  	_ =	shalt  }
0x6c: {  	_ =	shalt  }
0x6d: {  	_ =	shalt  }
0x6e: {  	_ =	shalt  }
0x6f: {  	_ =	shalt  }
0x70: {  	_ =	shalt  }
0x71: {  	_ =	shalt  }
0x72: {  	_ =	shalt  }
0x73: {  	_ =	shalt  }
0x74: {  	_ =	shalt  }
0x75: {  	_ =	shalt  }
0x76: {  	_ =	shalt  }
0x77: {  	_ =	shalt  }
0x78: {  	_ =	shalt  }
0x79: {  	_ =	shalt  }
0x7a: {  	_ =	shalt  }
0x7b: {  	_ =	shalt  }
0x7c: {  	_ =	shalt  }
0x7d: {  	_ =	shalt  }
0x7e: {  	_ =	shalt  }
0x7f: {  	_ =	shalt  }
0x80: {  	_ =	shalt  }
0x81: {  	_ =	shalt  }
0x82: {  	_ =	shalt  }
0x83: {  	_ =	shalt  }
0x84: {  	_ =	shalt  }
0x85: {  	_ =	shalt  }
0x86: {  	_ =	shalt  }
0x87: {  	_ =	shalt  }
.Lfunc_end0:
.L_simem_size_0:
called_computation.1_lowered:
.L_overlay_start_0:
0x88: {  	s2 =	sld [smem:$0x3FD9]  }
0x89: {  	s3 =	sld [smem:$0x3FFE];
	_ =	sdelay $0x1  }
0x8a: {  	s1 =	srdreg.scid  }
0x8b: {  	s0 =	sand.u32 $0x1, s1  }
0x8c: {  	s17 =	sshll.u32 s0, $0xA;
	s2 =	sadd.s32 s3, s2  }
0x8d: {  	s2 =	sadd.s32 s2, s17  }
0x8e: {  	[smem:$0x3FBC] =	sst s2  }
0x8f: {  	_ = 	snop  }
0x90: {  	s2 =	sld [smem:$0x3FD0];
	(tm) =	ssettm $0x1  }
0x91: {  	s18 =	sld [smem:$0x3FFB];
	_ =	sdelay $0x3  }
0x92: {  	_ =	strace s18  }
0x93: {  	s3 =	sld [smem:$0x3FFC];
	_ =	sdelay $0x3  }
0x94: {  	_ =	strace s3  }
0x95: {  	s3 =	sld [smem:$0x3FFD];
	_ =	sdelay $0x3  }
0x96: {  	_ =	strace s3  }
0x97: {  	_ =	strace $0x8FFFFFFF  }
0x98: {  	s19 =	sld [smem:$0x3FDB];
	_ =	sdelay $0x1  }
0x99: {  	s4 =	simm.s32 $_scs_section_size  }
0x9a: {  	s5 =	simm.s32 $_size__tile_overlayer_lowered;
	s6 =	simm.s32 $_tile_overlayer_lowered  }
0x9b: {  	s22 =	simm.s32 $0x1BFF;
	s21 =	sshll.u32 s6, $0x1;
	s3 =	sadd.s32 s4, s19  }
0x9c: {  	s7 =	simm.s32 $0x0;
	s20 =	sshll.u32 s5, $0x1;
	s5 =	sadd.s32 s21, s3  }
0x9d: {  	[timem:s7], [sflag:s22] =	dma.local [hbm:s5], s20  }
0x9e: {  	_ =	swait.ge [sflag:s22], s20  }
0x9f: {  	s4 =	ssub.s32 $0x0, s20;
	[sflag:s22] =	ssyncset.done $0x0  }
0xa0: {  	[sflag:s22] =	ssyncadd.s32 s4;
	_ =	sdelay $0x1  }
0xa1: {  	s23 =	simm.s32 $0x1B8B  }
0xa2: {  	_ =	swait.ge [sflag:s23], $0x1  }
0xa3: {  	[sflag:s23] =	ssyncset.done $0x0  }
0xa4: {  	s25 =	simm.s32 $0x1B8E;
	s24 =	sld [smem:$0x3FFE];
	[sflag:s23] =	ssyncadd.s32 $0xFFFFFFFF  }
0xa5: {  	s26 =	simm.s32 $execute0_lowered;
	[smem:$0x3FD2] =	sst s25  }
0xa6: {  	s5 =	sshll.u32 s26, $0x1;
	_ =	strace $0x80000049;
	[dreg:$0x1] =	wrdreg $0xFFFFFFFF  }
0xa7: {  	s28 =	simm.s32 $_size_execute0_lowered;
	s3 =	sadd.s32 s3, s5;
	[dreg:$0x0] =	wrdreg $0x0  }
0xa8: {  	s5 =	sshll.u32 s28, $0x1;
	[dreg:$0x2] =	wrdreg s3  }
0xa9: {  	[dreg:$0x3] =	wrdreg s5  }
0xaa: {  	[dreg:$0x4] =	wrdreg $0xC0  }
0xab: {  	_ =	task [dreg:s7], $0x5FFFF  }
0xac: {  	[dreg:$0x1] =	wrdreg $0xFFFFFFFF  }
0xad: {  	[dreg:$0x0] =	wrdreg $0x60  }
0xae: {  	[dreg:$0x2] =	wrdreg s24  }
0xaf: {  	[dreg:$0x3] =	wrdreg s2  }
0xb0: {  	[dreg:$0x4] =	wrdreg $0xA8000  }
0xb1: {  	[dreg:$0x5] =	wrdreg $0x9  }
0xb2: {  	_ =	task.clear_ibuf [dreg:s7], $0x6FFFF;
	_ =	strace $0x90000049  }
0xb3: {  	s29 =	simm.s32 $0x9;
	_ =	strace $0x8000004B  }
0xb4: {  	_ =	swait.ge [sflag:s29], $0x1  }
0xb5: {  	[sflag:s29] =	ssyncadd.s32 $0xFFFFFFFF  }
0xb6: {  	_ =	strace $0x9000004B  }
0xb7: {  	_ =	sfence  }
0xb8: {  	s30 =	sld [smem:$0x0];
	_ =	sdelay $0x2  }
0xb9: {  	s31 =	sshll.u32 s1, $0xD;
	s1 =	sshrl.u32 s1, $0x2  }
0xba: {  	s3 =	sand.u32 $0x4000, s31;
	s1 =	sadd.s32 s1, s30  }
0xbb: {  	s0 =	sor.u32 s3, s0;
	s1 =	sshll.u32 s1, $0x11  }
0xbc: {  	s0 =	sor.u32 s1, s0  }
0xbd: {  	s0 =	sadd.s32 $0x8F2B, s0  }
0xbe: {  	[sflag:s0] =	ssyncadd.remote.s32 $0x1  }
0xbf: {  	_ =	sfence.sel $0xFFFF  }
0xc0: {  	[dreg:$0x0] =	wrdreg $0xFFFFFFFF;
	(pc) =	sbr.abs _section_cstart, $3  }
0xc1: {  	[dreg:$0x1] =	wrdreg $0xFFFFFFFF  }
0xc2: {  	_ =	task.clear_ibuf [dreg:s7], $0x2FFFF;
	_ =	strace $0x9FFFFFFF  }
0xc3: {  	(tm) =	ssettm $0x7FFFFFFF  }
tec
execute0_lowered:
.L_overlay_start_1:
0x0: {  	(tag) =	ssettag $0x1  }
0x1: {  	s9 =	rddreg [dreg:$0x0]  }
0x2: {  	s8 =	rddreg [dreg:$0x1]  }
0x3: {  	s2 =	rddreg [dreg:$0x2]  }
0x4: {  	s0 =	rddreg [dreg:$0x3];
	s3 =	simm.s32 $0x0;
	s4 =	srdreg.scid  }
0x5: {  	s1 =	stileid.u32;
	s16 =	simm.s32 $0x6800;
	s19 =	simm.s32 $0x1  }
0x6: {  	s20 =	simm.s32 $0x2;
	s21 =	simm.s32 $0x2780;
	s22 =	simm.s32 $0x0  }
0x7: {  	[smem:$0x7FF] =	sst s3;
	s10 =	sand.u32 $0x1, s4;
	s26 =	sshll.u32 s1, $0x1  }
0x8: {  	s4 =	sadd.s32 $0x3800, s9;
	s12 =	sadd.s32 $0x2E9C00, s9;
	s14 =	smul.u32 $0x4F000, s1  }
0x9: {  	s5 =	sadd.s32 $0x2F3C00, s9;
	s30 =	smul.u32 $0x2780, s1;
	s17 =	sshll.u32 s1, $0x6  }
0xa: {  	_ =	strace $0x8000004A;
	s6 =	sor.u32 s10, s26;
	s7 =	ssub.s32 $0x2, s10  }
0xb: {  	p0 =	seq.s32 s10, $0x1;
	s10 =	simm.s32 $0x31DC00;
	s11 =	smul.u32 $0x500, s6  }
0xc: {  	s17 =	sor.u32 $0x1C03, s17;
	s13 =	sshrl.u32 s7, $0x1;
	s15 =	smul.u32 $0x2800, s6  }
0xd: {  	s28 =	sshrl.u32 s14, $0x2;
	s10 =	simm.s32 @!p0 $0x2F6400;
	s13 =	ssub.s32 s7, s13  }
0xe: {  	s18 =	sadd.s32 s28, s2;
	s31 =	sadd.s32 s10, s9;
	s6 =	sadd.s32 s8, s11  }
0xf: {  	s7 =	sadd.s32 s12, s11;
	s29 =	sshrl.u32 s15, $0x3;
	s10 =	smax.u32 s13, $0x1  }
0x10: {  	s11 =	sadd.s32 s31, s30;
	s13 =	simm.s32 $0x1400;
	s14 =	sadd.s32 $0x280, s29  }
0x11: {  	s15 =	simm.s32 $0x2800;
	s18 =	sshrl.u32 s18, $0x3;
	s8 =	sadd.s32 s8, s14  }
0x12: {  	s9 =	sadd.s32 s12, s14;
	s12 =	simm.s32 $0x3;
	s14 =	simm.s32 $0x80  }
.LBB2_1:
0x13: {  	[tilespmem:s3], [sflag:$0x3] =	stream.linear.gather [hbm4b:s6+s3], $0x1400, $0x38;
	[tilespmem:$0x1E400] =	vst v63  }
0x14: {  	_ =	swait.ge [sflag:s12], $0x1400  }
0x15: {  	[sflag:s12] =	ssyncset.done $0x0  }
0x16: {  	[sflag:s12] =	ssyncadd.s32 $0xFFFFEC00  }
0x17: {  	[tilespmem:s13], [sflag:$0x3] =	stream.linear.gather [hbm4b:s7+s3], $0x1400, $0x38;
	[tilespmem:$0x1E400] =	vst v63  }
0x18: {  	_ =	swait.ge [sflag:s12], $0x1400  }
0x19: {  	[sflag:s12] =	ssyncset.done $0x0  }
0x1a: {  	[sflag:s12] =	ssyncadd.s32 $0xFFFFEC00  }
0x1b: {  	[tilespmem:s15], [sflag:$0x1] =	stream.indirect.gather [hbm4b:s4+s14], $0x80, s3, s14, $0xb8;
	[tilespmem:$0x1E400] =	vst v63  }
0x1c: {  	_ = 	snop  }
0x1d: {  	[tilespmem:s16], [sflag:$0x1] =	stream.indirect.gather [hbm4b:s4+s14], $0x80, s14, s14, $0xb8;
	[tilespmem:$0x1E400] =	vst v63  }
0x1e: {  	[spmem:s18], [sflag:s17] =	dma.local [hbm:s5], $0x2780  }
0x1f: {  	_ =	swait.ge [sflag:s12], $0x2780  }
0x20: {  	[sflag:s12] =	ssyncset.done $0x0  }
0x21: {  	[sflag:s12] =	ssyncadd.s32 $0xFFFFD880  }
0x22: {  	[bflag:$0x0] =	sbarrier.arrive $0xFFFF  }
0x23: {  	_ =	swait.ge [sflag:s19], $0x4000  }
0x24: {  	[sflag:s19] =	ssyncset.done $0x0  }
0x25: {  	[sflag:s19] =	ssyncadd.s32 $0xFFFFC000  }
0x26: {  	[spmem:s2] =	stream.indirect.scatter.add.f32 [tilespmem:s15], [sflag:$0x2], $0x80, s13, s14, $0xb8;
	[tilespmem:$0x1E400] =	vst v63  }
0x27: {  	_ =	swait.ge [sflag:s20], $0x4000  }
0x28: {  	s23 =	sand.u32 $0x4000, s3;
	[sflag:s20] =	ssyncset.done $0x0  }
0x29: {  	s24 =	simm.s32 $0x100;
	s23 =	sor.u32 $0x2800, s23;
	[sflag:s20] =	ssyncadd.s32 $0xFFFFC000  }
0x2a: {  	[tilespmem:s23], [sflag:$0x1] =	stream.indirect.gather [hbm4b:s4+s14], $0x80, s24, s14, $0xb8;
	[tilespmem:$0x1E400] =	vst v63  }
0x2b: {  	s25 =	simm.s32 $0x180;
	s24 =	simm.s32 $0x4000;
	_ =	swait.ge [sflag:s19], $0x4000  }
0x2c: {  	s23 =	simm.s32 $0x1480;
	s26 =	sand.u32 $0x4000, s24;
	[sflag:s19] =	ssyncset.done $0x0  }
0x2d: {  	s28 =	sor.u32 $0x2800, s26;
	s26 =	simm.s32 $0x1500;
	[sflag:s19] =	ssyncadd.s32 $0xFFFFC000  }
.LBB2_2:
0x2e: {  	[spmem:s2] =	stream.indirect.scatter.add.f32 [tilespmem:s28], [sflag:$0x2], $0x80, s23, s14, $0xb8;
	[tilespmem:$0x1E400] =	vst v63  }
0x2f: {  	s28 =	smov.u32 s24;
	s23 =	smov.u32 s26  }
0x30: {  	p0 =	sne.s32 s24, $0x94000;
	s24 =	sadd.s32 $0x4000, s24;
	_ =	swait.ge [sflag:s20], $0x4000  }
0x31: {  	s28 =	sand.u32 $0x4000, s28;
	s29 =	sand.u32 $0x4000, s24;
	[sflag:s20] =	ssyncset.done $0x0  }
.Ltmp0:
0x32: {  	s28 =	sor.u32 $0x2800, s28;
	[sflag:s20] =	ssyncadd.s32 $0xFFFFC000;
	(pc) =	sbr.rel @p0 .LBB2_2-.Ltmp0, $4  }
0x33: {  	[tilespmem:s28], [sflag:$0x1] =	stream.indirect.gather [hbm4b:s4+s14], $0x80, s25, s14, $0xb8;
	[tilespmem:$0x1E400] =	vst v63  }
0x34: {  	_ =	swait.ge [sflag:s19], $0x4000  }
0x35: {  	s25 =	sadd.s32 $0x80, s25;
	[sflag:s19] =	ssyncset.done $0x0  }
0x36: {  	s26 =	sadd.s32 $0x80, s26;
	s28 =	sor.u32 $0x2800, s29;
	[sflag:s19] =	ssyncadd.s32 $0xFFFFC000  }
0x37: {  	[spmem:s2] =	stream.indirect.scatter.add.f32 [tilespmem:s28], [sflag:$0x2], $0x80, s23, s14, $0xb8;
	[tilespmem:$0x1E400] =	vst v63  }
0x38: {  	_ =	swait.ge [sflag:s20], $0x4000  }
0x39: {  	[sflag:s20] =	ssyncset.done $0x0  }
0x3a: {  	[sflag:s20] =	ssyncadd.s32 $0xFFFFC000  }
0x3b: {  	_ =	swait.ge [sflag:s19], $0x4000  }
0x3c: {  	[sflag:s19] =	ssyncset.done $0x0  }
0x3d: {  	[sflag:s19] =	ssyncadd.s32 $0xFFFFC000  }
0x3e: {  	[spmem:s2] =	stream.indirect.scatter.add.f32 [tilespmem:s16], [sflag:$0x2], $0x80, s21, s14, $0xb8;
	[tilespmem:$0x1E400] =	vst v63  }
0x3f: {  	_ =	swait.ge [sflag:s20], $0x4000  }
0x40: {  	[sflag:s20] =	ssyncset.done $0x0  }
0x41: {  	s31 =	simm.s32 $0x0;
	[sflag:s20] =	ssyncadd.s32 $0xFFFFC000  }
0x42: {  	[tilespmem:s31], [sflag:$0x3] =	stream.linear.gather [hbm4b:s8+s31], $0x1400, $0x38;
	[tilespmem:$0x1E400] =	vst v63  }
0x43: {  	_ =	swait.ge [sflag:s12], $0x1400  }
0x44: {  	[sflag:s12] =	ssyncset.done $0x0  }
0x45: {  	[sflag:s12] =	ssyncadd.s32 $0xFFFFEC00  }
0x46: {  	[tilespmem:s13], [sflag:$0x3] =	stream.linear.gather [hbm4b:s9+s31], $0x1400, $0x38;
	[tilespmem:$0x1E400] =	vst v63  }
0x47: {  	_ =	swait.ge [sflag:s12], $0x1400  }
0x48: {  	[sflag:s12] =	ssyncset.done $0x0  }
0x49: {  	[sflag:s12] =	ssyncadd.s32 $0xFFFFEC00  }
0x4a: {  	[tilespmem:s15], [sflag:$0x1] =	stream.indirect.gather [hbm4b:s4+s14], $0x80, s31, s14, $0xb8;
	[tilespmem:$0x1E400] =	vst v63  }
0x4b: {  	_ = 	snop  }
0x4c: {  	[tilespmem:s16], [sflag:$0x1] =	stream.indirect.gather [hbm4b:s4+s14], $0x80, s14, s14, $0xb8;
	[tilespmem:$0x1E400] =	vst v63  }
0x4d: {  	_ =	swait.ge [sflag:s19], $0x4000  }
0x4e: {  	[sflag:s19] =	ssyncset.done $0x0  }
0x4f: {  	[sflag:s19] =	ssyncadd.s32 $0xFFFFC000  }
0x50: {  	[spmem:s2] =	stream.indirect.scatter.add.f32 [tilespmem:s15], [sflag:$0x2], $0x80, s13, s14, $0xb8;
	[tilespmem:$0x1E400] =	vst v63  }
0x51: {  	_ =	swait.ge [sflag:s20], $0x4000  }
0x52: {  	s23 =	sand.u32 $0x4000, s31;
	[sflag:s20] =	ssyncset.done $0x0  }
0x53: {  	s24 =	simm.s32 $0x100;
	s23 =	sor.u32 $0x2800, s23;
	[sflag:s20] =	ssyncadd.s32 $0xFFFFC000  }
0x54: {  	[tilespmem:s23], [sflag:$0x1] =	stream.indirect.gather [hbm4b:s4+s14], $0x80, s24, s14, $0xb8;
	[tilespmem:$0x1E400] =	vst v63  }
0x55: {  	s25 =	simm.s32 $0x180;
	s24 =	simm.s32 $0x4000;
	_ =	swait.ge [sflag:s19], $0x4000  }
0x56: {  	s23 =	simm.s32 $0x1480;
	s26 =	sand.u32 $0x4000, s24;
	[sflag:s19] =	ssyncset.done $0x0  }
0x57: {  	s28 =	sor.u32 $0x2800, s26;
	s26 =	simm.s32 $0x1500;
	[sflag:s19] =	ssyncadd.s32 $0xFFFFC000  }
.LBB2_4:
0x58: {  	[spmem:s2] =	stream.indirect.scatter.add.f32 [tilespmem:s28], [sflag:$0x2], $0x80, s23, s14, $0xb8;
	[tilespmem:$0x1E400] =	vst v63  }
0x59: {  	s28 =	smov.u32 s24;
	s23 =	smov.u32 s26  }
0x5a: {  	p0 =	sne.s32 s24, $0x94000;
	s24 =	sadd.s32 $0x4000, s24;
	_ =	swait.ge [sflag:s20], $0x4000  }
0x5b: {  	s28 =	sand.u32 $0x4000, s28;
	s29 =	sand.u32 $0x4000, s24;
	[sflag:s20] =	ssyncset.done $0x0  }
.Ltmp1:
0x5c: {  	s28 =	sor.u32 $0x2800, s28;
	[sflag:s20] =	ssyncadd.s32 $0xFFFFC000;
	(pc) =	sbr.rel @p0 .LBB2_4-.Ltmp1, $4  }
0x5d: {  	[tilespmem:s28], [sflag:$0x1] =	stream.indirect.gather [hbm4b:s4+s14], $0x80, s25, s14, $0xb8;
	[tilespmem:$0x1E400] =	vst v63  }
0x5e: {  	_ =	swait.ge [sflag:s19], $0x4000  }
0x5f: {  	s25 =	sadd.s32 $0x80, s25;
	[sflag:s19] =	ssyncset.done $0x0  }
0x60: {  	s26 =	sadd.s32 $0x80, s26;
	s28 =	sor.u32 $0x2800, s29;
	[sflag:s19] =	ssyncadd.s32 $0xFFFFC000  }
0x61: {  	[spmem:s2] =	stream.indirect.scatter.add.f32 [tilespmem:s28], [sflag:$0x2], $0x80, s23, s14, $0xb8;
	[tilespmem:$0x1E400] =	vst v63  }
0x62: {  	_ =	swait.ge [sflag:s20], $0x4000  }
0x63: {  	[sflag:s20] =	ssyncset.done $0x0  }
0x64: {  	[sflag:s20] =	ssyncadd.s32 $0xFFFFC000  }
0x65: {  	_ =	swait.ge [sflag:s19], $0x4000  }
0x66: {  	[sflag:s19] =	ssyncset.done $0x0  }
0x67: {  	[sflag:s19] =	ssyncadd.s32 $0xFFFFC000  }
0x68: {  	[spmem:s2] =	stream.indirect.scatter.add.f32 [tilespmem:s16], [sflag:$0x2], $0x80, s21, s14, $0xb8;
	[tilespmem:$0x1E400] =	vst v63  }
0x69: {  	_ =	swait.ge [sflag:s20], $0x4000  }
0x6a: {  	s22 =	sadd.s32 $0x1, s22;
	[sflag:s20] =	ssyncset.done $0x0  }
0x6b: {  	p0 =	sne.s32 s22, s10;
	[sflag:s20] =	ssyncadd.s32 $0xFFFFC000  }
.Ltmp2:
0x6c: {  	[bflag:$0x0] =	sbarrier.arrive $0xFFFF;
	(pc) =	sbr.rel @p0 .LBB2_1-.Ltmp2, $4  }
0x6d: {  	[hbm:s11], [sflag:s17] =	dma.local [spmem:s18], $0x2780  }
0x6e: {  	_ =	swait.ge [sflag:s12], $0x2780  }
0x6f: {  	[sflag:s12] =	ssyncset.done $0x0  }
0x70: {  	[sflag:s12] =	ssyncadd.s32 $0xFFFFD880  }
0x71: {  	_ =	sfence.sel $0x180000  }
0x72: {  	[bflag:$0x0] =	sbarrier.arrive $0xFFFF  }
0x73: {  	p0 =	sne.s32 s1, $0x0;
	_ =	strace $0x9000004A  }
0x74: {  	s0 =	sadd.s32 @!p0 $0x100000, s0;
	[bflag:$0x2] =	sbarrier.arrive $0xFFFF  }
0x75: {  	[sflag:s0] =	ssyncadd.tile.s32 @!p0 $0x1;
	_ =	shalt  }
.Lfunc_end2:
_tile_overlayer_lowered:
.L_overlay_start_2:
0x76: {  	(tag) =	ssettag $0x2  }
0x77: {  	s0 =	rddreg [dreg:$0x0];
	s2 =	stileid.u32  }
0x78: {  	s1 =	rddreg [dreg:$0x1];
	p0 =	sne.s32 s2, $0x0  }
0x79: {  	s3 =	rddreg [dreg:$0x2];
	[bflag:$0x3] =	sbarrier.arrive $0xFFFF;
	s2 =	simm.s32 @!p0 $0x1C03  }
0x7a: {  	[timem:s3], [sflag:s2] =	dma.local @!p0 [hbm:s0], s1  }
0x7b: {  	s0 =	simm.s32 @!p0 $0x3  }
0x7c: {  	_ =	swait.ge @!p0 [sflag:s0], s1  }
0x7d: {  	s1 =	ssub.s32 @!p0 $0x0, s1;
	[sflag:s0] =	ssyncset.done @!p0 $0x0  }
0x7e: {  	[sflag:s0] =	ssyncadd.s32 @!p0 s1  }
0x7f: {  	[bflag:$0x3] =	sbarrier.arrive $0xFFFF  }
0x80: {  	_ =	shalt  }

// kernel: kernel.15.cloned.1.call-start
scs
__scs_entry_jumppad:
0x0: {  	(pc) =	sbr.rel $0x88, $3  }
0x1: {  	(tag) =	ssettag $0x0;
	lr =	simm.s32 $0x1  }
0x2: {  	[smem:$0x3F95] =	sst lr;
	_ =	strace $0xD0000000  }
0x3: {  	_ = 	snop  }
0x4: {  	_ = 	snop  }
0x5: {  	_ = 	snop  }
0x6: {  	_ = 	snop  }
0x7: {  	_ = 	snop  }
__scs_overlays_trampoline_lowered:
0x8: {  	[smem:$0x3FA4] =	sst s0  }
0x9: {  	[smem:$0x3FA5] =	sst s1  }
0xa: {  	[smem:$0x3FA6] =	sst s2  }
0xb: {  	[smem:$0x3FA7] =	sst s3  }
0xc: {  	[smem:$0x3FA8] =	sst s4  }
0xd: {  	[smem:$0x3FA9] =	sst s5  }
0xe: {  	[smem:$0x3FAA] =	sst s6  }
0xf: {  	[smem:$0x3FAB] =	sst s7  }
0x10: {  	[smem:$0x3FAC] =	sst s8  }
0x11: {  	[smem:$0x3FAD] =	sst s9;
	s0 =	simm.s32 @!p0 $0x0  }
0x12: {  	s1 =	sld [smem:$0x3F93];
	s0 =	simm.s32 @p0 $0x1  }
0x13: {  	[smem:$0x3FAE] =	sst s0;
	s0 =	simm.s32 @!p1 $0x0  }
0x14: {  	s2 =	sld [smem:$0x3F92];
	s0 =	simm.s32 @p1 $0x1  }
0x15: {  	[smem:$0x3FAF] =	sst s0;
	s0 =	simm.s32 @!p2 $0x0  }
0x16: {  	s3 =	sld [smem:$0x3FDB];
	s0 =	simm.s32 @p2 $0x1  }
0x17: {  	s4 =	simm.s32 $0x1BF5;
	[smem:$0x3FB1] =	sst s0  }
0x18: {  	s0 =	sld [smem:$0x3F94];
	_ =	swait.ge [sflag:s4], $0x0  }
0x19: {  	s7 =	sld [smem:$0x3F95]  }
0x1a: {  	s8 =	sadd.s32 $0xFFFFE003, lr  }
0x1b: {  	s9 =	sadd.s32 $0xFFFFFEF7, lr;
	s5 =	simm.s32 $0xFFFFFFFF;
	p2 =	slt.u32 s8, $0xFFFFF086  }
0x1c: {  	p1 =	slt.u32 s9, $0xF7A;
	s5 =	simm.s32 @!p2 $0x0  }
0x1d: {  	s5 =	simm.s32 @p1 $0x1;
	p0 =	seq.s32 s7, s2  }
0x1e: {  	s7 =	smul.u32 @!p0 $0xF7A, s2;
	p2 =	seq.s32 @!p0 s5, $0x0  }
0x1f: {  	s9 =	smul.u32 $0xF7A, s1;
	s8 =	simm.s32 @!p0 $0x1BF5;
	p2 =	por !p2, p0  }
0x20: {  	[sflag:s8] =	ssyncset.s32 @!p0 $0xFFFFF086;
	s6 =	sadd.s32 @!p0 s3, s7;
	s7 =	simm.s32 @!p0 $0x108  }
0x21: {  	s3 =	sadd.s32 s3, s9;
	s6 =	sadd.s32 @!p0 $0x88, s6;
	s7 =	simm.s32 @p2 $0x1082  }
0x22: {  	[simem:s7], [sflag:s8] =	dma.local @!p0 [hbm:s6], $0xF7A  }
0x23: {  	s9 =	sor.u32 $0xD0000000, s2;
	s6 =	simm.s32 $0x108;
	_ =	swait.ge @!p0 [sflag:s8], $0x0  }
0x24: {  	s3 =	sadd.s32 $0x88, s3;
	s6 =	simm.s32 @!p1 $0x1082;
	[sflag:s4] =	ssyncset.s32 $0xFFFFF086  }
0x25: {  	[simem:s6], [sflag:s4] =	dma.local [hbm:s3], $0xF7A  }
0x26: {  	[smem:$0x3F95] =	sst s1;
	(tag) =	ssettag s2;
	_ =	strace s9  }
0x27: {  	s1 =	sld [smem:$0x3FA5]  }
0x28: {  	s2 =	sld [smem:$0x3FA6]  }
0x29: {  	s4 =	sld [smem:$0x3FA8]  }
0x2a: {  	p0 =	seq.s32 s5, $0x0;
	s5 =	sld [smem:$0x3FA9]  }
0x2b: {  	s6 =	sld [smem:$0x3FAA]  }
0x2c: {  	s7 =	sld [smem:$0x3FAB]  }
0x2d: {  	s3 =	simm.s32 $0x108;
	s8 =	sld [smem:$0x3FAC]  }
0x2e: {  	s3 =	simm.s32 @!p0 $0x1082;
	s9 =	sld [smem:$0x3FAD]  }
0x2f: {  	lr =	sadd.s32 s0, s3;
	s0 =	sld [smem:$0x3FA4]  }
0x30: {  	s3 =	sld [smem:$0x3FA7]  }
0x31: {  	[smem:$0x3FB0] =	sst s10  }
0x32: {  	s10 =	sld [smem:$0x3FAE];
	_ =	sdelay $0x3  }
0x33: {  	p0 =	seq.s32 s10, $0x1;
	s10 =	sld [smem:$0x3FB0];
	_ =	sdelay $0x3  }
0x34: {  	[smem:$0x3FB0] =	sst s10  }
0x35: {  	s10 =	sld [smem:$0x3FAF];
	_ =	sdelay $0x3  }
0x36: {  	p1 =	seq.s32 s10, $0x1;
	s10 =	sld [smem:$0x3FB0];
	_ =	sdelay $0x3  }
0x37: {  	[smem:$0x3FB0] =	sst s10  }
0x38: {  	s10 =	sld [smem:$0x3FB1]  }
0x39: {  	_ = 	snop;
	(pc) =	sbr.ind lr, $3  }
0x3a: {  	_ = 	snop  }
0x3b: {  	_ = 	snop  }
0x3c: {  	p2 =	seq.s32 s10, $0x1;
	s10 =	sld [smem:$0x3FB0]  }
0x3d: {  	_ =	shalt  }
0x3e: {  	_ =	shalt  }
0x3f: {  	_ =	shalt  }
0x40: {  	_ =	shalt  }
0x41: {  	_ =	shalt  }
0x42: {  	_ =	shalt  }
0x43: {  	_ =	shalt  }
0x44: {  	_ =	shalt  }
0x45: {  	_ =	shalt  }
0x46: {  	_ =	shalt  }
0x47: {  	_ =	shalt  }
0x48: {  	_ =	shalt  }
0x49: {  	_ =	shalt  }
0x4a: {  	_ =	shalt  }
0x4b: {  	_ =	shalt  }
0x4c: {  	_ =	shalt  }
0x4d: {  	_ =	shalt  }
0x4e: {  	_ =	shalt  }
0x4f: {  	_ =	shalt  }
0x50: {  	_ =	shalt  }
0x51: {  	_ =	shalt  }
0x52: {  	_ =	shalt  }
0x53: {  	_ =	shalt  }
0x54: {  	_ =	shalt  }
0x55: {  	_ =	shalt  }
0x56: {  	_ =	shalt  }
0x57: {  	_ =	shalt  }
0x58: {  	_ =	shalt  }
0x59: {  	_ =	shalt  }
0x5a: {  	_ =	shalt  }
0x5b: {  	_ =	shalt  }
0x5c: {  	_ =	shalt  }
0x5d: {  	_ =	shalt  }
0x5e: {  	_ =	shalt  }
0x5f: {  	_ =	shalt  }
0x60: {  	_ =	shalt  }
0x61: {  	_ =	shalt  }
0x62: {  	_ =	shalt  }
0x63: {  	_ =	shalt  }
0x64: {  	_ =	shalt  }
0x65: {  	_ =	shalt  }
0x66: {  	_ =	shalt  }
0x67: {  	_ =	shalt  }
0x68: {  	_ =	shalt  }
0x69: {  	_ =	shalt  }
0x6a: {  	_ =	shalt  }
0x6b: {  	_ =	shalt  }
0x6c: {  	_ =	shalt  }
0x6d: {  	_ =	shalt  }
0x6e: {  	_ =	shalt  }
0x6f: {  	_ =	shalt  }
0x70: {  	_ =	shalt  }
0x71: {  	_ =	shalt  }
0x72: {  	_ =	shalt  }
0x73: {  	_ =	shalt  }
0x74: {  	_ =	shalt  }
0x75: {  	_ =	shalt  }
0x76: {  	_ =	shalt  }
0x77: {  	_ =	shalt  }
0x78: {  	_ =	shalt  }
0x79: {  	_ =	shalt  }
0x7a: {  	_ =	shalt  }
0x7b: {  	_ =	shalt  }
0x7c: {  	_ =	shalt  }
0x7d: {  	_ =	shalt  }
0x7e: {  	_ =	shalt  }
0x7f: {  	_ =	shalt  }
0x80: {  	_ =	shalt  }
0x81: {  	_ =	shalt  }
0x82: {  	_ =	shalt  }
0x83: {  	_ =	shalt  }
0x84: {  	_ =	shalt  }
0x85: {  	_ =	shalt  }
0x86: {  	_ =	shalt  }
0x87: {  	_ =	shalt  }
.Lfunc_end0:
.L_simem_size_0:
called_computation.2_lowered:
.L_overlay_start_0:
0x88: {  	s2 =	sld [smem:$0x3FD9]  }
0x89: {  	s3 =	sld [smem:$0x3FFE];
	_ =	sdelay $0x1  }
0x8a: {  	s1 =	srdreg.scid  }
0x8b: {  	s0 =	sand.u32 $0x1, s1  }
0x8c: {  	s17 =	sshll.u32 s0, $0xA;
	s2 =	sadd.s32 s3, s2  }
0x8d: {  	s2 =	sadd.s32 s2, s17  }
0x8e: {  	[smem:$0x3FBC] =	sst s2  }
0x8f: {  	_ = 	snop  }
0x90: {  	s2 =	sld [smem:$0x3FD0];
	(tm) =	ssettm $0x1  }
0x91: {  	s18 =	sld [smem:$0x3FFB];
	_ =	sdelay $0x3  }
0x92: {  	_ =	strace s18  }
0x93: {  	s3 =	sld [smem:$0x3FFC];
	_ =	sdelay $0x3  }
0x94: {  	_ =	strace s3  }
0x95: {  	s3 =	sld [smem:$0x3FFD];
	_ =	sdelay $0x3  }
0x96: {  	_ =	strace s3  }
0x97: {  	_ =	strace $0x8FFFFFFF  }
0x98: {  	s19 =	sld [smem:$0x3FDB];
	_ =	sdelay $0x1  }
0x99: {  	s4 =	simm.s32 $_scs_section_size  }
0x9a: {  	s5 =	simm.s32 $_size__tile_overlayer_lowered;
	s6 =	simm.s32 $_tile_overlayer_lowered  }
0x9b: {  	s22 =	simm.s32 $0x1BFF;
	s21 =	sshll.u32 s6, $0x1;
	s3 =	sadd.s32 s4, s19  }
0x9c: {  	s7 =	simm.s32 $0x0;
	s20 =	sshll.u32 s5, $0x1;
	s5 =	sadd.s32 s21, s3  }
0x9d: {  	[timem:s7], [sflag:s22] =	dma.local [hbm:s5], s20  }
0x9e: {  	_ =	swait.ge [sflag:s22], s20  }
0x9f: {  	s4 =	ssub.s32 $0x0, s20;
	[sflag:s22] =	ssyncset.done $0x0  }
0xa0: {  	[sflag:s22] =	ssyncadd.s32 s4;
	_ =	sdelay $0x1  }
0xa1: {  	s23 =	simm.s32 $0x1B8B  }
0xa2: {  	_ =	swait.ge [sflag:s23], $0x1  }
0xa3: {  	[sflag:s23] =	ssyncset.done $0x0  }
0xa4: {  	s25 =	simm.s32 $0x1B8E;
	s24 =	sld [smem:$0x3FFE];
	[sflag:s23] =	ssyncadd.s32 $0xFFFFFFFF  }
0xa5: {  	s26 =	simm.s32 $execute0_lowered;
	[smem:$0x3FD2] =	sst s25  }
0xa6: {  	s5 =	sshll.u32 s26, $0x1;
	_ =	strace $0x8000004C;
	[dreg:$0x1] =	wrdreg $0xFFFFFFFF  }
0xa7: {  	s28 =	simm.s32 $_size_execute0_lowered;
	s3 =	sadd.s32 s3, s5;
	[dreg:$0x0] =	wrdreg $0x0  }
0xa8: {  	s5 =	sshll.u32 s28, $0x1;
	[dreg:$0x2] =	wrdreg s3  }
0xa9: {  	[dreg:$0x3] =	wrdreg s5  }
0xaa: {  	[dreg:$0x4] =	wrdreg $0xC0  }
0xab: {  	_ =	task [dreg:s7], $0x5FFFF  }
0xac: {  	[dreg:$0x1] =	wrdreg $0xFFFFFFFF  }
0xad: {  	[dreg:$0x0] =	wrdreg $0x60  }
0xae: {  	[dreg:$0x2] =	wrdreg s24  }
0xaf: {  	[dreg:$0x3] =	wrdreg s2  }
0xb0: {  	[dreg:$0x4] =	wrdreg $0xA8000  }
0xb1: {  	[dreg:$0x5] =	wrdreg $0x9  }
0xb2: {  	_ =	task.clear_ibuf [dreg:s7], $0x6FFFF;
	_ =	strace $0x9000004C  }
0xb3: {  	s29 =	simm.s32 $0x9;
	_ =	strace $0x8000004E  }
0xb4: {  	_ =	swait.ge [sflag:s29], $0x1  }
0xb5: {  	[sflag:s29] =	ssyncadd.s32 $0xFFFFFFFF  }
0xb6: {  	_ =	strace $0x9000004E  }
0xb7: {  	_ =	sfence  }
0xb8: {  	s30 =	sld [smem:$0x0];
	_ =	sdelay $0x2  }
0xb9: {  	s31 =	sshll.u32 s1, $0xD;
	s1 =	sshrl.u32 s1, $0x2  }
0xba: {  	s3 =	sand.u32 $0x4000, s31;
	s1 =	sadd.s32 s1, s30  }
0xbb: {  	s0 =	sor.u32 s3, s0;
	s1 =	sshll.u32 s1, $0x11  }
0xbc: {  	s0 =	sor.u32 s1, s0  }
0xbd: {  	s0 =	sadd.s32 $0x8F2B, s0  }
0xbe: {  	[sflag:s0] =	ssyncadd.remote.s32 $0x1  }
0xbf: {  	_ =	sfence.sel $0xFFFF  }
0xc0: {  	[dreg:$0x0] =	wrdreg $0xFFFFFFFF;
	(pc) =	sbr.abs _section_cstart, $3  }
0xc1: {  	[dreg:$0x1] =	wrdreg $0xFFFFFFFF  }
0xc2: {  	_ =	task.clear_ibuf [dreg:s7], $0x2FFFF;
	_ =	strace $0x9FFFFFFF  }
0xc3: {  	(tm) =	ssettm $0x7FFFFFFF  }
tec
execute0_lowered:
.L_overlay_start_1:
0x0: {  	(tag) =	ssettag $0x1  }
0x1: {  	s9 =	rddreg [dreg:$0x0]  }
0x2: {  	s8 =	rddreg [dreg:$0x1]  }
0x3: {  	s2 =	rddreg [dreg:$0x2]  }
0x4: {  	s0 =	rddreg [dreg:$0x3];
	s3 =	simm.s32 $0x0;
	s4 =	srdreg.scid  }
0x5: {  	s1 =	stileid.u32;
	s16 =	simm.s32 $0x6800;
	s19 =	simm.s32 $0x1  }
0x6: {  	s20 =	simm.s32 $0x2;
	s21 =	simm.s32 $0x2780;
	s22 =	simm.s32 $0x0  }
0x7: {  	[smem:$0x7FF] =	sst s3;
	s10 =	sand.u32 $0x1, s4;
	s26 =	sshll.u32 s1, $0x1  }
0x8: {  	s4 =	sadd.s32 $0x3800, s9;
	s12 =	sadd.s32 $0x2E9C00, s9;
	s14 =	smul.u32 $0x4F000, s1  }
0x9: {  	s5 =	sadd.s32 $0x2F3C00, s9;
	s30 =	smul.u32 $0x2780, s1;
	s17 =	sshll.u32 s1, $0x6  }
0xa: {  	_ =	strace $0x8000004D;
	s6 =	sor.u32 s10, s26;
	s7 =	ssub.s32 $0x2, s10  }
0xb: {  	p0 =	seq.s32 s10, $0x1;
	s10 =	simm.s32 $0x31DC00;
	s11 =	smul.u32 $0x500, s6  }
0xc: {  	s17 =	sor.u32 $0x1C03, s17;
	s13 =	sshrl.u32 s7, $0x1;
	s15 =	smul.u32 $0x2800, s6  }
0xd: {  	s28 =	sshrl.u32 s14, $0x2;
	s10 =	simm.s32 @!p0 $0x2F6400;
	s13 =	ssub.s32 s7, s13  }
0xe: {  	s18 =	sadd.s32 s28, s2;
	s31 =	sadd.s32 s10, s9;
	s6 =	sadd.s32 s8, s11  }
0xf: {  	s7 =	sadd.s32 s12, s11;
	s29 =	sshrl.u32 s15, $0x3;
	s10 =	smax.u32 s13, $0x1  }
0x10: {  	s11 =	sadd.s32 s31, s30;
	s13 =	simm.s32 $0x1400;
	s14 =	sadd.s32 $0x280, s29  }
0x11: {  	s15 =	simm.s32 $0x2800;
	s18 =	sshrl.u32 s18, $0x3;
	s8 =	sadd.s32 s8, s14  }
0x12: {  	s9 =	sadd.s32 s12, s14;
	s12 =	simm.s32 $0x3;
	s14 =	simm.s32 $0x80  }
.LBB2_1:
0x13: {  	[tilespmem:s3], [sflag:$0x3] =	stream.linear.gather [hbm4b:s6+s3], $0x1400, $0x38;
	[tilespmem:$0x1E400] =	vst v63  }
0x14: {  	_ =	swait.ge [sflag:s12], $0x1400  }
0x15: {  	[sflag:s12] =	ssyncset.done $0x0  }
0x16: {  	[sflag:s12] =	ssyncadd.s32 $0xFFFFEC00  }
0x17: {  	[tilespmem:s13], [sflag:$0x3] =	stream.linear.gather [hbm4b:s7+s3], $0x1400, $0x38;
	[tilespmem:$0x1E400] =	vst v63  }
0x18: {  	_ =	swait.ge [sflag:s12], $0x1400  }
0x19: {  	[sflag:s12] =	ssyncset.done $0x0  }
0x1a: {  	[sflag:s12] =	ssyncadd.s32 $0xFFFFEC00  }
0x1b: {  	[tilespmem:s15], [sflag:$0x1] =	stream.indirect.gather [hbm4b:s4+s14], $0x80, s3, s14, $0xb8;
	[tilespmem:$0x1E400] =	vst v63  }
0x1c: {  	_ = 	snop  }
0x1d: {  	[tilespmem:s16], [sflag:$0x1] =	stream.indirect.gather [hbm4b:s4+s14], $0x80, s14, s14, $0xb8;
	[tilespmem:$0x1E400] =	vst v63  }
0x1e: {  	[spmem:s18], [sflag:s17] =	dma.local [hbm:s5], $0x2780  }
0x1f: {  	_ =	swait.ge [sflag:s12], $0x2780  }
0x20: {  	[sflag:s12] =	ssyncset.done $0x0  }
0x21: {  	[sflag:s12] =	ssyncadd.s32 $0xFFFFD880  }
0x22: {  	[bflag:$0x0] =	sbarrier.arrive $0xFFFF  }
0x23: {  	_ =	swait.ge [sflag:s19], $0x4000  }
0x24: {  	[sflag:s19] =	ssyncset.done $0x0  }
0x25: {  	[sflag:s19] =	ssyncadd.s32 $0xFFFFC000  }
0x26: {  	[spmem:s2] =	stream.indirect.scatter.add.f32 [tilespmem:s15], [sflag:$0x2], $0x80, s13, s14, $0xb8;
	[tilespmem:$0x1E400] =	vst v63  }
0x27: {  	_ =	swait.ge [sflag:s20], $0x4000  }
0x28: {  	s23 =	sand.u32 $0x4000, s3;
	[sflag:s20] =	ssyncset.done $0x0  }
0x29: {  	s24 =	simm.s32 $0x100;
	s23 =	sor.u32 $0x2800, s23;
	[sflag:s20] =	ssyncadd.s32 $0xFFFFC000  }
0x2a: {  	[tilespmem:s23], [sflag:$0x1] =	stream.indirect.gather [hbm4b:s4+s14], $0x80, s24, s14, $0xb8;
	[tilespmem:$0x1E400] =	vst v63  }
0x2b: {  	s25 =	simm.s32 $0x180;
	s24 =	simm.s32 $0x4000;
	_ =	swait.ge [sflag:s19], $0x4000  }
0x2c: {  	s23 =	simm.s32 $0x1480;
	s26 =	sand.u32 $0x4000, s24;
	[sflag:s19] =	ssyncset.done $0x0  }
0x2d: {  	s28 =	sor.u32 $0x2800, s26;
	s26 =	simm.s32 $0x1500;
	[sflag:s19] =	ssyncadd.s32 $0xFFFFC000  }
.LBB2_2:
0x2e: {  	[spmem:s2] =	stream.indirect.scatter.add.f32 [tilespmem:s28], [sflag:$0x2], $0x80, s23, s14, $0xb8;
	[tilespmem:$0x1E400] =	vst v63  }
0x2f: {  	s28 =	smov.u32 s24;
	s23 =	smov.u32 s26  }
0x30: {  	p0 =	sne.s32 s24, $0x94000;
	s24 =	sadd.s32 $0x4000, s24;
	_ =	swait.ge [sflag:s20], $0x4000  }
0x31: {  	s28 =	sand.u32 $0x4000, s28;
	s29 =	sand.u32 $0x4000, s24;
	[sflag:s20] =	ssyncset.done $0x0  }
.Ltmp0:
0x32: {  	s28 =	sor.u32 $0x2800, s28;
	[sflag:s20] =	ssyncadd.s32 $0xFFFFC000;
	(pc) =	sbr.rel @p0 .LBB2_2-.Ltmp0, $4  }
0x33: {  	[tilespmem:s28], [sflag:$0x1] =	stream.indirect.gather [hbm4b:s4+s14], $0x80, s25, s14, $0xb8;
	[tilespmem:$0x1E400] =	vst v63  }
0x34: {  	_ =	swait.ge [sflag:s19], $0x4000  }
0x35: {  	s25 =	sadd.s32 $0x80, s25;
	[sflag:s19] =	ssyncset.done $0x0  }
0x36: {  	s26 =	sadd.s32 $0x80, s26;
	s28 =	sor.u32 $0x2800, s29;
	[sflag:s19] =	ssyncadd.s32 $0xFFFFC000  }
0x37: {  	[spmem:s2] =	stream.indirect.scatter.add.f32 [tilespmem:s28], [sflag:$0x2], $0x80, s23, s14, $0xb8;
	[tilespmem:$0x1E400] =	vst v63  }
0x38: {  	_ =	swait.ge [sflag:s20], $0x4000  }
0x39: {  	[sflag:s20] =	ssyncset.done $0x0  }
0x3a: {  	[sflag:s20] =	ssyncadd.s32 $0xFFFFC000  }
0x3b: {  	_ =	swait.ge [sflag:s19], $0x4000  }
0x3c: {  	[sflag:s19] =	ssyncset.done $0x0  }
0x3d: {  	[sflag:s19] =	ssyncadd.s32 $0xFFFFC000  }
0x3e: {  	[spmem:s2] =	stream.indirect.scatter.add.f32 [tilespmem:s16], [sflag:$0x2], $0x80, s21, s14, $0xb8;
	[tilespmem:$0x1E400] =	vst v63  }
0x3f: {  	_ =	swait.ge [sflag:s20], $0x4000  }
0x40: {  	[sflag:s20] =	ssyncset.done $0x0  }
0x41: {  	s31 =	simm.s32 $0x0;
	[sflag:s20] =	ssyncadd.s32 $0xFFFFC000  }
0x42: {  	[tilespmem:s31], [sflag:$0x3] =	stream.linear.gather [hbm4b:s8+s31], $0x1400, $0x38;
	[tilespmem:$0x1E400] =	vst v63  }
0x43: {  	_ =	swait.ge [sflag:s12], $0x1400  }
0x44: {  	[sflag:s12] =	ssyncset.done $0x0  }
0x45: {  	[sflag:s12] =	ssyncadd.s32 $0xFFFFEC00  }
0x46: {  	[tilespmem:s13], [sflag:$0x3] =	stream.linear.gather [hbm4b:s9+s31], $0x1400, $0x38;
	[tilespmem:$0x1E400] =	vst v63  }
0x47: {  	_ =	swait.ge [sflag:s12], $0x1400  }
0x48: {  	[sflag:s12] =	ssyncset.done $0x0  }
0x49: {  	[sflag:s12] =	ssyncadd.s32 $0xFFFFEC00  }
0x4a: {  	[tilespmem:s15], [sflag:$0x1] =	stream.indirect.gather [hbm4b:s4+s14], $0x80, s31, s14, $0xb8;
	[tilespmem:$0x1E400] =	vst v63  }
0x4b: {  	_ = 	snop  }
0x4c: {  	[tilespmem:s16], [sflag:$0x1] =	stream.indirect.gather [hbm4b:s4+s14], $0x80, s14, s14, $0xb8;
	[tilespmem:$0x1E400] =	vst v63  }
0x4d: {  	_ =	swait.ge [sflag:s19], $0x4000  }
0x4e: {  	[sflag:s19] =	ssyncset.done $0x0  }
0x4f: {  	[sflag:s19] =	ssyncadd.s32 $0xFFFFC000  }
0x50: {  	[spmem:s2] =	stream.indirect.scatter.add.f32 [tilespmem:s15], [sflag:$0x2], $0x80, s13, s14, $0xb8;
	[tilespmem:$0x1E400] =	vst v63  }
0x51: {  	_ =	swait.ge [sflag:s20], $0x4000  }
0x52: {  	s23 =	sand.u32 $0x4000, s31;
	[sflag:s20] =	ssyncset.done $0x0  }
0x53: {  	s24 =	simm.s32 $0x100;
	s23 =	sor.u32 $0x2800, s23;
	[sflag:s20] =	ssyncadd.s32 $0xFFFFC000  }
0x54: {  	[tilespmem:s23], [sflag:$0x1] =	stream.indirect.gather [hbm4b:s4+s14], $0x80, s24, s14, $0xb8;
	[tilespmem:$0x1E400] =	vst v63  }
0x55: {  	s25 =	simm.s32 $0x180;
	s24 =	simm.s32 $0x4000;
	_ =	swait.ge [sflag:s19], $0x4000  }
0x56: {  	s23 =	simm.s32 $0x1480;
	s26 =	sand.u32 $0x4000, s24;
	[sflag:s19] =	ssyncset.done $0x0  }
0x57: {  	s28 =	sor.u32 $0x2800, s26;
	s26 =	simm.s32 $0x1500;
	[sflag:s19] =	ssyncadd.s32 $0xFFFFC000  }
.LBB2_4:
0x58: {  	[spmem:s2] =	stream.indirect.scatter.add.f32 [tilespmem:s28], [sflag:$0x2], $0x80, s23, s14, $0xb8;
	[tilespmem:$0x1E400] =	vst v63  }
0x59: {  	s28 =	smov.u32 s24;
	s23 =	smov.u32 s26  }
0x5a: {  	p0 =	sne.s32 s24, $0x94000;
	s24 =	sadd.s32 $0x4000, s24;
	_ =	swait.ge [sflag:s20], $0x4000  }
0x5b: {  	s28 =	sand.u32 $0x4000, s28;
	s29 =	sand.u32 $0x4000, s24;
	[sflag:s20] =	ssyncset.done $0x0  }
.Ltmp1:
0x5c: {  	s28 =	sor.u32 $0x2800, s28;
	[sflag:s20] =	ssyncadd.s32 $0xFFFFC000;
	(pc) =	sbr.rel @p0 .LBB2_4-.Ltmp1, $4  }
0x5d: {  	[tilespmem:s28], [sflag:$0x1] =	stream.indirect.gather [hbm4b:s4+s14], $0x80, s25, s14, $0xb8;
	[tilespmem:$0x1E400] =	vst v63  }
0x5e: {  	_ =	swait.ge [sflag:s19], $0x4000  }
0x5f: {  	s25 =	sadd.s32 $0x80, s25;
	[sflag:s19] =	ssyncset.done $0x0  }
0x60: {  	s26 =	sadd.s32 $0x80, s26;
	s28 =	sor.u32 $0x2800, s29;
	[sflag:s19] =	ssyncadd.s32 $0xFFFFC000  }
0x61: {  	[spmem:s2] =	stream.indirect.scatter.add.f32 [tilespmem:s28], [sflag:$0x2], $0x80, s23, s14, $0xb8;
	[tilespmem:$0x1E400] =	vst v63  }
0x62: {  	_ =	swait.ge [sflag:s20], $0x4000  }
0x63: {  	[sflag:s20] =	ssyncset.done $0x0  }
0x64: {  	[sflag:s20] =	ssyncadd.s32 $0xFFFFC000  }
0x65: {  	_ =	swait.ge [sflag:s19], $0x4000  }
0x66: {  	[sflag:s19] =	ssyncset.done $0x0  }
0x67: {  	[sflag:s19] =	ssyncadd.s32 $0xFFFFC000  }
0x68: {  	[spmem:s2] =	stream.indirect.scatter.add.f32 [tilespmem:s16], [sflag:$0x2], $0x80, s21, s14, $0xb8;
	[tilespmem:$0x1E400] =	vst v63  }
0x69: {  	_ =	swait.ge [sflag:s20], $0x4000  }
0x6a: {  	s22 =	sadd.s32 $0x1, s22;
	[sflag:s20] =	ssyncset.done $0x0  }
0x6b: {  	p0 =	sne.s32 s22, s10;
	[sflag:s20] =	ssyncadd.s32 $0xFFFFC000  }
.Ltmp2:
0x6c: {  	[bflag:$0x0] =	sbarrier.arrive $0xFFFF;
	(pc) =	sbr.rel @p0 .LBB2_1-.Ltmp2, $4  }
0x6d: {  	[hbm:s11], [sflag:s17] =	dma.local [spmem:s18], $0x2780  }
0x6e: {  	_ =	swait.ge [sflag:s12], $0x2780  }
0x6f: {  	[sflag:s12] =	ssyncset.done $0x0  }
0x70: {  	[sflag:s12] =	ssyncadd.s32 $0xFFFFD880  }
0x71: {  	_ =	sfence.sel $0x180000  }
0x72: {  	[bflag:$0x0] =	sbarrier.arrive $0xFFFF  }
0x73: {  	p0 =	sne.s32 s1, $0x0;
	_ =	strace $0x9000004D  }
0x74: {  	s0 =	sadd.s32 @!p0 $0x100000, s0;
	[bflag:$0x2] =	sbarrier.arrive $0xFFFF  }
0x75: {  	[sflag:s0] =	ssyncadd.tile.s32 @!p0 $0x1;
	_ =	shalt  }
.Lfunc_end2:
_tile_overlayer_lowered:
.L_overlay_start_2:
0x76: {  	(tag) =	ssettag $0x2  }
0x77: {  	s0 =	rddreg [dreg:$0x0];
	s2 =	stileid.u32  }
0x78: {  	s1 =	rddreg [dreg:$0x1];
	p0 =	sne.s32 s2, $0x0  }
0x79: {  	s3 =	rddreg [dreg:$0x2];
	[bflag:$0x3] =	sbarrier.arrive $0xFFFF;
	s2 =	simm.s32 @!p0 $0x1C03  }
0x7a: {  	[timem:s3], [sflag:s2] =	dma.local @!p0 [hbm:s0], s1  }
0x7b: {  	s0 =	simm.s32 @!p0 $0x3  }
0x7c: {  	_ =	swait.ge @!p0 [sflag:s0], s1  }
0x7d: {  	s1 =	ssub.s32 @!p0 $0x0, s1;
	[sflag:s0] =	ssyncset.done @!p0 $0x0  }
0x7e: {  	[sflag:s0] =	ssyncadd.s32 @!p0 s1  }
0x7f: {  	[bflag:$0x3] =	sbarrier.arrive $0xFFFF  }
0x80: {  	_ =	shalt  }

// kernel: kernel.9.cloned.1.call-start
scs
__scs_entry_jumppad:
0x0: {  	(pc) =	sbr.rel $0x88, $3  }
0x1: {  	(tag) =	ssettag $0x0;
	lr =	simm.s32 $0x1  }
0x2: {  	[smem:$0x3F95] =	sst lr;
	_ =	strace $0xD0000000  }
0x3: {  	_ = 	snop  }
0x4: {  	_ = 	snop  }
0x5: {  	_ = 	snop  }
0x6: {  	_ = 	snop  }
0x7: {  	_ = 	snop  }
__scs_overlays_trampoline_lowered:
0x8: {  	[smem:$0x3FA4] =	sst s0  }
0x9: {  	[smem:$0x3FA5] =	sst s1  }
0xa: {  	[smem:$0x3FA6] =	sst s2  }
0xb: {  	[smem:$0x3FA7] =	sst s3  }
0xc: {  	[smem:$0x3FA8] =	sst s4  }
0xd: {  	[smem:$0x3FA9] =	sst s5  }
0xe: {  	[smem:$0x3FAA] =	sst s6  }
0xf: {  	[smem:$0x3FAB] =	sst s7  }
0x10: {  	[smem:$0x3FAC] =	sst s8  }
0x11: {  	[smem:$0x3FAD] =	sst s9;
	s0 =	simm.s32 @!p0 $0x0  }
0x12: {  	s1 =	sld [smem:$0x3F93];
	s0 =	simm.s32 @p0 $0x1  }
0x13: {  	[smem:$0x3FAE] =	sst s0;
	s0 =	simm.s32 @!p1 $0x0  }
0x14: {  	s2 =	sld [smem:$0x3F92];
	s0 =	simm.s32 @p1 $0x1  }
0x15: {  	[smem:$0x3FAF] =	sst s0;
	s0 =	simm.s32 @!p2 $0x0  }
0x16: {  	s3 =	sld [smem:$0x3FDB];
	s0 =	simm.s32 @p2 $0x1  }
0x17: {  	s4 =	simm.s32 $0x1BF5;
	[smem:$0x3FB1] =	sst s0  }
0x18: {  	s0 =	sld [smem:$0x3F94];
	_ =	swait.ge [sflag:s4], $0x0  }
0x19: {  	s7 =	sld [smem:$0x3F95]  }
0x1a: {  	s8 =	sadd.s32 $0xFFFFE003, lr  }
0x1b: {  	s9 =	sadd.s32 $0xFFFFFEF7, lr;
	s5 =	simm.s32 $0xFFFFFFFF;
	p2 =	slt.u32 s8, $0xFFFFF086  }
0x1c: {  	p1 =	slt.u32 s9, $0xF7A;
	s5 =	simm.s32 @!p2 $0x0  }
0x1d: {  	s5 =	simm.s32 @p1 $0x1;
	p0 =	seq.s32 s7, s2  }
0x1e: {  	s7 =	smul.u32 @!p0 $0xF7A, s2;
	p2 =	seq.s32 @!p0 s5, $0x0  }
0x1f: {  	s9 =	smul.u32 $0xF7A, s1;
	s8 =	simm.s32 @!p0 $0x1BF5;
	p2 =	por !p2, p0  }
0x20: {  	[sflag:s8] =	ssyncset.s32 @!p0 $0xFFFFF086;
	s6 =	sadd.s32 @!p0 s3, s7;
	s7 =	simm.s32 @!p0 $0x108  }
0x21: {  	s3 =	sadd.s32 s3, s9;
	s6 =	sadd.s32 @!p0 $0x88, s6;
	s7 =	simm.s32 @p2 $0x1082  }
0x22: {  	[simem:s7], [sflag:s8] =	dma.local @!p0 [hbm:s6], $0xF7A  }
0x23: {  	s9 =	sor.u32 $0xD0000000, s2;
	s6 =	simm.s32 $0x108;
	_ =	swait.ge @!p0 [sflag:s8], $0x0  }
0x24: {  	s3 =	sadd.s32 $0x88, s3;
	s6 =	simm.s32 @!p1 $0x1082;
	[sflag:s4] =	ssyncset.s32 $0xFFFFF086  }
0x25: {  	[simem:s6], [sflag:s4] =	dma.local [hbm:s3], $0xF7A  }
0x26: {  	[smem:$0x3F95] =	sst s1;
	(tag) =	ssettag s2;
	_ =	strace s9  }
0x27: {  	s1 =	sld [smem:$0x3FA5]  }
0x28: {  	s2 =	sld [smem:$0x3FA6]  }
0x29: {  	s4 =	sld [smem:$0x3FA8]  }
0x2a: {  	p0 =	seq.s32 s5, $0x0;
	s5 =	sld [smem:$0x3FA9]  }
0x2b: {  	s6 =	sld [smem:$0x3FAA]  }
0x2c: {  	s7 =	sld [smem:$0x3FAB]  }
0x2d: {  	s3 =	simm.s32 $0x108;
	s8 =	sld [smem:$0x3FAC]  }
0x2e: {  	s3 =	simm.s32 @!p0 $0x1082;
	s9 =	sld [smem:$0x3FAD]  }
0x2f: {  	lr =	sadd.s32 s0, s3;
	s0 =	sld [smem:$0x3FA4]  }
0x30: {  	s3 =	sld [smem:$0x3FA7]  }
0x31: {  	[smem:$0x3FB0] =	sst s10  }
0x32: {  	s10 =	sld [smem:$0x3FAE];
	_ =	sdelay $0x3  }
0x33: {  	p0 =	seq.s32 s10, $0x1;
	s10 =	sld [smem:$0x3FB0];
	_ =	sdelay $0x3  }
0x34: {  	[smem:$0x3FB0] =	sst s10  }
0x35: {  	s10 =	sld [smem:$0x3FAF];
	_ =	sdelay $0x3  }
0x36: {  	p1 =	seq.s32 s10, $0x1;
	s10 =	sld [smem:$0x3FB0];
	_ =	sdelay $0x3  }
0x37: {  	[smem:$0x3FB0] =	sst s10  }
0x38: {  	s10 =	sld [smem:$0x3FB1]  }
0x39: {  	_ = 	snop;
	(pc) =	sbr.ind lr, $3  }
0x3a: {  	_ = 	snop  }
0x3b: {  	_ = 	snop  }
0x3c: {  	p2 =	seq.s32 s10, $0x1;
	s10 =	sld [smem:$0x3FB0]  }
0x3d: {  	_ =	shalt  }
0x3e: {  	_ =	shalt  }
0x3f: {  	_ =	shalt  }
0x40: {  	_ =	shalt  }
0x41: {  	_ =	shalt  }
0x42: {  	_ =	shalt  }
0x43: {  	_ =	shalt  }
0x44: {  	_ =	shalt  }
0x45: {  	_ =	shalt  }
0x46: {  	_ =	shalt  }
0x47: {  	_ =	shalt  }
0x48: {  	_ =	shalt  }
0x49: {  	_ =	shalt  }
0x4a: {  	_ =	shalt  }
0x4b: {  	_ =	shalt  }
0x4c: {  	_ =	shalt  }
0x4d: {  	_ =	shalt  }
0x4e: {  	_ =	shalt  }
0x4f: {  	_ =	shalt  }
0x50: {  	_ =	shalt  }
0x51: {  	_ =	shalt  }
0x52: {  	_ =	shalt  }
0x53: {  	_ =	shalt  }
0x54: {  	_ =	shalt  }
0x55: {  	_ =	shalt  }
0x56: {  	_ =	shalt  }
0x57: {  	_ =	shalt  }
0x58: {  	_ =	shalt  }
0x59: {  	_ =	shalt  }
0x5a: {  	_ =	shalt  }
0x5b: {  	_ =	shalt  }
0x5c: {  	_ =	shalt  }
0x5d: {  	_ =	shalt  }
0x5e: {  	_ =	shalt  }
0x5f: {  	_ =	shalt  }
0x60: {  	_ =	shalt  }
0x61: {  	_ =	shalt  }
0x62: {  	_ =	shalt  }
0x63: {  	_ =	shalt  }
0x64: {  	_ =	shalt  }
0x65: {  	_ =	shalt  }
0x66: {  	_ =	shalt  }
0x67: {  	_ =	shalt  }
0x68: {  	_ =	shalt  }
0x69: {  	_ =	shalt  }
0x6a: {  	_ =	shalt  }
0x6b: {  	_ =	shalt  }
0x6c: {  	_ =	shalt  }
0x6d: {  	_ =	shalt  }
0x6e: {  	_ =	shalt  }
0x6f: {  	_ =	shalt  }
0x70: {  	_ =	shalt  }
0x71: {  	_ =	shalt  }
0x72: {  	_ =	shalt  }
0x73: {  	_ =	shalt  }
0x74: {  	_ =	shalt  }
0x75: {  	_ =	shalt  }
0x76: {  	_ =	shalt  }
0x77: {  	_ =	shalt  }
0x78: {  	_ =	shalt  }
0x79: {  	_ =	shalt  }
0x7a: {  	_ =	shalt  }
0x7b: {  	_ =	shalt  }
0x7c: {  	_ =	shalt  }
0x7d: {  	_ =	shalt  }
0x7e: {  	_ =	shalt  }
0x7f: {  	_ =	shalt  }
0x80: {  	_ =	shalt  }
0x81: {  	_ =	shalt  }
0x82: {  	_ =	shalt  }
0x83: {  	_ =	shalt  }
0x84: {  	_ =	shalt  }
0x85: {  	_ =	shalt  }
0x86: {  	_ =	shalt  }
0x87: {  	_ =	shalt  }
.Lfunc_end0:
.L_simem_size_0:
called_computation_lowered:
.L_overlay_start_0:
0x88: {  	s2 =	sld [smem:$0x3FD9]  }
0x89: {  	s3 =	sld [smem:$0x3FFE];
	_ =	sdelay $0x1  }
0x8a: {  	s1 =	srdreg.scid  }
0x8b: {  	s0 =	sand.u32 $0x1, s1  }
0x8c: {  	s17 =	sshll.u32 s0, $0xA;
	s2 =	sadd.s32 s3, s2  }
0x8d: {  	s2 =	sadd.s32 s2, s17  }
0x8e: {  	[smem:$0x3FBC] =	sst s2  }
0x8f: {  	_ = 	snop  }
0x90: {  	s2 =	sld [smem:$0x3FD0];
	(tm) =	ssettm $0x1  }
0x91: {  	s18 =	sld [smem:$0x3FFB];
	_ =	sdelay $0x3  }
0x92: {  	_ =	strace s18  }
0x93: {  	s3 =	sld [smem:$0x3FFC];
	_ =	sdelay $0x3  }
0x94: {  	_ =	strace s3  }
0x95: {  	s3 =	sld [smem:$0x3FFD];
	_ =	sdelay $0x3  }
0x96: {  	_ =	strace s3  }
0x97: {  	_ =	strace $0x8FFFFFFF  }
0x98: {  	s19 =	sld [smem:$0x3FDB];
	_ =	sdelay $0x1  }
0x99: {  	s4 =	simm.s32 $_scs_section_size  }
0x9a: {  	s5 =	simm.s32 $_size__tile_overlayer_lowered;
	s6 =	simm.s32 $_tile_overlayer_lowered  }
0x9b: {  	s22 =	simm.s32 $0x1BFF;
	s21 =	sshll.u32 s6, $0x1;
	s3 =	sadd.s32 s4, s19  }
0x9c: {  	s7 =	simm.s32 $0x0;
	s20 =	sshll.u32 s5, $0x1;
	s5 =	sadd.s32 s21, s3  }
0x9d: {  	[timem:s7], [sflag:s22] =	dma.local [hbm:s5], s20  }
0x9e: {  	_ =	swait.ge [sflag:s22], s20  }
0x9f: {  	s4 =	ssub.s32 $0x0, s20;
	[sflag:s22] =	ssyncset.done $0x0  }
0xa0: {  	[sflag:s22] =	ssyncadd.s32 s4;
	_ =	sdelay $0x1  }
0xa1: {  	s23 =	simm.s32 $0x1B8B  }
0xa2: {  	_ =	swait.ge [sflag:s23], $0x1  }
0xa3: {  	[sflag:s23] =	ssyncset.done $0x0  }
0xa4: {  	s25 =	simm.s32 $0x1B8E;
	s24 =	sld [smem:$0x3FFE];
	[sflag:s23] =	ssyncadd.s32 $0xFFFFFFFF  }
0xa5: {  	s26 =	simm.s32 $execute0_lowered;
	[smem:$0x3FD2] =	sst s25  }
0xa6: {  	s5 =	sshll.u32 s26, $0x1;
	_ =	strace $0x80000046;
	[dreg:$0x1] =	wrdreg $0xFFFFFFFF  }
0xa7: {  	s28 =	simm.s32 $_size_execute0_lowered;
	s3 =	sadd.s32 s3, s5;
	[dreg:$0x0] =	wrdreg $0x0  }
0xa8: {  	s5 =	sshll.u32 s28, $0x1;
	[dreg:$0x2] =	wrdreg s3  }
0xa9: {  	[dreg:$0x3] =	wrdreg s5  }
0xaa: {  	[dreg:$0x4] =	wrdreg $0xC0  }
0xab: {  	_ =	task [dreg:s7], $0x5FFFF  }
0xac: {  	[dreg:$0x1] =	wrdreg $0xFFFFFFFF  }
0xad: {  	[dreg:$0x0] =	wrdreg $0x60  }
0xae: {  	[dreg:$0x2] =	wrdreg s24  }
0xaf: {  	[dreg:$0x3] =	wrdreg s2  }
0xb0: {  	[dreg:$0x4] =	wrdreg $0xA8000  }
0xb1: {  	[dreg:$0x5] =	wrdreg $0x9  }
0xb2: {  	_ =	task.clear_ibuf [dreg:s7], $0x6FFFF;
	_ =	strace $0x90000046  }
0xb3: {  	s29 =	simm.s32 $0x9;
	_ =	strace $0x80000048  }
0xb4: {  	_ =	swait.ge [sflag:s29], $0x1  }
0xb5: {  	[sflag:s29] =	ssyncadd.s32 $0xFFFFFFFF  }
0xb6: {  	_ =	strace $0x90000048  }
0xb7: {  	_ =	sfence  }
0xb8: {  	s30 =	sld [smem:$0x0];
	_ =	sdelay $0x2  }
0xb9: {  	s31 =	sshll.u32 s1, $0xD;
	s1 =	sshrl.u32 s1, $0x2  }
0xba: {  	s3 =	sand.u32 $0x4000, s31;
	s1 =	sadd.s32 s1, s30  }
0xbb: {  	s0 =	sor.u32 s3, s0;
	s1 =	sshll.u32 s1, $0x11  }
0xbc: {  	s0 =	sor.u32 s1, s0  }
0xbd: {  	s0 =	sadd.s32 $0x8F2B, s0  }
0xbe: {  	[sflag:s0] =	ssyncadd.remote.s32 $0x1  }
0xbf: {  	_ =	sfence.sel $0xFFFF  }
0xc0: {  	[dreg:$0x0] =	wrdreg $0xFFFFFFFF;
	(pc) =	sbr.abs _section_cstart, $3  }
0xc1: {  	[dreg:$0x1] =	wrdreg $0xFFFFFFFF  }
0xc2: {  	_ =	task.clear_ibuf [dreg:s7], $0x2FFFF;
	_ =	strace $0x9FFFFFFF  }
0xc3: {  	(tm) =	ssettm $0x7FFFFFFF  }
tec
execute0_lowered:
.L_overlay_start_1:
0x0: {  	(tag) =	ssettag $0x1  }
0x1: {  	s9 =	rddreg [dreg:$0x0]  }
0x2: {  	s8 =	rddreg [dreg:$0x1]  }
0x3: {  	s2 =	rddreg [dreg:$0x2]  }
0x4: {  	s0 =	rddreg [dreg:$0x3];
	s3 =	simm.s32 $0x0;
	s4 =	srdreg.scid  }
0x5: {  	s1 =	stileid.u32;
	s16 =	simm.s32 $0x6800;
	s19 =	simm.s32 $0x1  }
0x6: {  	s20 =	simm.s32 $0x2;
	s21 =	simm.s32 $0x2780;
	s22 =	simm.s32 $0x0  }
0x7: {  	[smem:$0x7FF] =	sst s3;
	s10 =	sand.u32 $0x1, s4;
	s26 =	sshll.u32 s1, $0x1  }
0x8: {  	s4 =	sadd.s32 $0x3800, s9;
	s12 =	sadd.s32 $0x2E9C00, s9;
	s14 =	smul.u32 $0x4F000, s1  }
0x9: {  	s5 =	sadd.s32 $0x2F3C00, s9;
	s30 =	smul.u32 $0x2780, s1;
	s17 =	sshll.u32 s1, $0x6  }
0xa: {  	_ =	strace $0x80000047;
	s6 =	sor.u32 s10, s26;
	s7 =	ssub.s32 $0x2, s10  }
0xb: {  	p0 =	seq.s32 s10, $0x1;
	s10 =	simm.s32 $0x31DC00;
	s11 =	smul.u32 $0x500, s6  }
0xc: {  	s17 =	sor.u32 $0x1C03, s17;
	s13 =	sshrl.u32 s7, $0x1;
	s15 =	smul.u32 $0x2800, s6  }
0xd: {  	s28 =	sshrl.u32 s14, $0x2;
	s10 =	simm.s32 @!p0 $0x2F6400;
	s13 =	ssub.s32 s7, s13  }
0xe: {  	s18 =	sadd.s32 s28, s2;
	s31 =	sadd.s32 s10, s9;
	s6 =	sadd.s32 s8, s11  }
0xf: {  	s7 =	sadd.s32 s12, s11;
	s29 =	sshrl.u32 s15, $0x3;
	s10 =	smax.u32 s13, $0x1  }
0x10: {  	s11 =	sadd.s32 s31, s30;
	s13 =	simm.s32 $0x1400;
	s14 =	sadd.s32 $0x280, s29  }
0x11: {  	s15 =	simm.s32 $0x2800;
	s18 =	sshrl.u32 s18, $0x3;
	s8 =	sadd.s32 s8, s14  }
0x12: {  	s9 =	sadd.s32 s12, s14;
	s12 =	simm.s32 $0x3;
	s14 =	simm.s32 $0x80  }
.LBB2_1:
0x13: {  	[tilespmem:s3], [sflag:$0x3] =	stream.linear.gather [hbm4b:s6+s3], $0x1400, $0x38;
	[tilespmem:$0x1E400] =	vst v63  }
0x14: {  	_ =	swait.ge [sflag:s12], $0x1400  }
0x15: {  	[sflag:s12] =	ssyncset.done $0x0  }
0x16: {  	[sflag:s12] =	ssyncadd.s32 $0xFFFFEC00  }
0x17: {  	[tilespmem:s13], [sflag:$0x3] =	stream.linear.gather [hbm4b:s7+s3], $0x1400, $0x38;
	[tilespmem:$0x1E400] =	vst v63  }
0x18: {  	_ =	swait.ge [sflag:s12], $0x1400  }
0x19: {  	[sflag:s12] =	ssyncset.done $0x0  }
0x1a: {  	[sflag:s12] =	ssyncadd.s32 $0xFFFFEC00  }
0x1b: {  	[tilespmem:s15], [sflag:$0x1] =	stream.indirect.gather [hbm4b:s4+s14], $0x80, s3, s14, $0xb8;
	[tilespmem:$0x1E400] =	vst v63  }
0x1c: {  	_ = 	snop  }
0x1d: {  	[tilespmem:s16], [sflag:$0x1] =	stream.indirect.gather [hbm4b:s4+s14], $0x80, s14, s14, $0xb8;
	[tilespmem:$0x1E400] =	vst v63  }
0x1e: {  	[spmem:s18], [sflag:s17] =	dma.local [hbm:s5], $0x2780  }
0x1f: {  	_ =	swait.ge [sflag:s12], $0x2780  }
0x20: {  	[sflag:s12] =	ssyncset.done $0x0  }
0x21: {  	[sflag:s12] =	ssyncadd.s32 $0xFFFFD880  }
0x22: {  	[bflag:$0x0] =	sbarrier.arrive $0xFFFF  }
0x23: {  	_ =	swait.ge [sflag:s19], $0x4000  }
0x24: {  	[sflag:s19] =	ssyncset.done $0x0  }
0x25: {  	[sflag:s19] =	ssyncadd.s32 $0xFFFFC000  }
0x26: {  	[spmem:s2] =	stream.indirect.scatter.add.f32 [tilespmem:s15], [sflag:$0x2], $0x80, s13, s14, $0xb8;
	[tilespmem:$0x1E400] =	vst v63  }
0x27: {  	_ =	swait.ge [sflag:s20], $0x4000  }
0x28: {  	s23 =	sand.u32 $0x4000, s3;
	[sflag:s20] =	ssyncset.done $0x0  }
0x29: {  	s24 =	simm.s32 $0x100;
	s23 =	sor.u32 $0x2800, s23;
	[sflag:s20] =	ssyncadd.s32 $0xFFFFC000  }
0x2a: {  	[tilespmem:s23], [sflag:$0x1] =	stream.indirect.gather [hbm4b:s4+s14], $0x80, s24, s14, $0xb8;
	[tilespmem:$0x1E400] =	vst v63  }
0x2b: {  	s25 =	simm.s32 $0x180;
	s24 =	simm.s32 $0x4000;
	_ =	swait.ge [sflag:s19], $0x4000  }
0x2c: {  	s23 =	simm.s32 $0x1480;
	s26 =	sand.u32 $0x4000, s24;
	[sflag:s19] =	ssyncset.done $0x0  }
0x2d: {  	s28 =	sor.u32 $0x2800, s26;
	s26 =	simm.s32 $0x1500;
	[sflag:s19] =	ssyncadd.s32 $0xFFFFC000  }
.LBB2_2:
0x2e: {  	[spmem:s2] =	stream.indirect.scatter.add.f32 [tilespmem:s28], [sflag:$0x2], $0x80, s23, s14, $0xb8;
	[tilespmem:$0x1E400] =	vst v63  }
0x2f: {  	s28 =	smov.u32 s24;
	s23 =	smov.u32 s26  }
0x30: {  	p0 =	sne.s32 s24, $0x94000;
	s24 =	sadd.s32 $0x4000, s24;
	_ =	swait.ge [sflag:s20], $0x4000  }
0x31: {  	s28 =	sand.u32 $0x4000, s28;
	s29 =	sand.u32 $0x4000, s24;
	[sflag:s20] =	ssyncset.done $0x0  }
.Ltmp0:
0x32: {  	s28 =	sor.u32 $0x2800, s28;
	[sflag:s20] =	ssyncadd.s32 $0xFFFFC000;
	(pc) =	sbr.rel @p0 .LBB2_2-.Ltmp0, $4  }
0x33: {  	[tilespmem:s28], [sflag:$0x1] =	stream.indirect.gather [hbm4b:s4+s14], $0x80, s25, s14, $0xb8;
	[tilespmem:$0x1E400] =	vst v63  }
0x34: {  	_ =	swait.ge [sflag:s19], $0x4000  }
0x35: {  	s25 =	sadd.s32 $0x80, s25;
	[sflag:s19] =	ssyncset.done $0x0  }
0x36: {  	s26 =	sadd.s32 $0x80, s26;
	s28 =	sor.u32 $0x2800, s29;
	[sflag:s19] =	ssyncadd.s32 $0xFFFFC000  }
0x37: {  	[spmem:s2] =	stream.indirect.scatter.add.f32 [tilespmem:s28], [sflag:$0x2], $0x80, s23, s14, $0xb8;
	[tilespmem:$0x1E400] =	vst v63  }
0x38: {  	_ =	swait.ge [sflag:s20], $0x4000  }
0x39: {  	[sflag:s20] =	ssyncset.done $0x0  }
0x3a: {  	[sflag:s20] =	ssyncadd.s32 $0xFFFFC000  }
0x3b: {  	_ =	swait.ge [sflag:s19], $0x4000  }
0x3c: {  	[sflag:s19] =	ssyncset.done $0x0  }
0x3d: {  	[sflag:s19] =	ssyncadd.s32 $0xFFFFC000  }
0x3e: {  	[spmem:s2] =	stream.indirect.scatter.add.f32 [tilespmem:s16], [sflag:$0x2], $0x80, s21, s14, $0xb8;
	[tilespmem:$0x1E400] =	vst v63  }
0x3f: {  	_ =	swait.ge [sflag:s20], $0x4000  }
0x40: {  	[sflag:s20] =	ssyncset.done $0x0  }
0x41: {  	s31 =	simm.s32 $0x0;
	[sflag:s20] =	ssyncadd.s32 $0xFFFFC000  }
0x42: {  	[tilespmem:s31], [sflag:$0x3] =	stream.linear.gather [hbm4b:s8+s31], $0x1400, $0x38;
	[tilespmem:$0x1E400] =	vst v63  }
0x43: {  	_ =	swait.ge [sflag:s12], $0x1400  }
0x44: {  	[sflag:s12] =	ssyncset.done $0x0  }
0x45: {  	[sflag:s12] =	ssyncadd.s32 $0xFFFFEC00  }
0x46: {  	[tilespmem:s13], [sflag:$0x3] =	stream.linear.gather [hbm4b:s9+s31], $0x1400, $0x38;
	[tilespmem:$0x1E400] =	vst v63  }
0x47: {  	_ =	swait.ge [sflag:s12], $0x1400  }
0x48: {  	[sflag:s12] =	ssyncset.done $0x0  }
0x49: {  	[sflag:s12] =	ssyncadd.s32 $0xFFFFEC00  }
0x4a: {  	[tilespmem:s15], [sflag:$0x1] =	stream.indirect.gather [hbm4b:s4+s14], $0x80, s31, s14, $0xb8;
	[tilespmem:$0x1E400] =	vst v63  }
0x4b: {  	_ = 	snop  }
0x4c: {  	[tilespmem:s16], [sflag:$0x1] =	stream.indirect.gather [hbm4b:s4+s14], $0x80, s14, s14, $0xb8;
	[tilespmem:$0x1E400] =	vst v63  }
0x4d: {  	_ =	swait.ge [sflag:s19], $0x4000  }
0x4e: {  	[sflag:s19] =	ssyncset.done $0x0  }
0x4f: {  	[sflag:s19] =	ssyncadd.s32 $0xFFFFC000  }
0x50: {  	[spmem:s2] =	stream.indirect.scatter.add.f32 [tilespmem:s15], [sflag:$0x2], $0x80, s13, s14, $0xb8;
	[tilespmem:$0x1E400] =	vst v63  }
0x51: {  	_ =	swait.ge [sflag:s20], $0x4000  }
0x52: {  	s23 =	sand.u32 $0x4000, s31;
	[sflag:s20] =	ssyncset.done $0x0  }
0x53: {  	s24 =	simm.s32 $0x100;
	s23 =	sor.u32 $0x2800, s23;
	[sflag:s20] =	ssyncadd.s32 $0xFFFFC000  }
0x54: {  	[tilespmem:s23], [sflag:$0x1] =	stream.indirect.gather [hbm4b:s4+s14], $0x80, s24, s14, $0xb8;
	[tilespmem:$0x1E400] =	vst v63  }
0x55: {  	s25 =	simm.s32 $0x180;
	s24 =	simm.s32 $0x4000;
	_ =	swait.ge [sflag:s19], $0x4000  }
0x56: {  	s23 =	simm.s32 $0x1480;
	s26 =	sand.u32 $0x4000, s24;
	[sflag:s19] =	ssyncset.done $0x0  }
0x57: {  	s28 =	sor.u32 $0x2800, s26;
	s26 =	simm.s32 $0x1500;
	[sflag:s19] =	ssyncadd.s32 $0xFFFFC000  }
.LBB2_4:
0x58: {  	[spmem:s2] =	stream.indirect.scatter.add.f32 [tilespmem:s28], [sflag:$0x2], $0x80, s23, s14, $0xb8;
	[tilespmem:$0x1E400] =	vst v63  }
0x59: {  	s28 =	smov.u32 s24;
	s23 =	smov.u32 s26  }
0x5a: {  	p0 =	sne.s32 s24, $0x94000;
	s24 =	sadd.s32 $0x4000, s24;
	_ =	swait.ge [sflag:s20], $0x4000  }
0x5b: {  	s28 =	sand.u32 $0x4000, s28;
	s29 =	sand.u32 $0x4000, s24;
	[sflag:s20] =	ssyncset.done $0x0  }
.Ltmp1:
0x5c: {  	s28 =	sor.u32 $0x2800, s28;
	[sflag:s20] =	ssyncadd.s32 $0xFFFFC000;
	(pc) =	sbr.rel @p0 .LBB2_4-.Ltmp1, $4  }
0x5d: {  	[tilespmem:s28], [sflag:$0x1] =	stream.indirect.gather [hbm4b:s4+s14], $0x80, s25, s14, $0xb8;
	[tilespmem:$0x1E400] =	vst v63  }
0x5e: {  	_ =	swait.ge [sflag:s19], $0x4000  }
0x5f: {  	s25 =	sadd.s32 $0x80, s25;
	[sflag:s19] =	ssyncset.done $0x0  }
0x60: {  	s26 =	sadd.s32 $0x80, s26;
	s28 =	sor.u32 $0x2800, s29;
	[sflag:s19] =	ssyncadd.s32 $0xFFFFC000  }
0x61: {  	[spmem:s2] =	stream.indirect.scatter.add.f32 [tilespmem:s28], [sflag:$0x2], $0x80, s23, s14, $0xb8;
	[tilespmem:$0x1E400] =	vst v63  }
0x62: {  	_ =	swait.ge [sflag:s20], $0x4000  }
0x63: {  	[sflag:s20] =	ssyncset.done $0x0  }
0x64: {  	[sflag:s20] =	ssyncadd.s32 $0xFFFFC000  }
0x65: {  	_ =	swait.ge [sflag:s19], $0x4000  }
0x66: {  	[sflag:s19] =	ssyncset.done $0x0  }
0x67: {  	[sflag:s19] =	ssyncadd.s32 $0xFFFFC000  }
0x68: {  	[spmem:s2] =	stream.indirect.scatter.add.f32 [tilespmem:s16], [sflag:$0x2], $0x80, s21, s14, $0xb8;
	[tilespmem:$0x1E400] =	vst v63  }
0x69: {  	_ =	swait.ge [sflag:s20], $0x4000  }
0x6a: {  	s22 =	sadd.s32 $0x1, s22;
	[sflag:s20] =	ssyncset.done $0x0  }
0x6b: {  	p0 =	sne.s32 s22, s10;
	[sflag:s20] =	ssyncadd.s32 $0xFFFFC000  }
.Ltmp2:
0x6c: {  	[bflag:$0x0] =	sbarrier.arrive $0xFFFF;
	(pc) =	sbr.rel @p0 .LBB2_1-.Ltmp2, $4  }
0x6d: {  	[hbm:s11], [sflag:s17] =	dma.local [spmem:s18], $0x2780  }
0x6e: {  	_ =	swait.ge [sflag:s12], $0x2780  }
0x6f: {  	[sflag:s12] =	ssyncset.done $0x0  }
0x70: {  	[sflag:s12] =	ssyncadd.s32 $0xFFFFD880  }
0x71: {  	_ =	sfence.sel $0x180000  }
0x72: {  	[bflag:$0x0] =	sbarrier.arrive $0xFFFF  }
0x73: {  	p0 =	sne.s32 s1, $0x0;
	_ =	strace $0x90000047  }
0x74: {  	s0 =	sadd.s32 @!p0 $0x100000, s0;
	[bflag:$0x2] =	sbarrier.arrive $0xFFFF  }
0x75: {  	[sflag:s0] =	ssyncadd.tile.s32 @!p0 $0x1;
	_ =	shalt  }
.Lfunc_end2:
_tile_overlayer_lowered:
.L_overlay_start_2:
0x76: {  	(tag) =	ssettag $0x2  }
0x77: {  	s0 =	rddreg [dreg:$0x0];
	s2 =	stileid.u32  }
0x78: {  	s1 =	rddreg [dreg:$0x1];
	p0 =	sne.s32 s2, $0x0  }
0x79: {  	s3 =	rddreg [dreg:$0x2];
	[bflag:$0x3] =	sbarrier.arrive $0xFFFF;
	s2 =	simm.s32 @!p0 $0x1C03  }
0x7a: {  	[timem:s3], [sflag:s2] =	dma.local @!p0 [hbm:s0], s1  }
0x7b: {  	s0 =	simm.s32 @!p0 $0x3  }
0x7c: {  	_ =	swait.ge @!p0 [sflag:s0], s1  }
0x7d: {  	s1 =	ssub.s32 @!p0 $0x0, s1;
	[sflag:s0] =	ssyncset.done @!p0 $0x0  }
0x7e: {  	[sflag:s0] =	ssyncadd.s32 @!p0 s1  }
0x7f: {  	[bflag:$0x3] =	sbarrier.arrive $0xFFFF  }
0x80: {  	_ =	shalt  }

</sc_bundles>
